<compile_context>
chip_gen: v7x
topology: tpu7x:2x2x1
jax: 0.10.2.dev20260603
libtpu: 0.0.44.dev20260713+nightly
codegen_flags: <defaults>
</compile_context>

<pallas_src>
import functools

import jax
import jax.numpy as jnp
from jax import lax
from jax.experimental import pallas as pl
from jax.experimental.pallas import tpu as pltpu
from jax.experimental.pallas import tpu_sc as plsc

N = 10000
E = 320000
D_FEAT = 128
D_EDGE = 16
EMB = 32
HID = 128

NC, NS, L = 2, 16, 16
NW = NC * NS
NP = 320
NPAD = NW * NP
GPAD = 10016
CE = 2000
LISTCAP = 12288
KB = 128
NBLK = E // KB

_SC_PARAMS = pltpu.CompilerParams(use_tc_tiling_on_sc=False,
                                  needs_layout_passes=False)


def _mesh():
    return plsc.VectorSubcoreMesh(core_axis_name="c", subcore_axis_name="s",
                                  num_cores=NC, num_subcores=NS)



def _node_proj_body(x_ref, w_ref, xa_ref, xb_ref):
    x = x_ref[...]
    w = w_ref[...]
    xa_ref[...] = jax.lax.dot_general(x, w[0:D_FEAT, :], (((1,), (0,)), ((), ())),
                                      preferred_element_type=jnp.float32)
    xb_ref[...] = jax.lax.dot_general(x, w[D_FEAT:2 * D_FEAT, :], (((1,), (0,)), ((), ())),
                                      preferred_element_type=jnp.float32)


def _node_proj(x, emb_W):
    blk = 1000
    return pl.pallas_call(
        _node_proj_body,
        grid=(N // blk,),
        in_specs=[pl.BlockSpec((blk, D_FEAT), lambda i: (i, 0)),
                  pl.BlockSpec((2 * D_FEAT + D_EDGE, EMB), lambda i: (0, 0))],
        out_specs=[pl.BlockSpec((blk, EMB), lambda i: (i, 0)),
                   pl.BlockSpec((blk, EMB), lambda i: (i, 0))],
        out_shape=[jax.ShapeDtypeStruct((N, EMB), jnp.float32),
                   jax.ShapeDtypeStruct((N, EMB), jnp.float32)],
    )(x, emb_W)


def _edge_proj_body(ea_ref, w_ref, b_ref, o_ref):
    w = w_ref[...]
    o_ref[...] = jax.lax.dot_general(
        ea_ref[...], w[2 * D_FEAT:, :], (((1,), (0,)), ((), ())),
        preferred_element_type=jnp.float32) + b_ref[...]


def _edge_proj(edge_attr, emb_W, emb_b):
    blk = 8000
    emb_b = emb_b.reshape(1, EMB)
    return pl.pallas_call(
        _edge_proj_body,
        grid=(E // blk,),
        in_specs=[pl.BlockSpec((blk, D_EDGE), lambda i: (i, 0)),
                  pl.BlockSpec((2 * D_FEAT + D_EDGE, EMB), lambda i: (0, 0)),
                  pl.BlockSpec((1, EMB), lambda i: (0, 0))],
        out_specs=pl.BlockSpec((blk, EMB), lambda i: (i, 0)),
        out_shape=jax.ShapeDtypeStruct((E, EMB), jnp.float32),
    )(edge_attr, emb_W, emb_b)


def _mid1_body(h_ref, deg_ref, dis_ref, g_ref):
    deg = deg_ref[...]
    dis = jnp.where(deg > 0, jax.lax.rsqrt(jnp.where(deg > 0, deg, 1.0)), 0.0)
    dis_ref[...] = dis
    g_ref[0:N, :] = dis * h_ref[...]
    g_ref[N:GPAD, :] = jnp.zeros((GPAD - N, EMB), jnp.float32)


def _mid1(h, deg):
    return pl.pallas_call(
        _mid1_body,
        out_shape=[jax.ShapeDtypeStruct((N, 1), jnp.float32),
                   jax.ShapeDtypeStruct((GPAD, EMB), jnp.float32)],
    )(h, deg)


def _layer_norm(p):
    mu = jnp.mean(p, axis=-1, keepdims=True)
    var = jnp.mean((p - mu) ** 2, axis=-1, keepdims=True)
    return (p - mu) / jnp.sqrt(var + 1e-5)


def _comb1_body(h_ref, p_ref, dis_ref, w0_ref, w1_ref, b_ref, h1_ref, g_ref):
    h = h_ref[...]
    dis = dis_ref[...]
    t1 = p_ref[0, 0:N, :] + p_ref[1, 0:N, :]
    pre = (jax.lax.dot_general(h, w0_ref[...], (((1,), (0,)), ((), ())),
                               preferred_element_type=jnp.float32)
           - dis * jax.lax.dot_general(t1, w1_ref[...], (((1,), (0,)), ((), ())),
                                       preferred_element_type=jnp.float32)
           + b_ref[...])
    h1 = jnp.maximum(_layer_norm(pre), 0.0)
    h1_ref[...] = h1
    g_ref[0:N, :] = dis * h1
    g_ref[N:GPAD, :] = jnp.zeros((GPAD - N, HID), jnp.float32)


def _comb1(h, p, dis, w0, w1, b):
    return pl.pallas_call(
        _comb1_body,
        out_shape=[jax.ShapeDtypeStruct((N, HID), jnp.float32),
                   jax.ShapeDtypeStruct((GPAD, HID), jnp.float32)],
    )(h, p, dis, w0, w1, b)


def _comb2_body(h1_ref, q_ref, dis_ref, w0_ref, w1_ref, b_ref, lw_ref, lb_ref, o_ref):
    h1 = h1_ref[...]
    dis = dis_ref[...]
    t2 = q_ref[0, 0:N, :] + q_ref[1, 0:N, :]
    pre = (jax.lax.dot_general(h1, w0_ref[...], (((1,), (0,)), ((), ())),
                               preferred_element_type=jnp.float32)
           - dis * jax.lax.dot_general(t2, w1_ref[...], (((1,), (0,)), ((), ())),
                                       preferred_element_type=jnp.float32)
           + b_ref[...])
    h2 = jnp.maximum(_layer_norm(pre), 0.0)
    o_ref[...] = jax.lax.dot_general(h2, lw_ref[...], (((1,), (0,)), ((), ())),
                                     preferred_element_type=jnp.float32) + lb_ref[...]


def _comb2(h1, q, dis, w0, w1, b, lw, lb):
    return pl.pallas_call(
        _comb2_body,
        out_shape=jax.ShapeDtypeStruct((N, 1), jnp.float32),
    )(h1, q, dis, w0, w1, b, lw, lb)



def _make_scA():
    @functools.partial(
        pl.kernel,
        out_type=[jax.ShapeDtypeStruct((NPAD * EMB,), jnp.float32),
                  jax.ShapeDtypeStruct((NPAD,), jnp.float32)],
        mesh=_mesh(),
        scratch_types=[
            pltpu.VMEM((CE,), jnp.int32),
            pltpu.VMEM((CE,), jnp.int32),
            pltpu.VMEM((LISTCAP,), jnp.int32),
            pltpu.VMEM((LISTCAP,), jnp.int32),
            pltpu.VMEM((LISTCAP,), jnp.int32),
            pltpu.VMEM((KB,), jnp.int32),
            pltpu.VMEM((KB,), jnp.int32),
            pltpu.VMEM((KB,), jnp.int32),
            pltpu.VMEM((KB, EMB), jnp.float32),
            pltpu.VMEM((KB, EMB), jnp.float32),
            pltpu.VMEM((KB, EMB), jnp.float32),
            pltpu.VMEM((NP * EMB,), jnp.float32),
            pltpu.VMEM((NP,), jnp.float32),
            pltpu.SemaphoreType.DMA,
        ],
        compiler_params=_SC_PARAMS,
    )
    def scA(xa_hbm, xb_hbm, eap_hbm, dst_hbm, src_hbm, h_hbm, deg_hbm,
            dchunk, schunk, idlist, dstlist, srclist, ibuf, dbuf, sbuf,
            bufa, bufb, bufe, acc, degacc, sem):
        wid = lax.axis_index("s") * NC + lax.axis_index("c")
        lo = wid * NP
        hi = lo + NP
        iota = lax.iota(jnp.int32, L)
        ones = jnp.ones((L,), jnp.float32)

        def zacc(i, _):
            acc[pl.ds(i * L, L)] = jnp.zeros((L,), jnp.float32)
            return 0
        lax.fori_loop(0, NP * EMB // L, zacc, 0)

        def zdeg(i, _):
            degacc[pl.ds(i * L, L)] = jnp.zeros((L,), jnp.float32)
            return 0
        lax.fori_loop(0, NP // L, zdeg, 0)

        def zlist(i, _):
            z = jnp.zeros((L,), jnp.int32)
            idlist[pl.ds(i * L, L)] = z
            dstlist[pl.ds(i * L, L)] = z
            srclist[pl.ds(i * L, L)] = z
            return 0
        lax.fori_loop(0, LISTCAP // L, zlist, 0)

        def chunk(c, off):
            pltpu.sync_copy(dst_hbm.at[pl.ds(c * CE, CE)], dchunk)
            pltpu.sync_copy(src_hbm.at[pl.ds(c * CE, CE)], schunk)

            def vreg(j, off):
                d = dchunk[pl.ds(j * L, L)]
                s = schunk[pl.ds(j * L, L)]
                mask_s = (s >= lo) & (s < hi) & (s != d)
                cnt_s = plsc.all_reduce_population_count(mask_s)[0]

                @pl.when(cnt_s > 0)
                def _():
                    sidx = jnp.where(mask_s, s - lo, 0)
                    plsc.addupdate_scatter(degacc, [sidx], ones, mask=mask_s)

                mask_d = (d >= lo) & (d < hi)
                cnt_d = plsc.all_reduce_population_count(mask_d)[0]

                @pl.when(cnt_d > 0)
                def _():
                    pos = plsc.cumsum(mask_d.astype(jnp.int32)) - 1 + off
                    pos = jnp.clip(pos, 0, LISTCAP - 1)
                    eid = c * CE + j * L + iota
                    plsc.store_scatter(idlist, [pos], eid, mask=mask_d)
                    plsc.store_scatter(dstlist, [pos], d, mask=mask_d)
                    plsc.store_scatter(srclist, [pos], s, mask=mask_d)

                return jnp.minimum(off + cnt_d, LISTCAP)

            return lax.fori_loop(0, CE // L, vreg, off)

        off = lax.fori_loop(0, E // CE, chunk, jnp.int32(0))

        def blk(b, _):
            def cpy(j, _):
                ibuf[pl.ds(j * L, L)] = idlist[pl.ds(b * KB + j * L, L)]
                dbuf[pl.ds(j * L, L)] = dstlist[pl.ds(b * KB + j * L, L)]
                sbuf[pl.ds(j * L, L)] = srclist[pl.ds(b * KB + j * L, L)]
                return 0
            lax.fori_loop(0, KB // L, cpy, 0)
            c1 = pltpu.async_copy(xa_hbm.at[dbuf], bufa, sem)
            c2 = pltpu.async_copy(xb_hbm.at[sbuf], bufb, sem)
            c3 = pltpu.async_copy(eap_hbm.at[ibuf], bufe, sem)
            c1.wait()
            c2.wait()
            c3.wait()
            cnt = jnp.minimum(off - b * KB, KB)

            def edge(i, _):
                r = plsc.load_gather(dbuf, [jnp.full((L,), i, jnp.int32)])[0] - lo
                z0 = bufa[i, pl.ds(0, L)] + bufb[i, pl.ds(0, L)] + bufe[i, pl.ds(0, L)]
                z1 = bufa[i, pl.ds(L, L)] + bufb[i, pl.ds(L, L)] + bufe[i, pl.ds(L, L)]
                a0 = acc[pl.ds(r * EMB, L)]
                a1 = acc[pl.ds(r * EMB + L, L)]
                acc[pl.ds(r * EMB, L)] = jnp.maximum(a0, z0)
                acc[pl.ds(r * EMB + L, L)] = jnp.maximum(a1, z1)
                return 0

            lax.fori_loop(0, cnt, edge, 0)
            return 0

        nb = (off + KB - 1) // KB
        lax.fori_loop(0, nb, blk, 0)

        pltpu.sync_copy(acc, h_hbm.at[pl.ds(lo * EMB, NP * EMB)])
        pltpu.sync_copy(degacc, deg_hbm.at[pl.ds(lo, NP)])

    return scA



def _make_segsum(D):
    @functools.partial(
        pl.kernel,
        out_type=jax.ShapeDtypeStruct((NC, NPAD, D), jnp.float32),
        mesh=_mesh(),
        scratch_types=[
            pltpu.VMEM((KB,), jnp.int32),
            pltpu.VMEM((KB,), jnp.int32),
            pltpu.VMEM((KB, D), jnp.float32),
            pltpu.VMEM_SHARED((NPAD, D), jnp.float32),
            pltpu.SemaphoreType.DMA,
        ],
        compiler_params=_SC_PARAMS,
    )
    def segsum(g_hbm, src_hbm, dst_hbm, out_hbm, sbuf, dbuf, rows, acc_sh, sem):
        cid = lax.axis_index("c")
        sid = lax.axis_index("s")
        wid = sid * NC + cid

        def zrow(i, _):
            def zc(k, _):
                rows[i, pl.ds(k * L, L)] = jnp.zeros((L,), jnp.float32)
                return 0
            lax.fori_loop(0, D // L, zc, 0)
            return 0
        lax.fori_loop(0, KB, zrow, 0)

        rpt = NPAD // NS

        def zsp(i, _):
            pltpu.sync_copy(rows, acc_sh.at[pl.ds(sid * rpt + i * KB, KB)])
            return 0
        lax.fori_loop(0, rpt // KB, zsp, 0)
        plsc.subcore_barrier()

        nb = (NBLK - wid + NW - 1) // NW

        def blk(k, _):
            b = wid + k * NW
            pltpu.sync_copy(src_hbm.at[pl.ds(b * KB, KB)], sbuf)
            pltpu.sync_copy(dst_hbm.at[pl.ds(b * KB, KB)], dbuf)

            def remap(j, _):
                s = sbuf[pl.ds(j * L, L)]
                d = dbuf[pl.ds(j * L, L)]
                sbuf[pl.ds(j * L, L)] = jnp.where(s == d, jnp.int32(N), s)
                return 0
            lax.fori_loop(0, KB // L, remap, 0)

            pltpu.async_copy(g_hbm.at[sbuf], rows, sem).wait()
            pltpu.sync_copy(rows, acc_sh.at[dbuf], add=True)
            return 0

        lax.fori_loop(0, nb, blk, 0)
        plsc.subcore_barrier()

        def dump(i, _):
            r0 = sid * rpt + i * KB
            pltpu.sync_copy(acc_sh.at[pl.ds(r0, KB)], rows)
            pltpu.sync_copy(rows, out_hbm.at[cid, pl.ds(r0, KB)])
            return 0
        lax.fori_loop(0, rpt // KB, dump, 0)

    return segsum



def kernel(x, edge_index, edge_attr, emb_W, emb_b, c1_W0, c1_W1, c1_b,
           c2_W0, c2_W1, c2_b, lin_W, lin_b):
    src = edge_index[0]
    dst = edge_index[1]

    xa, xb = _node_proj(x, emb_W)
    eap = _edge_proj(edge_attr, emb_W, emb_b)

    hflat, deg = _make_scA()(xa, xb, eap, dst, src)
    h = hflat.reshape(NPAD, EMB)[:N]
    dis, g1p = _mid1(h, deg[:N].reshape(N, 1))

    p = _make_segsum(EMB)(g1p, src, dst)
    h1, g2p = _comb1(h, p, dis, c1_W0, c1_W1, c1_b)

    q = _make_segsum(HID)(g2p, src, dst)
    out = _comb2(h1, q, dis, c2_W0, c2_W1, c2_b, lin_W, lin_b)
    return out[:, 0]

# --- scband reference (transcript-rebuilt; emitter-appended) ---
"""Pipeline reference for scband-gnn-cheb-conv-687194767836 (READ-ONLY COPY).

The authoritative reference and input builder live on the scoring server;
editing this copy changes nothing except your own understanding.
"""

import jax, jax.numpy as jnp
import numpy as np

N = 10000
E = 320000
D_FEAT = 128
D_EDGE = 16
EMB = 32
HID = 128


def _layer_norm(h, eps=1e-5):
    mu = jnp.mean(h, axis=-1, keepdims=True)
    var = jnp.var(h, axis=-1, keepdims=True)
    return (h - mu) / jnp.sqrt(var + eps)


def setup_inputs(seed: int = 0) -> dict:
    key = jax.random.key(seed)
    ks = jax.random.split(key, 16)
    x = jax.random.normal(ks[0], (N, D_FEAT), dtype=jnp.float32)
    edge_index = jax.random.randint(ks[1], (2, E), 0, N, dtype=jnp.int32)
    edge_attr = jax.random.normal(ks[2], (E, D_EDGE), dtype=jnp.float32)
    # GraphEmbed nn: Linear(2*128+16 -> 32)
    emb_W = jax.random.normal(ks[3], (2 * D_FEAT + D_EDGE, EMB), dtype=jnp.float32) * (1.0 / np.sqrt(2 * D_FEAT + D_EDGE))
    emb_b = jax.random.normal(ks[4], (EMB,), dtype=jnp.float32) * 0.02
    # ChebConv layer 1: K=2, in=32, out=128 (two bias-free linears + bias)
    c1_W0 = jax.random.normal(ks[5], (EMB, HID), dtype=jnp.float32) * (1.0 / np.sqrt(EMB))
    c1_W1 = jax.random.normal(ks[6], (EMB, HID), dtype=jnp.float32) * (1.0 / np.sqrt(EMB))
    c1_b = jax.random.normal(ks[7], (HID,), dtype=jnp.float32) * 0.02
    # ChebConv layer 2: K=2, in=128, out=128
    c2_W0 = jax.random.normal(ks[8], (HID, HID), dtype=jnp.float32) * (1.0 / np.sqrt(HID))
    c2_W1 = jax.random.normal(ks[9], (HID, HID), dtype=jnp.float32) * (1.0 / np.sqrt(HID))
    c2_b = jax.random.normal(ks[10], (HID,), dtype=jnp.float32) * 0.02
    # final Linear(128 -> 1)
    lin_W = jax.random.normal(ks[11], (HID, 1), dtype=jnp.float32) * (1.0 / np.sqrt(HID))
    lin_b = jax.random.normal(ks[12], (1,), dtype=jnp.float32) * 0.02
    return {"x": x, "edge_index": edge_index, "edge_attr": edge_attr,
            "emb_W": emb_W, "emb_b": emb_b,
            "c1_W0": c1_W0, "c1_W1": c1_W1, "c1_b": c1_b,
            "c2_W0": c2_W0, "c2_W1": c2_W1, "c2_b": c2_b,
            "lin_W": lin_W, "lin_b": lin_b}


def _cheb_conv(h, src, dst, norm, W0, W1, b):
    # K=2, normalization='sym', lambda_max=2.0 => L_hat = -D^{-1/2} A D^{-1/2}
    Tx0 = h
    Tx1 = jax.ops.segment_sum(norm[:, None] * h[src], dst, num_segments=N)
    return Tx0 @ W0 + Tx1 @ W1 + b


def reference(x, edge_index, edge_attr, emb_W, emb_b, c1_W0, c1_W1, c1_b,
              c2_W0, c2_W1, c2_b, lin_W, lin_b):
    src = edge_index[0]
    dst = edge_index[1]
    # ---- GraphEmbed: message = ReLU(Linear(cat[x_i, x_j, edge_attr])), aggr='max' at dst
    z = jnp.concatenate([x[dst], x[src], edge_attr], axis=-1)
    m = jax.nn.relu(z @ emb_W + emb_b)
    h = jax.ops.segment_max(m, dst, num_segments=N)
    h = jnp.where(jnp.isneginf(h), 0.0, h)  # empty segments -> 0 (PyG fill)
    # ---- ChebConv sym normalization (self loops removed; diagonal cancels for lambda_max=2)
    w = jnp.where(src != dst, 1.0, 0.0).astype(jnp.float32)
    deg = jax.ops.segment_sum(w, src, num_segments=N)
    dis = jnp.where(deg > 0, 1.0 / jnp.sqrt(jnp.where(deg > 0, deg, 1.0)), 0.0)
    norm = -dis[src] * w * dis[dst]
    # layer 1
    h = _cheb_conv(h, src, dst, norm, c1_W0, c1_W1, c1_b)
    h = _layer_norm(h)
    h = jax.nn.relu(h)
    # layer 2
    h = _cheb_conv(h, src, dst, norm, c2_W0, c2_W1, c2_b)
    h = _layer_norm(h)
    h = jax.nn.relu(h)
    out = (h @ lin_W + lin_b)[:, 0]
    return out

if __name__ == "__main__":
    import jax
    _d = setup_inputs()
    print(jax.jit(kernel)(*tuple(_d.values())))

</pallas_src>

<mosaic_0001>
#map = affine_map<(d0, d1) -> (0, 0)>
#map1 = affine_map<(d0, d1) -> (0)>
#map2 = affine_map<(d0, d1) -> (0, 0, 0)>
module attributes {stable_mosaic.version = 14 : i64} {
  func.func @segsum(%arg0: i32, %arg1: i32, %arg2: memref<10016x32xf32, #tpu.memory_space<hbm>>, %arg3: memref<320000xi32, #tpu.memory_space<hbm>>, %arg4: memref<320000xi32, #tpu.memory_space<hbm>>, %arg5: memref<2x10240x32xf32, #tpu.memory_space<hbm>>, %arg6: memref<128xi32, #tpu.memory_space<vmem>>, %arg7: memref<128xi32, #tpu.memory_space<vmem>>, %arg8: memref<128x32xf32, #tpu.memory_space<vmem>>, %arg9: memref<10240x32xf32, #tpu.memory_space<vmem_shared>>, %arg10: memref<!tpu.dma_semaphore, #tpu.memory_space<semaphore_mem>>) attributes {dimension_semantics = [#tpu.dimension_semantics<core_parallel>, #tpu.dimension_semantics<subcore_parallel>], iteration_bounds = array<i64: 2, 16>, scalar_prefetch = 0 : i64, scratch_operands = 5 : i64, tpu.core_type = #tpu.core_type<sc_vector_subcore>, window_params = [{transform_indices = #map}, {transform_indices = #map1}, {transform_indices = #map1}, {transform_indices = #map2}]} {
    %mul3A = arith.constant 2 : i32
    %mul3A_0 = arith.muli %arg1, %mul3A : i32
    %add3A = arith.addi %mul3A_0, %arg0 : i32
    %scan3A = arith.constant 0 : i32
    %scan3A_1 = arith.constant 0 : i32
    %scan3A_2 = arith.constant 128 : i32
    %scan3A_3 = arith.addi %scan3A_1, %scan3A_2 : i32
    %scan3A_4 = arith.constant 1 : i32
    %scan3A_5 = scf.for %scan3A_55 = %scan3A_1 to %scan3A_3 step %scan3A_4 iter_args(%scan3A_56 = %scan3A) -> (i32)  : i32 {
      %scan3A_57 = arith.constant 0 : i32
      %scan3A_58 = arith.constant 0 : i32
      %scan3A_59 = arith.constant 2 : i32
      %scan3A_60 = arith.addi %scan3A_58, %scan3A_59 : i32
      %scan3A_61 = arith.constant 1 : i32
      %scan3A_62 = scf.for %scan3A_65 = %scan3A_58 to %scan3A_60 step %scan3A_61 iter_args(%scan3A_66 = %scan3A_57) -> (i32)  : i32 {
        %broadcast_in_dim3A = arith.constant 0.000000e+00 : f32
        %broadcast_in_dim3A_67 = vector.broadcast %broadcast_in_dim3A : f32 to vector<16xf32>
        %mul3A_68 = arith.constant 16 : i32
        %mul3A_69 = arith.muli %scan3A_65, %mul3A_68 : i32
        %swap3A = arith.index_cast %scan3A_55 : i32 to index
        %swap3A_70 = arith.index_cast %mul3A_69 : i32 to index
        %swap3A_71 = tpu.vector_load %arg8[%swap3A, %swap3A_70] {strides = array<i32>} : memref<128x32xf32, #tpu.memory_space<vmem>>, vector<16xf32>,
        tpu.vector_store %arg8[%swap3A, %swap3A_70], %broadcast_in_dim3A_67 {strides = array<i32>} : memref<128x32xf32, #tpu.memory_space<vmem>>, vector<16xf32>,
        %scan3A_72 = arith.constant 0 : i32
        scf.yield %scan3A_72 : i32
      }
      %scan3A_63 = arith.constant 2 : i32
      %scan3A_64 = arith.constant 0 : i32
      scf.yield %scan3A_64 : i32
    }
    %scan3A_6 = arith.constant 128 : i32
    %scan3A_7 = arith.constant 0 : i32
    %scan3A_8 = arith.constant 0 : i32
    %scan3A_9 = arith.constant 5 : i32
    %scan3A_10 = arith.addi %scan3A_8, %scan3A_9 : i32
    %scan3A_11 = arith.constant 1 : i32
    %scan3A_12 = scf.for %scan3A_55 = %scan3A_8 to %scan3A_10 step %scan3A_11 iter_args(%scan3A_56 = %scan3A_7) -> (i32)  : i32 {
      %mul3A_57 = arith.constant 640 : i32
      %mul3A_58 = arith.muli %arg1, %mul3A_57 : i32
      %mul3A_59 = arith.constant 128 : i32
      %mul3A_60 = arith.muli %scan3A_55, %mul3A_59 : i32
      %add3A_61 = arith.addi %mul3A_58, %mul3A_60 : i32
      "tpu.region"() ({
        %run_scoped3A = tpu.sem_alloc : memref<!tpu.dma_semaphore, #tpu.memory_space<semaphore_mem>>
        %dma_start3A = arith.constant 0 : i32
        %dma_start3A_63 = tpu.memref_slice %arg9[%add3A_61, %dma_start3A] : memref<10240x32xf32, #tpu.memory_space<vmem_shared>> -> memref<128x32xf32, #tpu.memory_space<vmem_shared>>
        %dma_start3A_64 = arith.constant 0 : i32
        %dma_start3A_65 = tpu.memref_slice %arg9[%add3A_61, %dma_start3A_64] : memref<10240x32xf32, #tpu.memory_space<vmem_shared>> -> memref<128x32xf32, #tpu.memory_space<vmem_shared>>
        tpu.enqueue_dma source(%arg8 : memref<128x32xf32, #tpu.memory_space<vmem>>) target(%dma_start3A_65 : memref<128x32xf32, #tpu.memory_space<vmem_shared>>) target_semaphore(%run_scoped3A : memref<!tpu.dma_semaphore, #tpu.memory_space<semaphore_mem>>)
        %dma_wait3A = arith.constant 0 : i32
        %dma_wait3A_66 = tpu.memref_slice %arg9[%add3A_61, %dma_wait3A] : memref<10240x32xf32, #tpu.memory_space<vmem_shared>> -> memref<128x32xf32, #tpu.memory_space<vmem_shared>>
        %dma_wait3A_67 = arith.constant 0 : i32
        %dma_wait3A_68 = tpu.memref_slice %arg9[%add3A_61, %dma_wait3A_67] : memref<10240x32xf32, #tpu.memory_space<vmem_shared>> -> memref<128x32xf32, #tpu.memory_space<vmem_shared>>
        tpu.wait_dma2 semaphore(%run_scoped3A : memref<!tpu.dma_semaphore, #tpu.memory_space<semaphore_mem>>) src(%arg8 : memref<128x32xf32, #tpu.memory_space<vmem>>) dst(%dma_wait3A_68 : memref<128x32xf32, #tpu.memory_space<vmem_shared>>)
        tpu.yield
      }) : () -> ()
      %scan3A_62 = arith.constant 0 : i32
      scf.yield %scan3A_62 : i32
    }
    %scan3A_13 = arith.constant 5 : i32
    %barrier3A = arith.constant 0 : index
    tpu.barrier barrier_id(%barrier3A)
    %sub3A = arith.constant 2500 : i32
    %sub3A_14 = arith.subi %sub3A, %add3A : i32
    %add3A_15 = arith.constant 32 : i32
    %add3A_16 = arith.addi %sub3A_14, %add3A_15 : i32
    %sub3A_17 = arith.constant 1 : i32
    %sub3A_18 = arith.subi %add3A_16, %sub3A_17 : i32
    %jit3A = arith.constant 32 : i32
    %div3A = arith.divsi %sub3A_18, %jit3A : i32
    %sign3A = arith.constant 0 : i32
    %sign3A_19 = arith.cmpi sgt, %sub3A_18, %sign3A : i32
    %sign3A_20 = arith.extui %sign3A_19 : i1 to i32
    %sign3A_21 = arith.constant 0 : i32
    %sign3A_22 = arith.cmpi slt, %sub3A_18, %sign3A_21 : i32
    %sign3A_23 = arith.extui %sign3A_22 : i1 to i32
    %sign3A_24 = arith.subi %sign3A_20, %sign3A_23 : i32
    %sign3A_25 = arith.constant 0 : i32
    %sign3A_26 = arith.cmpi sgt, %jit3A, %sign3A_25 : i32
    %sign3A_27 = arith.extui %sign3A_26 : i1 to i32
    %sign3A_28 = arith.constant 0 : i32
    %sign3A_29 = arith.cmpi slt, %jit3A, %sign3A_28 : i32
    %sign3A_30 = arith.extui %sign3A_29 : i1 to i32
    %sign3A_31 = arith.subi %sign3A_27, %sign3A_30 : i32
    %ne3A = arith.cmpi ne, %sign3A_24, %sign3A_31 : i32
    %rem3A = arith.remsi %sub3A_18, %jit3A : i32
    %ne3A_32 = arith.constant 0 : i32
    %ne3A_33 = arith.cmpi ne, %rem3A, %ne3A_32 : i32
    %and3A = arith.andi %ne3A, %ne3A_33 : i1
    %sub3A_34 = arith.constant 1 : i32
    %sub3A_35 = arith.subi %div3A, %sub3A_34 : i32
    %select_n3A = arith.select %and3A, %sub3A_35, %div3A : i32
    %while3A = arith.constant 0 : i32
    %while3A_36 = arith.constant 0 : i32
    %while3A_37 = arith.subi %select_n3A, %while3A : i32
    %while3A_38 = arith.addi %while3A, %while3A_37 : i32
    %while3A_39 = arith.constant 1 : i32
    %while3A_40 = arith.divsi %while3A_37, %while3A_39 : i32
    %while3A_41 = arith.muli %while3A_40, %while3A_39 : i32
    %while3A_42 = arith.addi %while3A, %while3A_41 : i32
    %while3A_43 = arith.constant 1 : i32
    %while3A_44 = scf.for %while3A_55 = %while3A to %while3A_42 step %while3A_43 iter_args(%while3A_56 = %while3A_36) -> (i32)  : i32 {
      %mul3A_57 = arith.constant 32 : i32
      %mul3A_58 = arith.muli %while3A_55, %mul3A_57 : i32
      %add3A_59 = arith.addi %add3A, %mul3A_58 : i32
      %mul3A_60 = arith.constant 128 : i32
      %mul3A_61 = arith.muli %add3A_59, %mul3A_60 : i32
      "tpu.region"() ({
        %run_scoped3A = tpu.sem_alloc : memref<!tpu.dma_semaphore, #tpu.memory_space<semaphore_mem>>
        %dma_start3A_76 = tpu.memref_slice %arg3[%mul3A_61] : memref<320000xi32, #tpu.memory_space<hbm>> -> memref<128xi32, #tpu.memory_space<hbm>>
        %dma_start3A_77 = tpu.memref_slice %arg3[%mul3A_61] : memref<320000xi32, #tpu.memory_space<hbm>> -> memref<128xi32, #tpu.memory_space<hbm>>
        tpu.enqueue_dma source(%dma_start3A_77 : memref<128xi32, #tpu.memory_space<hbm>>) target(%arg6 : memref<128xi32, #tpu.memory_space<vmem>>) target_semaphore(%run_scoped3A : memref<!tpu.dma_semaphore, #tpu.memory_space<semaphore_mem>>)
        %dma_wait3A_78 = tpu.memref_slice %arg3[%mul3A_61] : memref<320000xi32, #tpu.memory_space<hbm>> -> memref<128xi32, #tpu.memory_space<hbm>>
        %dma_wait3A_79 = tpu.memref_slice %arg3[%mul3A_61] : memref<320000xi32, #tpu.memory_space<hbm>> -> memref<128xi32, #tpu.memory_space<hbm>>
        tpu.wait_dma2 semaphore(%run_scoped3A : memref<!tpu.dma_semaphore, #tpu.memory_space<semaphore_mem>>) src(%dma_wait3A_79 : memref<128xi32, #tpu.memory_space<hbm>>) dst(%arg6 : memref<128xi32, #tpu.memory_space<vmem>>)
        tpu.yield
      }) : () -> ()
      %mul3A_62 = arith.constant 128 : i32
      %mul3A_63 = arith.muli %add3A_59, %mul3A_62 : i32
      "tpu.region"() ({
        %run_scoped3A = tpu.sem_alloc : memref<!tpu.dma_semaphore, #tpu.memory_space<semaphore_mem>>
        %dma_start3A_76 = tpu.memref_slice %arg4[%mul3A_63] : memref<320000xi32, #tpu.memory_space<hbm>> -> memref<128xi32, #tpu.memory_space<hbm>>
        %dma_start3A_77 = tpu.memref_slice %arg4[%mul3A_63] : memref<320000xi32, #tpu.memory_space<hbm>> -> memref<128xi32, #tpu.memory_space<hbm>>
        tpu.enqueue_dma source(%dma_start3A_77 : memref<128xi32, #tpu.memory_space<hbm>>) target(%arg7 : memref<128xi32, #tpu.memory_space<vmem>>) target_semaphore(%run_scoped3A : memref<!tpu.dma_semaphore, #tpu.memory_space<semaphore_mem>>)
        %dma_wait3A_78 = tpu.memref_slice %arg4[%mul3A_63] : memref<320000xi32, #tpu.memory_space<hbm>> -> memref<128xi32, #tpu.memory_space<hbm>>
        %dma_wait3A_79 = tpu.memref_slice %arg4[%mul3A_63] : memref<320000xi32, #tpu.memory_space<hbm>> -> memref<128xi32, #tpu.memory_space<hbm>>
        tpu.wait_dma2 semaphore(%run_scoped3A : memref<!tpu.dma_semaphore, #tpu.memory_space<semaphore_mem>>) src(%dma_wait3A_79 : memref<128xi32, #tpu.memory_space<hbm>>) dst(%arg7 : memref<128xi32, #tpu.memory_space<vmem>>)
        tpu.yield
      }) : () -> ()
      %scan3A_64 = arith.constant 0 : i32
      %scan3A_65 = arith.constant 0 : i32
      %scan3A_66 = arith.constant 8 : i32
      %scan3A_67 = arith.addi %scan3A_65, %scan3A_66 : i32
      %scan3A_68 = arith.constant 1 : i32
      %scan3A_69 = scf.for %scan3A_76 = %scan3A_65 to %scan3A_67 step %scan3A_68 iter_args(%scan3A_77 = %scan3A_64) -> (i32)  : i32 {
        %mul3A_78 = arith.constant 16 : i32
        %mul3A_79 = arith.muli %scan3A_76, %mul3A_78 : i32
        %get3A = arith.index_cast %mul3A_79 : i32 to index
        %get3A_80 = tpu.vector_load %arg6[%get3A] {strides = array<i32>} : memref<128xi32, #tpu.memory_space<vmem>>, vector<16xi32>,
        %mul3A_81 = arith.constant 16 : i32
        %mul3A_82 = arith.muli %scan3A_76, %mul3A_81 : i32
        %get3A_83 = arith.index_cast %mul3A_82 : i32 to index
        %get3A_84 = tpu.vector_load %arg7[%get3A_83] {strides = array<i32>} : memref<128xi32, #tpu.memory_space<vmem>>, vector<16xi32>,
        %eq3A = arith.cmpi eq, %get3A_80, %get3A_84 : vector<16xi32>
        %jit3A_85 = arith.constant 10000 : i32
        %broadcast_in_dim3A = vector.broadcast %jit3A_85 : i32 to vector<16xi32>
        %select_n3A_86 = arith.select %eq3A, %broadcast_in_dim3A, %get3A_80 : vector<16xi1>, vector<16xi32>
        %mul3A_87 = arith.constant 16 : i32
        %mul3A_88 = arith.muli %scan3A_76, %mul3A_87 : i32
        %swap3A = arith.index_cast %mul3A_88 : i32 to index
        %swap3A_89 = tpu.vector_load %arg6[%swap3A] {strides = array<i32>} : memref<128xi32, #tpu.memory_space<vmem>>, vector<16xi32>,
        tpu.vector_store %arg6[%swap3A], %select_n3A_86 {strides = array<i32>} : memref<128xi32, #tpu.memory_space<vmem>>, vector<16xi32>,
        %scan3A_90 = arith.constant 0 : i32
        scf.yield %scan3A_90 : i32
      }
      %scan3A_70 = arith.constant 8 : i32
      %dma_start3A = arith.constant 0 : i32
      %dma_start3A_71 = arith.constant 0 : i32
      %dma_start3A_72 = tpu.memref_slice %arg2[%dma_start3A, %dma_start3A_71] : memref<10016x32xf32, #tpu.memory_space<hbm>> -> memref<10016x32xf32, #tpu.memory_space<hbm>>
      tpu.enqueue_indirect_dma source(%dma_start3A_72 : memref<10016x32xf32, #tpu.memory_space<hbm>>) target(%arg8 : memref<128x32xf32, #tpu.memory_space<vmem>>) offsets(%arg6 : memref<128xi32, #tpu.memory_space<vmem>>) semaphore(%arg10 : memref<!tpu.dma_semaphore, #tpu.memory_space<semaphore_mem>>)
      %dma_wait3A = arith.constant 0 : i32
      %dma_wait3A_73 = arith.constant 0 : i32
      %dma_wait3A_74 = tpu.memref_slice %arg2[%dma_wait3A, %dma_wait3A_73] : memref<10016x32xf32, #tpu.memory_space<hbm>> -> memref<10016x32xf32, #tpu.memory_space<hbm>>
      tpu.wait_indirect_dma semaphore(%arg10 : memref<!tpu.dma_semaphore, #tpu.memory_space<semaphore_mem>>) src(%dma_wait3A_74 : memref<10016x32xf32, #tpu.memory_space<hbm>>) dst(%arg8 : memref<128x32xf32, #tpu.memory_space<vmem>>)
      "tpu.region"() ({
        %run_scoped3A = tpu.sem_alloc : memref<!tpu.dma_semaphore, #tpu.memory_space<semaphore_mem>>
        %dma_start3A_76 = arith.constant 0 : i32
        %dma_start3A_77 = arith.constant 0 : i32
        %dma_start3A_78 = tpu.memref_slice %arg9[%dma_start3A_76, %dma_start3A_77] : memref<10240x32xf32, #tpu.memory_space<vmem_shared>> -> memref<10240x32xf32, #tpu.memory_space<vmem_shared>>
        tpu.enqueue_indirect_dma source(%arg8 : memref<128x32xf32, #tpu.memory_space<vmem>>) target(%dma_start3A_78 : memref<10240x32xf32, #tpu.memory_space<vmem_shared>>) offsets(%arg7 : memref<128xi32, #tpu.memory_space<vmem>>) semaphore(%run_scoped3A : memref<!tpu.dma_semaphore, #tpu.memory_space<semaphore_mem>>) {add = true}
        %dma_wait3A_79 = arith.constant 0 : i32
        %dma_wait3A_80 = arith.constant 0 : i32
        %dma_wait3A_81 = tpu.memref_slice %arg9[%dma_wait3A_79, %dma_wait3A_80] : memref<10240x32xf32, #tpu.memory_space<vmem_shared>> -> memref<10240x32xf32, #tpu.memory_space<vmem_shared>>
        tpu.wait_indirect_dma semaphore(%run_scoped3A : memref<!tpu.dma_semaphore, #tpu.memory_space<semaphore_mem>>) src(%arg8 : memref<128x32xf32, #tpu.memory_space<vmem>>) dst(%dma_wait3A_81 : memref<10240x32xf32, #tpu.memory_space<vmem_shared>>)
        tpu.yield
      }) : () -> ()
      %while3A_75 = arith.constant 0 : i32
      scf.yield %while3A_75 : i32
    }
    %while3A_45 = arith.constant 1 : i32
    %while3A_46 = scf.for %while3A_55 = %while3A_42 to %while3A_38 step %while3A_45 iter_args(%while3A_56 = %while3A_44) -> (i32)  : i32 {
      %mul3A_57 = arith.constant 32 : i32
      %mul3A_58 = arith.muli %while3A_55, %mul3A_57 : i32
      %add3A_59 = arith.addi %add3A, %mul3A_58 : i32
      %mul3A_60 = arith.constant 128 : i32
      %mul3A_61 = arith.muli %add3A_59, %mul3A_60 : i32
      "tpu.region"() ({
        %run_scoped3A = tpu.sem_alloc : memref<!tpu.dma_semaphore, #tpu.memory_space<semaphore_mem>>
        %dma_start3A_76 = tpu.memref_slice %arg3[%mul3A_61] : memref<320000xi32, #tpu.memory_space<hbm>> -> memref<128xi32, #tpu.memory_space<hbm>>
        %dma_start3A_77 = tpu.memref_slice %arg3[%mul3A_61] : memref<320000xi32, #tpu.memory_space<hbm>> -> memref<128xi32, #tpu.memory_space<hbm>>
        tpu.enqueue_dma source(%dma_start3A_77 : memref<128xi32, #tpu.memory_space<hbm>>) target(%arg6 : memref<128xi32, #tpu.memory_space<vmem>>) target_semaphore(%run_scoped3A : memref<!tpu.dma_semaphore, #tpu.memory_space<semaphore_mem>>)
        %dma_wait3A_78 = tpu.memref_slice %arg3[%mul3A_61] : memref<320000xi32, #tpu.memory_space<hbm>> -> memref<128xi32, #tpu.memory_space<hbm>>
        %dma_wait3A_79 = tpu.memref_slice %arg3[%mul3A_61] : memref<320000xi32, #tpu.memory_space<hbm>> -> memref<128xi32, #tpu.memory_space<hbm>>
        tpu.wait_dma2 semaphore(%run_scoped3A : memref<!tpu.dma_semaphore, #tpu.memory_space<semaphore_mem>>) src(%dma_wait3A_79 : memref<128xi32, #tpu.memory_space<hbm>>) dst(%arg6 : memref<128xi32, #tpu.memory_space<vmem>>)
        tpu.yield
      }) : () -> ()
      %mul3A_62 = arith.constant 128 : i32
      %mul3A_63 = arith.muli %add3A_59, %mul3A_62 : i32
      "tpu.region"() ({
        %run_scoped3A = tpu.sem_alloc : memref<!tpu.dma_semaphore, #tpu.memory_space<semaphore_mem>>
        %dma_start3A_76 = tpu.memref_slice %arg4[%mul3A_63] : memref<320000xi32, #tpu.memory_space<hbm>> -> memref<128xi32, #tpu.memory_space<hbm>>
        %dma_start3A_77 = tpu.memref_slice %arg4[%mul3A_63] : memref<320000xi32, #tpu.memory_space<hbm>> -> memref<128xi32, #tpu.memory_space<hbm>>
        tpu.enqueue_dma source(%dma_start3A_77 : memref<128xi32, #tpu.memory_space<hbm>>) target(%arg7 : memref<128xi32, #tpu.memory_space<vmem>>) target_semaphore(%run_scoped3A : memref<!tpu.dma_semaphore, #tpu.memory_space<semaphore_mem>>)
        %dma_wait3A_78 = tpu.memref_slice %arg4[%mul3A_63] : memref<320000xi32, #tpu.memory_space<hbm>> -> memref<128xi32, #tpu.memory_space<hbm>>
        %dma_wait3A_79 = tpu.memref_slice %arg4[%mul3A_63] : memref<320000xi32, #tpu.memory_space<hbm>> -> memref<128xi32, #tpu.memory_space<hbm>>
        tpu.wait_dma2 semaphore(%run_scoped3A : memref<!tpu.dma_semaphore, #tpu.memory_space<semaphore_mem>>) src(%dma_wait3A_79 : memref<128xi32, #tpu.memory_space<hbm>>) dst(%arg7 : memref<128xi32, #tpu.memory_space<vmem>>)
        tpu.yield
      }) : () -> ()
      %scan3A_64 = arith.constant 0 : i32
      %scan3A_65 = arith.constant 0 : i32
      %scan3A_66 = arith.constant 8 : i32
      %scan3A_67 = arith.addi %scan3A_65, %scan3A_66 : i32
      %scan3A_68 = arith.constant 1 : i32
      %scan3A_69 = scf.for %scan3A_76 = %scan3A_65 to %scan3A_67 step %scan3A_68 iter_args(%scan3A_77 = %scan3A_64) -> (i32)  : i32 {
        %mul3A_78 = arith.constant 16 : i32
        %mul3A_79 = arith.muli %scan3A_76, %mul3A_78 : i32
        %get3A = arith.index_cast %mul3A_79 : i32 to index
        %get3A_80 = tpu.vector_load %arg6[%get3A] {strides = array<i32>} : memref<128xi32, #tpu.memory_space<vmem>>, vector<16xi32>,
        %mul3A_81 = arith.constant 16 : i32
        %mul3A_82 = arith.muli %scan3A_76, %mul3A_81 : i32
        %get3A_83 = arith.index_cast %mul3A_82 : i32 to index
        %get3A_84 = tpu.vector_load %arg7[%get3A_83] {strides = array<i32>} : memref<128xi32, #tpu.memory_space<vmem>>, vector<16xi32>,
        %eq3A = arith.cmpi eq, %get3A_80, %get3A_84 : vector<16xi32>
        %jit3A_85 = arith.constant 10000 : i32
        %broadcast_in_dim3A = vector.broadcast %jit3A_85 : i32 to vector<16xi32>
        %select_n3A_86 = arith.select %eq3A, %broadcast_in_dim3A, %get3A_80 : vector<16xi1>, vector<16xi32>
        %mul3A_87 = arith.constant 16 : i32
        %mul3A_88 = arith.muli %scan3A_76, %mul3A_87 : i32
        %swap3A = arith.index_cast %mul3A_88 : i32 to index
        %swap3A_89 = tpu.vector_load %arg6[%swap3A] {strides = array<i32>} : memref<128xi32, #tpu.memory_space<vmem>>, vector<16xi32>,
        tpu.vector_store %arg6[%swap3A], %select_n3A_86 {strides = array<i32>} : memref<128xi32, #tpu.memory_space<vmem>>, vector<16xi32>,
        %scan3A_90 = arith.constant 0 : i32
        scf.yield %scan3A_90 : i32
      }
      %scan3A_70 = arith.constant 8 : i32
      %dma_start3A = arith.constant 0 : i32
      %dma_start3A_71 = arith.constant 0 : i32
      %dma_start3A_72 = tpu.memref_slice %arg2[%dma_start3A, %dma_start3A_71] : memref<10016x32xf32, #tpu.memory_space<hbm>> -> memref<10016x32xf32, #tpu.memory_space<hbm>>
      tpu.enqueue_indirect_dma source(%dma_start3A_72 : memref<10016x32xf32, #tpu.memory_space<hbm>>) target(%arg8 : memref<128x32xf32, #tpu.memory_space<vmem>>) offsets(%arg6 : memref<128xi32, #tpu.memory_space<vmem>>) semaphore(%arg10 : memref<!tpu.dma_semaphore, #tpu.memory_space<semaphore_mem>>)
      %dma_wait3A = arith.constant 0 : i32
      %dma_wait3A_73 = arith.constant 0 : i32
      %dma_wait3A_74 = tpu.memref_slice %arg2[%dma_wait3A, %dma_wait3A_73] : memref<10016x32xf32, #tpu.memory_space<hbm>> -> memref<10016x32xf32, #tpu.memory_space<hbm>>
      tpu.wait_indirect_dma semaphore(%arg10 : memref<!tpu.dma_semaphore, #tpu.memory_space<semaphore_mem>>) src(%dma_wait3A_74 : memref<10016x32xf32, #tpu.memory_space<hbm>>) dst(%arg8 : memref<128x32xf32, #tpu.memory_space<vmem>>)
      "tpu.region"() ({
        %run_scoped3A = tpu.sem_alloc : memref<!tpu.dma_semaphore, #tpu.memory_space<semaphore_mem>>
        %dma_start3A_76 = arith.constant 0 : i32
        %dma_start3A_77 = arith.constant 0 : i32
        %dma_start3A_78 = tpu.memref_slice %arg9[%dma_start3A_76, %dma_start3A_77] : memref<10240x32xf32, #tpu.memory_space<vmem_shared>> -> memref<10240x32xf32, #tpu.memory_space<vmem_shared>>
        tpu.enqueue_indirect_dma source(%arg8 : memref<128x32xf32, #tpu.memory_space<vmem>>) target(%dma_start3A_78 : memref<10240x32xf32, #tpu.memory_space<vmem_shared>>) offsets(%arg7 : memref<128xi32, #tpu.memory_space<vmem>>) semaphore(%run_scoped3A : memref<!tpu.dma_semaphore, #tpu.memory_space<semaphore_mem>>) {add = true}
        %dma_wait3A_79 = arith.constant 0 : i32
        %dma_wait3A_80 = arith.constant 0 : i32
        %dma_wait3A_81 = tpu.memref_slice %arg9[%dma_wait3A_79, %dma_wait3A_80] : memref<10240x32xf32, #tpu.memory_space<vmem_shared>> -> memref<10240x32xf32, #tpu.memory_space<vmem_shared>>
        tpu.wait_indirect_dma semaphore(%run_scoped3A : memref<!tpu.dma_semaphore, #tpu.memory_space<semaphore_mem>>) src(%arg8 : memref<128x32xf32, #tpu.memory_space<vmem>>) dst(%dma_wait3A_81 : memref<10240x32xf32, #tpu.memory_space<vmem_shared>>)
        tpu.yield
      }) : () -> ()
      %while3A_75 = arith.constant 0 : i32
      scf.yield %while3A_75 : i32
    }
    %barrier3A_47 = arith.constant 0 : index
    tpu.barrier barrier_id(%barrier3A_47)
    %scan3A_48 = arith.constant 0 : i32
    %scan3A_49 = arith.constant 0 : i32
    %scan3A_50 = arith.constant 5 : i32
    %scan3A_51 = arith.addi %scan3A_49, %scan3A_50 : i32
    %scan3A_52 = arith.constant 1 : i32
    %scan3A_53 = scf.for %scan3A_55 = %scan3A_49 to %scan3A_51 step %scan3A_52 iter_args(%scan3A_56 = %scan3A_48) -> (i32)  : i32 {
      %mul3A_57 = arith.constant 640 : i32
      %mul3A_58 = arith.muli %arg1, %mul3A_57 : i32
      %mul3A_59 = arith.constant 128 : i32
      %mul3A_60 = arith.muli %scan3A_55, %mul3A_59 : i32
      %add3A_61 = arith.addi %mul3A_58, %mul3A_60 : i32
      "tpu.region"() ({
        %run_scoped3A = tpu.sem_alloc : memref<!tpu.dma_semaphore, #tpu.memory_space<semaphore_mem>>
        %dma_start3A = arith.constant 0 : i32
        %dma_start3A_63 = tpu.memref_slice %arg9[%add3A_61, %dma_start3A] : memref<10240x32xf32, #tpu.memory_space<vmem_shared>> -> memref<128x32xf32, #tpu.memory_space<vmem_shared>>
        %dma_start3A_64 = arith.constant 0 : i32
        %dma_start3A_65 = tpu.memref_slice %arg9[%add3A_61, %dma_start3A_64] : memref<10240x32xf32, #tpu.memory_space<vmem_shared>> -> memref<128x32xf32, #tpu.memory_space<vmem_shared>>
        tpu.enqueue_dma source(%dma_start3A_65 : memref<128x32xf32, #tpu.memory_space<vmem_shared>>) target(%arg8 : memref<128x32xf32, #tpu.memory_space<vmem>>) target_semaphore(%run_scoped3A : memref<!tpu.dma_semaphore, #tpu.memory_space<semaphore_mem>>)
        %dma_wait3A = arith.constant 0 : i32
        %dma_wait3A_66 = tpu.memref_slice %arg9[%add3A_61, %dma_wait3A] : memref<10240x32xf32, #tpu.memory_space<vmem_shared>> -> memref<128x32xf32, #tpu.memory_space<vmem_shared>>
        %dma_wait3A_67 = arith.constant 0 : i32
        %dma_wait3A_68 = tpu.memref_slice %arg9[%add3A_61, %dma_wait3A_67] : memref<10240x32xf32, #tpu.memory_space<vmem_shared>> -> memref<128x32xf32, #tpu.memory_space<vmem_shared>>
        tpu.wait_dma2 semaphore(%run_scoped3A : memref<!tpu.dma_semaphore, #tpu.memory_space<semaphore_mem>>) src(%dma_wait3A_68 : memref<128x32xf32, #tpu.memory_space<vmem_shared>>) dst(%arg8 : memref<128x32xf32, #tpu.memory_space<vmem>>)
        tpu.yield
      }) : () -> ()
      "tpu.region"() ({
        %run_scoped3A = tpu.sem_alloc : memref<!tpu.dma_semaphore, #tpu.memory_space<semaphore_mem>>
        %dma_start3A = arith.constant 0 : i32
        %dma_start3A_63 = tpu.memref_slice %arg5[%arg0, %add3A_61, %dma_start3A] : memref<2x10240x32xf32, #tpu.memory_space<hbm>> -> memref<1x128x32xf32, #tpu.memory_space<hbm>>
        %dma_start3A_64 = tpu.memref_squeeze %dma_start3A_63 : memref<1x128x32xf32, #tpu.memory_space<hbm>> -> memref<128x32xf32, #tpu.memory_space<hbm>>
        %dma_start3A_65 = arith.constant 0 : i32
        %dma_start3A_66 = tpu.memref_slice %arg5[%arg0, %add3A_61, %dma_start3A_65] : memref<2x10240x32xf32, #tpu.memory_space<hbm>> -> memref<1x128x32xf32, #tpu.memory_space<hbm>>
        %dma_start3A_67 = tpu.memref_squeeze %dma_start3A_66 : memref<1x128x32xf32, #tpu.memory_space<hbm>> -> memref<128x32xf32, #tpu.memory_space<hbm>>
        tpu.enqueue_dma source(%arg8 : memref<128x32xf32, #tpu.memory_space<vmem>>) target(%dma_start3A_67 : memref<128x32xf32, #tpu.memory_space<hbm>>) target_semaphore(%run_scoped3A : memref<!tpu.dma_semaphore, #tpu.memory_space<semaphore_mem>>)
        %dma_wait3A = arith.constant 0 : i32
        %dma_wait3A_68 = tpu.memref_slice %arg5[%arg0, %add3A_61, %dma_wait3A] : memref<2x10240x32xf32, #tpu.memory_space<hbm>> -> memref<1x128x32xf32, #tpu.memory_space<hbm>>
        %dma_wait3A_69 = tpu.memref_squeeze %dma_wait3A_68 : memref<1x128x32xf32, #tpu.memory_space<hbm>> -> memref<128x32xf32, #tpu.memory_space<hbm>>
        %dma_wait3A_70 = arith.constant 0 : i32
        %dma_wait3A_71 = tpu.memref_slice %arg5[%arg0, %add3A_61, %dma_wait3A_70] : memref<2x10240x32xf32, #tpu.memory_space<hbm>> -> memref<1x128x32xf32, #tpu.memory_space<hbm>>
        %dma_wait3A_72 = tpu.memref_squeeze %dma_wait3A_71 : memref<1x128x32xf32, #tpu.memory_space<hbm>> -> memref<128x32xf32, #tpu.memory_space<hbm>>
        tpu.wait_dma2 semaphore(%run_scoped3A : memref<!tpu.dma_semaphore, #tpu.memory_space<semaphore_mem>>) src(%arg8 : memref<128x32xf32, #tpu.memory_space<vmem>>) dst(%dma_wait3A_72 : memref<128x32xf32, #tpu.memory_space<hbm>>)
        tpu.yield
      }) : () -> ()
      %scan3A_62 = arith.constant 0 : i32
      scf.yield %scan3A_62 : i32
    }
    %scan3A_54 = arith.constant 5 : i32
    return
  }
}

#map = affine_map<(d0, d1) -> (0, 0)>
#map1 = affine_map<(d0, d1) -> (0)>
#map2 = affine_map<(d0, d1) -> (0, 0, 0)>
module attributes {stable_mosaic.version = 14 : i64} {
  func.func @segsum(%arg0: i32, %arg1: i32, %arg2: memref<10016x128xf32, #tpu.memory_space<hbm>>, %arg3: memref<320000xi32, #tpu.memory_space<hbm>>, %arg4: memref<320000xi32, #tpu.memory_space<hbm>>, %arg5: memref<2x10240x128xf32, #tpu.memory_space<hbm>>, %arg6: memref<128xi32, #tpu.memory_space<vmem>>, %arg7: memref<128xi32, #tpu.memory_space<vmem>>, %arg8: memref<128x128xf32, #tpu.memory_space<vmem>>, %arg9: memref<10240x128xf32, #tpu.memory_space<vmem_shared>>, %arg10: memref<!tpu.dma_semaphore, #tpu.memory_space<semaphore_mem>>) attributes {dimension_semantics = [#tpu.dimension_semantics<core_parallel>, #tpu.dimension_semantics<subcore_parallel>], iteration_bounds = array<i64: 2, 16>, scalar_prefetch = 0 : i64, scratch_operands = 5 : i64, tpu.core_type = #tpu.core_type<sc_vector_subcore>, window_params = [{transform_indices = #map}, {transform_indices = #map1}, {transform_indices = #map1}, {transform_indices = #map2}]} {
    %mul3A = arith.constant 2 : i32
    %mul3A_0 = arith.muli %arg1, %mul3A : i32
    %add3A = arith.addi %mul3A_0, %arg0 : i32
    %scan3A = arith.constant 0 : i32
    %scan3A_1 = arith.constant 0 : i32
    %scan3A_2 = arith.constant 128 : i32
    %scan3A_3 = arith.addi %scan3A_1, %scan3A_2 : i32
    %scan3A_4 = arith.constant 1 : i32
    %scan3A_5 = scf.for %scan3A_55 = %scan3A_1 to %scan3A_3 step %scan3A_4 iter_args(%scan3A_56 = %scan3A) -> (i32)  : i32 {
      %scan3A_57 = arith.constant 0 : i32
      %scan3A_58 = arith.constant 0 : i32
      %scan3A_59 = arith.constant 8 : i32
      %scan3A_60 = arith.addi %scan3A_58, %scan3A_59 : i32
      %scan3A_61 = arith.constant 1 : i32
      %scan3A_62 = scf.for %scan3A_65 = %scan3A_58 to %scan3A_60 step %scan3A_61 iter_args(%scan3A_66 = %scan3A_57) -> (i32)  : i32 {
        %broadcast_in_dim3A = arith.constant 0.000000e+00 : f32
        %broadcast_in_dim3A_67 = vector.broadcast %broadcast_in_dim3A : f32 to vector<16xf32>
        %mul3A_68 = arith.constant 16 : i32
        %mul3A_69 = arith.muli %scan3A_65, %mul3A_68 : i32
        %swap3A = arith.index_cast %scan3A_55 : i32 to index
        %swap3A_70 = arith.index_cast %mul3A_69 : i32 to index
        %swap3A_71 = tpu.vector_load %arg8[%swap3A, %swap3A_70] {strides = array<i32>} : memref<128x128xf32, #tpu.memory_space<vmem>>, vector<16xf32>,
        tpu.vector_store %arg8[%swap3A, %swap3A_70], %broadcast_in_dim3A_67 {strides = array<i32>} : memref<128x128xf32, #tpu.memory_space<vmem>>, vector<16xf32>,
        %scan3A_72 = arith.constant 0 : i32
        scf.yield %scan3A_72 : i32
      }
      %scan3A_63 = arith.constant 8 : i32
      %scan3A_64 = arith.constant 0 : i32
      scf.yield %scan3A_64 : i32
    }
    %scan3A_6 = arith.constant 128 : i32
    %scan3A_7 = arith.constant 0 : i32
    %scan3A_8 = arith.constant 0 : i32
    %scan3A_9 = arith.constant 5 : i32
    %scan3A_10 = arith.addi %scan3A_8, %scan3A_9 : i32
    %scan3A_11 = arith.constant 1 : i32
    %scan3A_12 = scf.for %scan3A_55 = %scan3A_8 to %scan3A_10 step %scan3A_11 iter_args(%scan3A_56 = %scan3A_7) -> (i32)  : i32 {
      %mul3A_57 = arith.constant 640 : i32
      %mul3A_58 = arith.muli %arg1, %mul3A_57 : i32
      %mul3A_59 = arith.constant 128 : i32
      %mul3A_60 = arith.muli %scan3A_55, %mul3A_59 : i32
      %add3A_61 = arith.addi %mul3A_58, %mul3A_60 : i32
      "tpu.region"() ({
        %run_scoped3A = tpu.sem_alloc : memref<!tpu.dma_semaphore, #tpu.memory_space<semaphore_mem>>
        %dma_start3A = arith.constant 0 : i32
        %dma_start3A_63 = tpu.memref_slice %arg9[%add3A_61, %dma_start3A] : memref<10240x128xf32, #tpu.memory_space<vmem_shared>> -> memref<128x128xf32, #tpu.memory_space<vmem_shared>>
        %dma_start3A_64 = arith.constant 0 : i32
        %dma_start3A_65 = tpu.memref_slice %arg9[%add3A_61, %dma_start3A_64] : memref<10240x128xf32, #tpu.memory_space<vmem_shared>> -> memref<128x128xf32, #tpu.memory_space<vmem_shared>>
        tpu.enqueue_dma source(%arg8 : memref<128x128xf32, #tpu.memory_space<vmem>>) target(%dma_start3A_65 : memref<128x128xf32, #tpu.memory_space<vmem_shared>>) target_semaphore(%run_scoped3A : memref<!tpu.dma_semaphore, #tpu.memory_space<semaphore_mem>>)
        %dma_wait3A = arith.constant 0 : i32
        %dma_wait3A_66 = tpu.memref_slice %arg9[%add3A_61, %dma_wait3A] : memref<10240x128xf32, #tpu.memory_space<vmem_shared>> -> memref<128x128xf32, #tpu.memory_space<vmem_shared>>
        %dma_wait3A_67 = arith.constant 0 : i32
        %dma_wait3A_68 = tpu.memref_slice %arg9[%add3A_61, %dma_wait3A_67] : memref<10240x128xf32, #tpu.memory_space<vmem_shared>> -> memref<128x128xf32, #tpu.memory_space<vmem_shared>>
        tpu.wait_dma2 semaphore(%run_scoped3A : memref<!tpu.dma_semaphore, #tpu.memory_space<semaphore_mem>>) src(%arg8 : memref<128x128xf32, #tpu.memory_space<vmem>>) dst(%dma_wait3A_68 : memref<128x128xf32, #tpu.memory_space<vmem_shared>>)
        tpu.yield
      }) : () -> ()
      %scan3A_62 = arith.constant 0 : i32
      scf.yield %scan3A_62 : i32
    }
    %scan3A_13 = arith.constant 5 : i32
    %barrier3A = arith.constant 0 : index
    tpu.barrier barrier_id(%barrier3A)
    %sub3A = arith.constant 2500 : i32
    %sub3A_14 = arith.subi %sub3A, %add3A : i32
    %add3A_15 = arith.constant 32 : i32
    %add3A_16 = arith.addi %sub3A_14, %add3A_15 : i32
    %sub3A_17 = arith.constant 1 : i32
    %sub3A_18 = arith.subi %add3A_16, %sub3A_17 : i32
    %jit3A = arith.constant 32 : i32
    %div3A = arith.divsi %sub3A_18, %jit3A : i32
    %sign3A = arith.constant 0 : i32
    %sign3A_19 = arith.cmpi sgt, %sub3A_18, %sign3A : i32
    %sign3A_20 = arith.extui %sign3A_19 : i1 to i32
    %sign3A_21 = arith.constant 0 : i32
    %sign3A_22 = arith.cmpi slt, %sub3A_18, %sign3A_21 : i32
    %sign3A_23 = arith.extui %sign3A_22 : i1 to i32
    %sign3A_24 = arith.subi %sign3A_20, %sign3A_23 : i32
    %sign3A_25 = arith.constant 0 : i32
    %sign3A_26 = arith.cmpi sgt, %jit3A, %sign3A_25 : i32
    %sign3A_27 = arith.extui %sign3A_26 : i1 to i32
    %sign3A_28 = arith.constant 0 : i32
    %sign3A_29 = arith.cmpi slt, %jit3A, %sign3A_28 : i32
    %sign3A_30 = arith.extui %sign3A_29 : i1 to i32
    %sign3A_31 = arith.subi %sign3A_27, %sign3A_30 : i32
    %ne3A = arith.cmpi ne, %sign3A_24, %sign3A_31 : i32
    %rem3A = arith.remsi %sub3A_18, %jit3A : i32
    %ne3A_32 = arith.constant 0 : i32
    %ne3A_33 = arith.cmpi ne, %rem3A, %ne3A_32 : i32
    %and3A = arith.andi %ne3A, %ne3A_33 : i1
    %sub3A_34 = arith.constant 1 : i32
    %sub3A_35 = arith.subi %div3A, %sub3A_34 : i32
    %select_n3A = arith.select %and3A, %sub3A_35, %div3A : i32
    %while3A = arith.constant 0 : i32
    %while3A_36 = arith.constant 0 : i32
    %while3A_37 = arith.subi %select_n3A, %while3A : i32
    %while3A_38 = arith.addi %while3A, %while3A_37 : i32
    %while3A_39 = arith.constant 1 : i32
    %while3A_40 = arith.divsi %while3A_37, %while3A_39 : i32
    %while3A_41 = arith.muli %while3A_40, %while3A_39 : i32
    %while3A_42 = arith.addi %while3A, %while3A_41 : i32
    %while3A_43 = arith.constant 1 : i32
    %while3A_44 = scf.for %while3A_55 = %while3A to %while3A_42 step %while3A_43 iter_args(%while3A_56 = %while3A_36) -> (i32)  : i32 {
      %mul3A_57 = arith.constant 32 : i32
      %mul3A_58 = arith.muli %while3A_55, %mul3A_57 : i32
      %add3A_59 = arith.addi %add3A, %mul3A_58 : i32
      %mul3A_60 = arith.constant 128 : i32
      %mul3A_61 = arith.muli %add3A_59, %mul3A_60 : i32
      "tpu.region"() ({
        %run_scoped3A = tpu.sem_alloc : memref<!tpu.dma_semaphore, #tpu.memory_space<semaphore_mem>>
        %dma_start3A_76 = tpu.memref_slice %arg3[%mul3A_61] : memref<320000xi32, #tpu.memory_space<hbm>> -> memref<128xi32, #tpu.memory_space<hbm>>
        %dma_start3A_77 = tpu.memref_slice %arg3[%mul3A_61] : memref<320000xi32, #tpu.memory_space<hbm>> -> memref<128xi32, #tpu.memory_space<hbm>>
        tpu.enqueue_dma source(%dma_start3A_77 : memref<128xi32, #tpu.memory_space<hbm>>) target(%arg6 : memref<128xi32, #tpu.memory_space<vmem>>) target_semaphore(%run_scoped3A : memref<!tpu.dma_semaphore, #tpu.memory_space<semaphore_mem>>)
        %dma_wait3A_78 = tpu.memref_slice %arg3[%mul3A_61] : memref<320000xi32, #tpu.memory_space<hbm>> -> memref<128xi32, #tpu.memory_space<hbm>>
        %dma_wait3A_79 = tpu.memref_slice %arg3[%mul3A_61] : memref<320000xi32, #tpu.memory_space<hbm>> -> memref<128xi32, #tpu.memory_space<hbm>>
        tpu.wait_dma2 semaphore(%run_scoped3A : memref<!tpu.dma_semaphore, #tpu.memory_space<semaphore_mem>>) src(%dma_wait3A_79 : memref<128xi32, #tpu.memory_space<hbm>>) dst(%arg6 : memref<128xi32, #tpu.memory_space<vmem>>)
        tpu.yield
      }) : () -> ()
      %mul3A_62 = arith.constant 128 : i32
      %mul3A_63 = arith.muli %add3A_59, %mul3A_62 : i32
      "tpu.region"() ({
        %run_scoped3A = tpu.sem_alloc : memref<!tpu.dma_semaphore, #tpu.memory_space<semaphore_mem>>
        %dma_start3A_76 = tpu.memref_slice %arg4[%mul3A_63] : memref<320000xi32, #tpu.memory_space<hbm>> -> memref<128xi32, #tpu.memory_space<hbm>>
        %dma_start3A_77 = tpu.memref_slice %arg4[%mul3A_63] : memref<320000xi32, #tpu.memory_space<hbm>> -> memref<128xi32, #tpu.memory_space<hbm>>
        tpu.enqueue_dma source(%dma_start3A_77 : memref<128xi32, #tpu.memory_space<hbm>>) target(%arg7 : memref<128xi32, #tpu.memory_space<vmem>>) target_semaphore(%run_scoped3A : memref<!tpu.dma_semaphore, #tpu.memory_space<semaphore_mem>>)
        %dma_wait3A_78 = tpu.memref_slice %arg4[%mul3A_63] : memref<320000xi32, #tpu.memory_space<hbm>> -> memref<128xi32, #tpu.memory_space<hbm>>
        %dma_wait3A_79 = tpu.memref_slice %arg4[%mul3A_63] : memref<320000xi32, #tpu.memory_space<hbm>> -> memref<128xi32, #tpu.memory_space<hbm>>
        tpu.wait_dma2 semaphore(%run_scoped3A : memref<!tpu.dma_semaphore, #tpu.memory_space<semaphore_mem>>) src(%dma_wait3A_79 : memref<128xi32, #tpu.memory_space<hbm>>) dst(%arg7 : memref<128xi32, #tpu.memory_space<vmem>>)
        tpu.yield
      }) : () -> ()
      %scan3A_64 = arith.constant 0 : i32
      %scan3A_65 = arith.constant 0 : i32
      %scan3A_66 = arith.constant 8 : i32
      %scan3A_67 = arith.addi %scan3A_65, %scan3A_66 : i32
      %scan3A_68 = arith.constant 1 : i32
      %scan3A_69 = scf.for %scan3A_76 = %scan3A_65 to %scan3A_67 step %scan3A_68 iter_args(%scan3A_77 = %scan3A_64) -> (i32)  : i32 {
        %mul3A_78 = arith.constant 16 : i32
        %mul3A_79 = arith.muli %scan3A_76, %mul3A_78 : i32
        %get3A = arith.index_cast %mul3A_79 : i32 to index
        %get3A_80 = tpu.vector_load %arg6[%get3A] {strides = array<i32>} : memref<128xi32, #tpu.memory_space<vmem>>, vector<16xi32>,
        %mul3A_81 = arith.constant 16 : i32
        %mul3A_82 = arith.muli %scan3A_76, %mul3A_81 : i32
        %get3A_83 = arith.index_cast %mul3A_82 : i32 to index
        %get3A_84 = tpu.vector_load %arg7[%get3A_83] {strides = array<i32>} : memref<128xi32, #tpu.memory_space<vmem>>, vector<16xi32>,
        %eq3A = arith.cmpi eq, %get3A_80, %get3A_84 : vector<16xi32>
        %jit3A_85 = arith.constant 10000 : i32
        %broadcast_in_dim3A = vector.broadcast %jit3A_85 : i32 to vector<16xi32>
        %select_n3A_86 = arith.select %eq3A, %broadcast_in_dim3A, %get3A_80 : vector<16xi1>, vector<16xi32>
        %mul3A_87 = arith.constant 16 : i32
        %mul3A_88 = arith.muli %scan3A_76, %mul3A_87 : i32
        %swap3A = arith.index_cast %mul3A_88 : i32 to index
        %swap3A_89 = tpu.vector_load %arg6[%swap3A] {strides = array<i32>} : memref<128xi32, #tpu.memory_space<vmem>>, vector<16xi32>,
        tpu.vector_store %arg6[%swap3A], %select_n3A_86 {strides = array<i32>} : memref<128xi32, #tpu.memory_space<vmem>>, vector<16xi32>,
        %scan3A_90 = arith.constant 0 : i32
        scf.yield %scan3A_90 : i32
      }
      %scan3A_70 = arith.constant 8 : i32
      %dma_start3A = arith.constant 0 : i32
      %dma_start3A_71 = arith.constant 0 : i32
      %dma_start3A_72 = tpu.memref_slice %arg2[%dma_start3A, %dma_start3A_71] : memref<10016x128xf32, #tpu.memory_space<hbm>> -> memref<10016x128xf32, #tpu.memory_space<hbm>>
      tpu.enqueue_indirect_dma source(%dma_start3A_72 : memref<10016x128xf32, #tpu.memory_space<hbm>>) target(%arg8 : memref<128x128xf32, #tpu.memory_space<vmem>>) offsets(%arg6 : memref<128xi32, #tpu.memory_space<vmem>>) semaphore(%arg10 : memref<!tpu.dma_semaphore, #tpu.memory_space<semaphore_mem>>)
      %dma_wait3A = arith.constant 0 : i32
      %dma_wait3A_73 = arith.constant 0 : i32
      %dma_wait3A_74 = tpu.memref_slice %arg2[%dma_wait3A, %dma_wait3A_73] : memref<10016x128xf32, #tpu.memory_space<hbm>> -> memref<10016x128xf32, #tpu.memory_space<hbm>>
      tpu.wait_indirect_dma semaphore(%arg10 : memref<!tpu.dma_semaphore, #tpu.memory_space<semaphore_mem>>) src(%dma_wait3A_74 : memref<10016x128xf32, #tpu.memory_space<hbm>>) dst(%arg8 : memref<128x128xf32, #tpu.memory_space<vmem>>)
      "tpu.region"() ({
        %run_scoped3A = tpu.sem_alloc : memref<!tpu.dma_semaphore, #tpu.memory_space<semaphore_mem>>
        %dma_start3A_76 = arith.constant 0 : i32
        %dma_start3A_77 = arith.constant 0 : i32
        %dma_start3A_78 = tpu.memref_slice %arg9[%dma_start3A_76, %dma_start3A_77] : memref<10240x128xf32, #tpu.memory_space<vmem_shared>> -> memref<10240x128xf32, #tpu.memory_space<vmem_shared>>
        tpu.enqueue_indirect_dma source(%arg8 : memref<128x128xf32, #tpu.memory_space<vmem>>) target(%dma_start3A_78 : memref<10240x128xf32, #tpu.memory_space<vmem_shared>>) offsets(%arg7 : memref<128xi32, #tpu.memory_space<vmem>>) semaphore(%run_scoped3A : memref<!tpu.dma_semaphore, #tpu.memory_space<semaphore_mem>>) {add = true}
        %dma_wait3A_79 = arith.constant 0 : i32
        %dma_wait3A_80 = arith.constant 0 : i32
        %dma_wait3A_81 = tpu.memref_slice %arg9[%dma_wait3A_79, %dma_wait3A_80] : memref<10240x128xf32, #tpu.memory_space<vmem_shared>> -> memref<10240x128xf32, #tpu.memory_space<vmem_shared>>
        tpu.wait_indirect_dma semaphore(%run_scoped3A : memref<!tpu.dma_semaphore, #tpu.memory_space<semaphore_mem>>) src(%arg8 : memref<128x128xf32, #tpu.memory_space<vmem>>) dst(%dma_wait3A_81 : memref<10240x128xf32, #tpu.memory_space<vmem_shared>>)
        tpu.yield
      }) : () -> ()
      %while3A_75 = arith.constant 0 : i32
      scf.yield %while3A_75 : i32
    }
    %while3A_45 = arith.constant 1 : i32
    %while3A_46 = scf.for %while3A_55 = %while3A_42 to %while3A_38 step %while3A_45 iter_args(%while3A_56 = %while3A_44) -> (i32)  : i32 {
      %mul3A_57 = arith.constant 32 : i32
      %mul3A_58 = arith.muli %while3A_55, %mul3A_57 : i32
      %add3A_59 = arith.addi %add3A, %mul3A_58 : i32
      %mul3A_60 = arith.constant 128 : i32
      %mul3A_61 = arith.muli %add3A_59, %mul3A_60 : i32
      "tpu.region"() ({
        %run_scoped3A = tpu.sem_alloc : memref<!tpu.dma_semaphore, #tpu.memory_space<semaphore_mem>>
        %dma_start3A_76 = tpu.memref_slice %arg3[%mul3A_61] : memref<320000xi32, #tpu.memory_space<hbm>> -> memref<128xi32, #tpu.memory_space<hbm>>
        %dma_start3A_77 = tpu.memref_slice %arg3[%mul3A_61] : memref<320000xi32, #tpu.memory_space<hbm>> -> memref<128xi32, #tpu.memory_space<hbm>>
        tpu.enqueue_dma source(%dma_start3A_77 : memref<128xi32, #tpu.memory_space<hbm>>) target(%arg6 : memref<128xi32, #tpu.memory_space<vmem>>) target_semaphore(%run_scoped3A : memref<!tpu.dma_semaphore, #tpu.memory_space<semaphore_mem>>)
        %dma_wait3A_78 = tpu.memref_slice %arg3[%mul3A_61] : memref<320000xi32, #tpu.memory_space<hbm>> -> memref<128xi32, #tpu.memory_space<hbm>>
        %dma_wait3A_79 = tpu.memref_slice %arg3[%mul3A_61] : memref<320000xi32, #tpu.memory_space<hbm>> -> memref<128xi32, #tpu.memory_space<hbm>>
        tpu.wait_dma2 semaphore(%run_scoped3A : memref<!tpu.dma_semaphore, #tpu.memory_space<semaphore_mem>>) src(%dma_wait3A_79 : memref<128xi32, #tpu.memory_space<hbm>>) dst(%arg6 : memref<128xi32, #tpu.memory_space<vmem>>)
        tpu.yield
      }) : () -> ()
      %mul3A_62 = arith.constant 128 : i32
      %mul3A_63 = arith.muli %add3A_59, %mul3A_62 : i32
      "tpu.region"() ({
        %run_scoped3A = tpu.sem_alloc : memref<!tpu.dma_semaphore, #tpu.memory_space<semaphore_mem>>
        %dma_start3A_76 = tpu.memref_slice %arg4[%mul3A_63] : memref<320000xi32, #tpu.memory_space<hbm>> -> memref<128xi32, #tpu.memory_space<hbm>>
        %dma_start3A_77 = tpu.memref_slice %arg4[%mul3A_63] : memref<320000xi32, #tpu.memory_space<hbm>> -> memref<128xi32, #tpu.memory_space<hbm>>
        tpu.enqueue_dma source(%dma_start3A_77 : memref<128xi32, #tpu.memory_space<hbm>>) target(%arg7 : memref<128xi32, #tpu.memory_space<vmem>>) target_semaphore(%run_scoped3A : memref<!tpu.dma_semaphore, #tpu.memory_space<semaphore_mem>>)
        %dma_wait3A_78 = tpu.memref_slice %arg4[%mul3A_63] : memref<320000xi32, #tpu.memory_space<hbm>> -> memref<128xi32, #tpu.memory_space<hbm>>
        %dma_wait3A_79 = tpu.memref_slice %arg4[%mul3A_63] : memref<320000xi32, #tpu.memory_space<hbm>> -> memref<128xi32, #tpu.memory_space<hbm>>
        tpu.wait_dma2 semaphore(%run_scoped3A : memref<!tpu.dma_semaphore, #tpu.memory_space<semaphore_mem>>) src(%dma_wait3A_79 : memref<128xi32, #tpu.memory_space<hbm>>) dst(%arg7 : memref<128xi32, #tpu.memory_space<vmem>>)
        tpu.yield
      }) : () -> ()
      %scan3A_64 = arith.constant 0 : i32
      %scan3A_65 = arith.constant 0 : i32
      %scan3A_66 = arith.constant 8 : i32
      %scan3A_67 = arith.addi %scan3A_65, %scan3A_66 : i32
      %scan3A_68 = arith.constant 1 : i32
      %scan3A_69 = scf.for %scan3A_76 = %scan3A_65 to %scan3A_67 step %scan3A_68 iter_args(%scan3A_77 = %scan3A_64) -> (i32)  : i32 {
        %mul3A_78 = arith.constant 16 : i32
        %mul3A_79 = arith.muli %scan3A_76, %mul3A_78 : i32
        %get3A = arith.index_cast %mul3A_79 : i32 to index
        %get3A_80 = tpu.vector_load %arg6[%get3A] {strides = array<i32>} : memref<128xi32, #tpu.memory_space<vmem>>, vector<16xi32>,
        %mul3A_81 = arith.constant 16 : i32
        %mul3A_82 = arith.muli %scan3A_76, %mul3A_81 : i32
        %get3A_83 = arith.index_cast %mul3A_82 : i32 to index
        %get3A_84 = tpu.vector_load %arg7[%get3A_83] {strides = array<i32>} : memref<128xi32, #tpu.memory_space<vmem>>, vector<16xi32>,
        %eq3A = arith.cmpi eq, %get3A_80, %get3A_84 : vector<16xi32>
        %jit3A_85 = arith.constant 10000 : i32
        %broadcast_in_dim3A = vector.broadcast %jit3A_85 : i32 to vector<16xi32>
        %select_n3A_86 = arith.select %eq3A, %broadcast_in_dim3A, %get3A_80 : vector<16xi1>, vector<16xi32>
        %mul3A_87 = arith.constant 16 : i32
        %mul3A_88 = arith.muli %scan3A_76, %mul3A_87 : i32
        %swap3A = arith.index_cast %mul3A_88 : i32 to index
        %swap3A_89 = tpu.vector_load %arg6[%swap3A] {strides = array<i32>} : memref<128xi32, #tpu.memory_space<vmem>>, vector<16xi32>,
        tpu.vector_store %arg6[%swap3A], %select_n3A_86 {strides = array<i32>} : memref<128xi32, #tpu.memory_space<vmem>>, vector<16xi32>,
        %scan3A_90 = arith.constant 0 : i32
        scf.yield %scan3A_90 : i32
      }
      %scan3A_70 = arith.constant 8 : i32
      %dma_start3A = arith.constant 0 : i32
      %dma_start3A_71 = arith.constant 0 : i32
      %dma_start3A_72 = tpu.memref_slice %arg2[%dma_start3A, %dma_start3A_71] : memref<10016x128xf32, #tpu.memory_space<hbm>> -> memref<10016x128xf32, #tpu.memory_space<hbm>>
      tpu.enqueue_indirect_dma source(%dma_start3A_72 : memref<10016x128xf32, #tpu.memory_space<hbm>>) target(%arg8 : memref<128x128xf32, #tpu.memory_space<vmem>>) offsets(%arg6 : memref<128xi32, #tpu.memory_space<vmem>>) semaphore(%arg10 : memref<!tpu.dma_semaphore, #tpu.memory_space<semaphore_mem>>)
      %dma_wait3A = arith.constant 0 : i32
      %dma_wait3A_73 = arith.constant 0 : i32
      %dma_wait3A_74 = tpu.memref_slice %arg2[%dma_wait3A, %dma_wait3A_73] : memref<10016x128xf32, #tpu.memory_space<hbm>> -> memref<10016x128xf32, #tpu.memory_space<hbm>>
      tpu.wait_indirect_dma semaphore(%arg10 : memref<!tpu.dma_semaphore, #tpu.memory_space<semaphore_mem>>) src(%dma_wait3A_74 : memref<10016x128xf32, #tpu.memory_space<hbm>>) dst(%arg8 : memref<128x128xf32, #tpu.memory_space<vmem>>)
      "tpu.region"() ({
        %run_scoped3A = tpu.sem_alloc : memref<!tpu.dma_semaphore, #tpu.memory_space<semaphore_mem>>
        %dma_start3A_76 = arith.constant 0 : i32
        %dma_start3A_77 = arith.constant 0 : i32
        %dma_start3A_78 = tpu.memref_slice %arg9[%dma_start3A_76, %dma_start3A_77] : memref<10240x128xf32, #tpu.memory_space<vmem_shared>> -> memref<10240x128xf32, #tpu.memory_space<vmem_shared>>
        tpu.enqueue_indirect_dma source(%arg8 : memref<128x128xf32, #tpu.memory_space<vmem>>) target(%dma_start3A_78 : memref<10240x128xf32, #tpu.memory_space<vmem_shared>>) offsets(%arg7 : memref<128xi32, #tpu.memory_space<vmem>>) semaphore(%run_scoped3A : memref<!tpu.dma_semaphore, #tpu.memory_space<semaphore_mem>>) {add = true}
        %dma_wait3A_79 = arith.constant 0 : i32
        %dma_wait3A_80 = arith.constant 0 : i32
        %dma_wait3A_81 = tpu.memref_slice %arg9[%dma_wait3A_79, %dma_wait3A_80] : memref<10240x128xf32, #tpu.memory_space<vmem_shared>> -> memref<10240x128xf32, #tpu.memory_space<vmem_shared>>
        tpu.wait_indirect_dma semaphore(%run_scoped3A : memref<!tpu.dma_semaphore, #tpu.memory_space<semaphore_mem>>) src(%arg8 : memref<128x128xf32, #tpu.memory_space<vmem>>) dst(%dma_wait3A_81 : memref<10240x128xf32, #tpu.memory_space<vmem_shared>>)
        tpu.yield
      }) : () -> ()
      %while3A_75 = arith.constant 0 : i32
      scf.yield %while3A_75 : i32
    }
    %barrier3A_47 = arith.constant 0 : index
    tpu.barrier barrier_id(%barrier3A_47)
    %scan3A_48 = arith.constant 0 : i32
    %scan3A_49 = arith.constant 0 : i32
    %scan3A_50 = arith.constant 5 : i32
    %scan3A_51 = arith.addi %scan3A_49, %scan3A_50 : i32
    %scan3A_52 = arith.constant 1 : i32
    %scan3A_53 = scf.for %scan3A_55 = %scan3A_49 to %scan3A_51 step %scan3A_52 iter_args(%scan3A_56 = %scan3A_48) -> (i32)  : i32 {
      %mul3A_57 = arith.constant 640 : i32
      %mul3A_58 = arith.muli %arg1, %mul3A_57 : i32
      %mul3A_59 = arith.constant 128 : i32
      %mul3A_60 = arith.muli %scan3A_55, %mul3A_59 : i32
      %add3A_61 = arith.addi %mul3A_58, %mul3A_60 : i32
      "tpu.region"() ({
        %run_scoped3A = tpu.sem_alloc : memref<!tpu.dma_semaphore, #tpu.memory_space<semaphore_mem>>
        %dma_start3A = arith.constant 0 : i32
        %dma_start3A_63 = tpu.memref_slice %arg9[%add3A_61, %dma_start3A] : memref<10240x128xf32, #tpu.memory_space<vmem_shared>> -> memref<128x128xf32, #tpu.memory_space<vmem_shared>>
        %dma_start3A_64 = arith.constant 0 : i32
        %dma_start3A_65 = tpu.memref_slice %arg9[%add3A_61, %dma_start3A_64] : memref<10240x128xf32, #tpu.memory_space<vmem_shared>> -> memref<128x128xf32, #tpu.memory_space<vmem_shared>>
        tpu.enqueue_dma source(%dma_start3A_65 : memref<128x128xf32, #tpu.memory_space<vmem_shared>>) target(%arg8 : memref<128x128xf32, #tpu.memory_space<vmem>>) target_semaphore(%run_scoped3A : memref<!tpu.dma_semaphore, #tpu.memory_space<semaphore_mem>>)
        %dma_wait3A = arith.constant 0 : i32
        %dma_wait3A_66 = tpu.memref_slice %arg9[%add3A_61, %dma_wait3A] : memref<10240x128xf32, #tpu.memory_space<vmem_shared>> -> memref<128x128xf32, #tpu.memory_space<vmem_shared>>
        %dma_wait3A_67 = arith.constant 0 : i32
        %dma_wait3A_68 = tpu.memref_slice %arg9[%add3A_61, %dma_wait3A_67] : memref<10240x128xf32, #tpu.memory_space<vmem_shared>> -> memref<128x128xf32, #tpu.memory_space<vmem_shared>>
        tpu.wait_dma2 semaphore(%run_scoped3A : memref<!tpu.dma_semaphore, #tpu.memory_space<semaphore_mem>>) src(%dma_wait3A_68 : memref<128x128xf32, #tpu.memory_space<vmem_shared>>) dst(%arg8 : memref<128x128xf32, #tpu.memory_space<vmem>>)
        tpu.yield
      }) : () -> ()
      "tpu.region"() ({
        %run_scoped3A = tpu.sem_alloc : memref<!tpu.dma_semaphore, #tpu.memory_space<semaphore_mem>>
        %dma_start3A = arith.constant 0 : i32
        %dma_start3A_63 = tpu.memref_slice %arg5[%arg0, %add3A_61, %dma_start3A] : memref<2x10240x128xf32, #tpu.memory_space<hbm>> -> memref<1x128x128xf32, #tpu.memory_space<hbm>>
        %dma_start3A_64 = tpu.memref_squeeze %dma_start3A_63 : memref<1x128x128xf32, #tpu.memory_space<hbm>> -> memref<128x128xf32, #tpu.memory_space<hbm>>
        %dma_start3A_65 = arith.constant 0 : i32
        %dma_start3A_66 = tpu.memref_slice %arg5[%arg0, %add3A_61, %dma_start3A_65] : memref<2x10240x128xf32, #tpu.memory_space<hbm>> -> memref<1x128x128xf32, #tpu.memory_space<hbm>>
        %dma_start3A_67 = tpu.memref_squeeze %dma_start3A_66 : memref<1x128x128xf32, #tpu.memory_space<hbm>> -> memref<128x128xf32, #tpu.memory_space<hbm>>
        tpu.enqueue_dma source(%arg8 : memref<128x128xf32, #tpu.memory_space<vmem>>) target(%dma_start3A_67 : memref<128x128xf32, #tpu.memory_space<hbm>>) target_semaphore(%run_scoped3A : memref<!tpu.dma_semaphore, #tpu.memory_space<semaphore_mem>>)
        %dma_wait3A = arith.constant 0 : i32
        %dma_wait3A_68 = tpu.memref_slice %arg5[%arg0, %add3A_61, %dma_wait3A] : memref<2x10240x128xf32, #tpu.memory_space<hbm>> -> memref<1x128x128xf32, #tpu.memory_space<hbm>>
        %dma_wait3A_69 = tpu.memref_squeeze %dma_wait3A_68 : memref<1x128x128xf32, #tpu.memory_space<hbm>> -> memref<128x128xf32, #tpu.memory_space<hbm>>
        %dma_wait3A_70 = arith.constant 0 : i32
        %dma_wait3A_71 = tpu.memref_slice %arg5[%arg0, %add3A_61, %dma_wait3A_70] : memref<2x10240x128xf32, #tpu.memory_space<hbm>> -> memref<1x128x128xf32, #tpu.memory_space<hbm>>
        %dma_wait3A_72 = tpu.memref_squeeze %dma_wait3A_71 : memref<1x128x128xf32, #tpu.memory_space<hbm>> -> memref<128x128xf32, #tpu.memory_space<hbm>>
        tpu.wait_dma2 semaphore(%run_scoped3A : memref<!tpu.dma_semaphore, #tpu.memory_space<semaphore_mem>>) src(%arg8 : memref<128x128xf32, #tpu.memory_space<vmem>>) dst(%dma_wait3A_72 : memref<128x128xf32, #tpu.memory_space<hbm>>)
        tpu.yield
      }) : () -> ()
      %scan3A_62 = arith.constant 0 : i32
      scf.yield %scan3A_62 : i32
    }
    %scan3A_54 = arith.constant 5 : i32
    return
  }
}

#map = affine_map<(d0, d1) -> (0, 0)>
#map1 = affine_map<(d0, d1) -> (0)>
module attributes {stable_mosaic.version = 14 : i64} {
  func.func @scA(%arg0: i32, %arg1: i32, %arg2: memref<10000x32xf32, #tpu.memory_space<hbm>>, %arg3: memref<10000x32xf32, #tpu.memory_space<hbm>>, %arg4: memref<320000x32xf32, #tpu.memory_space<hbm>>, %arg5: memref<320000xi32, #tpu.memory_space<hbm>>, %arg6: memref<320000xi32, #tpu.memory_space<hbm>>, %arg7: memref<327680xf32, #tpu.memory_space<hbm>>, %arg8: memref<10240xf32, #tpu.memory_space<hbm>>, %arg9: memref<2000xi32, #tpu.memory_space<vmem>>, %arg10: memref<2000xi32, #tpu.memory_space<vmem>>, %arg11: memref<12288xi32, #tpu.memory_space<vmem>>, %arg12: memref<12288xi32, #tpu.memory_space<vmem>>, %arg13: memref<12288xi32, #tpu.memory_space<vmem>>, %arg14: memref<128xi32, #tpu.memory_space<vmem>>, %arg15: memref<128xi32, #tpu.memory_space<vmem>>, %arg16: memref<128xi32, #tpu.memory_space<vmem>>, %arg17: memref<128x32xf32, #tpu.memory_space<vmem>>, %arg18: memref<128x32xf32, #tpu.memory_space<vmem>>, %arg19: memref<128x32xf32, #tpu.memory_space<vmem>>, %arg20: memref<10240xf32, #tpu.memory_space<vmem>>, %arg21: memref<320xf32, #tpu.memory_space<vmem>>, %arg22: memref<!tpu.dma_semaphore, #tpu.memory_space<semaphore_mem>>) attributes {dimension_semantics = [#tpu.dimension_semantics<core_parallel>, #tpu.dimension_semantics<subcore_parallel>], iteration_bounds = array<i64: 2, 16>, scalar_prefetch = 0 : i64, scratch_operands = 14 : i64, tpu.core_type = #tpu.core_type<sc_vector_subcore>, window_params = [{transform_indices = #map}, {transform_indices = #map}, {transform_indices = #map}, {transform_indices = #map1}, {transform_indices = #map1}, {transform_indices = #map1}, {transform_indices = #map1}]} {
    %mul3A = arith.constant 2 : i32
    %mul3A_0 = arith.muli %arg1, %mul3A : i32
    %add3A = arith.addi %mul3A_0, %arg0 : i32
    %mul3A_1 = arith.constant 320 : i32
    %mul3A_2 = arith.muli %add3A, %mul3A_1 : i32
    %add3A_3 = arith.constant 320 : i32
    %add3A_4 = arith.addi %mul3A_2, %add3A_3 : i32
    %iota3A = tpu.iota {dimensions = array<i32: 0>} : vector<16xi32>
    %broadcast_in_dim3A = arith.constant 1.000000e+00 : f32
    %broadcast_in_dim3A_5 = vector.broadcast %broadcast_in_dim3A : f32 to vector<16xf32>
    %scan3A = arith.constant 0 : i32
    %scan3A_6 = arith.constant 0 : i32
    %scan3A_7 = arith.constant 640 : i32
    %scan3A_8 = arith.addi %scan3A_6, %scan3A_7 : i32
    %scan3A_9 = arith.constant 1 : i32
    %scan3A_10 = scf.for %scan3A_66 = %scan3A_6 to %scan3A_8 step %scan3A_9 iter_args(%scan3A_67 = %scan3A) -> (i32)  : i32 {
      %broadcast_in_dim3A_68 = arith.constant 0.000000e+00 : f32
      %broadcast_in_dim3A_69 = vector.broadcast %broadcast_in_dim3A_68 : f32 to vector<16xf32>
      %mul3A_70 = arith.constant 16 : i32
      %mul3A_71 = arith.muli %scan3A_66, %mul3A_70 : i32
      %swap3A = arith.index_cast %mul3A_71 : i32 to index
      %swap3A_72 = tpu.vector_load %arg20[%swap3A] {strides = array<i32>} : memref<10240xf32, #tpu.memory_space<vmem>>, vector<16xf32>,
      tpu.vector_store %arg20[%swap3A], %broadcast_in_dim3A_69 {strides = array<i32>} : memref<10240xf32, #tpu.memory_space<vmem>>, vector<16xf32>,
      %scan3A_73 = arith.constant 0 : i32
      scf.yield %scan3A_73 : i32
    }
    %scan3A_11 = arith.constant 640 : i32
    %scan3A_12 = arith.constant 0 : i32
    %scan3A_13 = arith.constant 0 : i32
    %scan3A_14 = arith.constant 20 : i32
    %scan3A_15 = arith.addi %scan3A_13, %scan3A_14 : i32
    %scan3A_16 = arith.constant 1 : i32
    %scan3A_17 = scf.for %scan3A_66 = %scan3A_13 to %scan3A_15 step %scan3A_16 iter_args(%scan3A_67 = %scan3A_12) -> (i32)  : i32 {
      %broadcast_in_dim3A_68 = arith.constant 0.000000e+00 : f32
      %broadcast_in_dim3A_69 = vector.broadcast %broadcast_in_dim3A_68 : f32 to vector<16xf32>
      %mul3A_70 = arith.constant 16 : i32
      %mul3A_71 = arith.muli %scan3A_66, %mul3A_70 : i32
      %swap3A = arith.index_cast %mul3A_71 : i32 to index
      %swap3A_72 = tpu.vector_load %arg21[%swap3A] {strides = array<i32>} : memref<320xf32, #tpu.memory_space<vmem>>, vector<16xf32>,
      tpu.vector_store %arg21[%swap3A], %broadcast_in_dim3A_69 {strides = array<i32>} : memref<320xf32, #tpu.memory_space<vmem>>, vector<16xf32>,
      %scan3A_73 = arith.constant 0 : i32
      scf.yield %scan3A_73 : i32
    }
    %scan3A_18 = arith.constant 20 : i32
    %scan3A_19 = arith.constant 0 : i32
    %scan3A_20 = arith.constant 0 : i32
    %scan3A_21 = arith.constant 768 : i32
    %scan3A_22 = arith.addi %scan3A_20, %scan3A_21 : i32
    %scan3A_23 = arith.constant 1 : i32
    %scan3A_24 = scf.for %scan3A_66 = %scan3A_20 to %scan3A_22 step %scan3A_23 iter_args(%scan3A_67 = %scan3A_19) -> (i32)  : i32 {
      %broadcast_in_dim3A_68 = arith.constant 0 : i32
      %broadcast_in_dim3A_69 = vector.broadcast %broadcast_in_dim3A_68 : i32 to vector<16xi32>
      %mul3A_70 = arith.constant 16 : i32
      %mul3A_71 = arith.muli %scan3A_66, %mul3A_70 : i32
      %swap3A = arith.index_cast %mul3A_71 : i32 to index
      %swap3A_72 = tpu.vector_load %arg11[%swap3A] {strides = array<i32>} : memref<12288xi32, #tpu.memory_space<vmem>>, vector<16xi32>,
      tpu.vector_store %arg11[%swap3A], %broadcast_in_dim3A_69 {strides = array<i32>} : memref<12288xi32, #tpu.memory_space<vmem>>, vector<16xi32>,
      %mul3A_73 = arith.constant 16 : i32
      %mul3A_74 = arith.muli %scan3A_66, %mul3A_73 : i32
      %swap3A_75 = arith.index_cast %mul3A_74 : i32 to index
      %swap3A_76 = tpu.vector_load %arg12[%swap3A_75] {strides = array<i32>} : memref<12288xi32, #tpu.memory_space<vmem>>, vector<16xi32>,
      tpu.vector_store %arg12[%swap3A_75], %broadcast_in_dim3A_69 {strides = array<i32>} : memref<12288xi32, #tpu.memory_space<vmem>>, vector<16xi32>,
      %mul3A_77 = arith.constant 16 : i32
      %mul3A_78 = arith.muli %scan3A_66, %mul3A_77 : i32
      %swap3A_79 = arith.index_cast %mul3A_78 : i32 to index
      %swap3A_80 = tpu.vector_load %arg13[%swap3A_79] {strides = array<i32>} : memref<12288xi32, #tpu.memory_space<vmem>>, vector<16xi32>,
      tpu.vector_store %arg13[%swap3A_79], %broadcast_in_dim3A_69 {strides = array<i32>} : memref<12288xi32, #tpu.memory_space<vmem>>, vector<16xi32>,
      %scan3A_81 = arith.constant 0 : i32
      scf.yield %scan3A_81 : i32
    }
    %scan3A_25 = arith.constant 768 : i32
    %scan3A_26 = arith.constant 0 : i32
    %scan3A_27 = arith.constant 0 : i32
    %scan3A_28 = arith.constant 160 : i32
    %scan3A_29 = arith.addi %scan3A_27, %scan3A_28 : i32
    %scan3A_30 = arith.constant 1 : i32
    %scan3A_31 = scf.for %scan3A_66 = %scan3A_27 to %scan3A_29 step %scan3A_30 iter_args(%scan3A_67 = %scan3A_26) -> (i32)  : i32 {
      %mul3A_68 = arith.constant 2000 : i32
      %mul3A_69 = arith.muli %scan3A_66, %mul3A_68 : i32
      "tpu.region"() ({
        %run_scoped3A = tpu.sem_alloc : memref<!tpu.dma_semaphore, #tpu.memory_space<semaphore_mem>>
        %dma_start3A = tpu.memref_slice %arg5[%mul3A_69] : memref<320000xi32, #tpu.memory_space<hbm>> -> memref<2000xi32, #tpu.memory_space<hbm>>
        %dma_start3A_78 = tpu.memref_slice %arg5[%mul3A_69] : memref<320000xi32, #tpu.memory_space<hbm>> -> memref<2000xi32, #tpu.memory_space<hbm>>
        tpu.enqueue_dma source(%dma_start3A_78 : memref<2000xi32, #tpu.memory_space<hbm>>) target(%arg9 : memref<2000xi32, #tpu.memory_space<vmem>>) target_semaphore(%run_scoped3A : memref<!tpu.dma_semaphore, #tpu.memory_space<semaphore_mem>>)
        %dma_wait3A = tpu.memref_slice %arg5[%mul3A_69] : memref<320000xi32, #tpu.memory_space<hbm>> -> memref<2000xi32, #tpu.memory_space<hbm>>
        %dma_wait3A_79 = tpu.memref_slice %arg5[%mul3A_69] : memref<320000xi32, #tpu.memory_space<hbm>> -> memref<2000xi32, #tpu.memory_space<hbm>>
        tpu.wait_dma2 semaphore(%run_scoped3A : memref<!tpu.dma_semaphore, #tpu.memory_space<semaphore_mem>>) src(%dma_wait3A_79 : memref<2000xi32, #tpu.memory_space<hbm>>) dst(%arg9 : memref<2000xi32, #tpu.memory_space<vmem>>)
        tpu.yield
      }) : () -> ()
      %mul3A_70 = arith.constant 2000 : i32
      %mul3A_71 = arith.muli %scan3A_66, %mul3A_70 : i32
      "tpu.region"() ({
        %run_scoped3A = tpu.sem_alloc : memref<!tpu.dma_semaphore, #tpu.memory_space<semaphore_mem>>
        %dma_start3A = tpu.memref_slice %arg6[%mul3A_71] : memref<320000xi32, #tpu.memory_space<hbm>> -> memref<2000xi32, #tpu.memory_space<hbm>>
        %dma_start3A_78 = tpu.memref_slice %arg6[%mul3A_71] : memref<320000xi32, #tpu.memory_space<hbm>> -> memref<2000xi32, #tpu.memory_space<hbm>>
        tpu.enqueue_dma source(%dma_start3A_78 : memref<2000xi32, #tpu.memory_space<hbm>>) target(%arg10 : memref<2000xi32, #tpu.memory_space<vmem>>) target_semaphore(%run_scoped3A : memref<!tpu.dma_semaphore, #tpu.memory_space<semaphore_mem>>)
        %dma_wait3A = tpu.memref_slice %arg6[%mul3A_71] : memref<320000xi32, #tpu.memory_space<hbm>> -> memref<2000xi32, #tpu.memory_space<hbm>>
        %dma_wait3A_79 = tpu.memref_slice %arg6[%mul3A_71] : memref<320000xi32, #tpu.memory_space<hbm>> -> memref<2000xi32, #tpu.memory_space<hbm>>
        tpu.wait_dma2 semaphore(%run_scoped3A : memref<!tpu.dma_semaphore, #tpu.memory_space<semaphore_mem>>) src(%dma_wait3A_79 : memref<2000xi32, #tpu.memory_space<hbm>>) dst(%arg10 : memref<2000xi32, #tpu.memory_space<vmem>>)
        tpu.yield
      }) : () -> ()
      %scan3A_72 = arith.constant 0 : i32
      %scan3A_73 = arith.constant 125 : i32
      %scan3A_74 = arith.addi %scan3A_72, %scan3A_73 : i32
      %scan3A_75 = arith.constant 1 : i32
      %scan3A_76 = scf.for %scan3A_78 = %scan3A_72 to %scan3A_74 step %scan3A_75 iter_args(%scan3A_79 = %scan3A_67) -> (i32)  : i32 {
        %mul3A_80 = arith.constant 16 : i32
        %mul3A_81 = arith.muli %scan3A_78, %mul3A_80 : i32
        %get3A = arith.index_cast %mul3A_81 : i32 to index
        %get3A_82 = tpu.vector_load %arg9[%get3A] {strides = array<i32>} : memref<2000xi32, #tpu.memory_space<vmem>>, vector<16xi32>,
        %mul3A_83 = arith.constant 16 : i32
        %mul3A_84 = arith.muli %scan3A_78, %mul3A_83 : i32
        %get3A_85 = arith.index_cast %mul3A_84 : i32 to index
        %get3A_86 = tpu.vector_load %arg10[%get3A_85] {strides = array<i32>} : memref<2000xi32, #tpu.memory_space<vmem>>, vector<16xi32>,
        %ge3A = vector.broadcast %mul3A_2 : i32 to vector<16xi32>
        %ge3A_87 = arith.cmpi sge, %get3A_86, %ge3A : vector<16xi32>
        %lt3A = vector.broadcast %add3A_4 : i32 to vector<16xi32>
        %lt3A_88 = arith.cmpi slt, %get3A_86, %lt3A : vector<16xi32>
        %and3A_89 = arith.andi %ge3A_87, %lt3A_88 : vector<16xi1>
        %ne3A_90 = arith.cmpi ne, %get3A_86, %get3A_82 : vector<16xi32>
        %and3A_91 = arith.andi %and3A_89, %ne3A_90 : vector<16xi1>
        %all_reduce_population_count3A = tpu.all_reduce %and3A_91 {dim = 0 : i64, kind = #tpu.reduction_kind<sum>} : vector<16xi1> -> vector<16xi32>
        %slice3A = vector.extract_strided_slice %all_reduce_population_count3A {offsets = [0], sizes = [1], strides = [1]} : vector<16xi32> to vector<1xi32>
        %squeeze3A = vector.extract %slice3A[0] : i32 from vector<1xi32>
        %gt3A = arith.constant 0 : i32
        %gt3A_92 = arith.cmpi sgt, %squeeze3A, %gt3A : i32
        %convert_element_type3A = arith.extui %gt3A_92 : i1 to i32
        %cond3A = arith.constant 0 : i32
        %cond3A_93 = arith.cmpi ne, %convert_element_type3A, %cond3A : i32
        scf.if %cond3A_93 {
          %sub3A_109 = vector.broadcast %mul3A_2 : i32 to vector<16xi32>
          %sub3A_110 = arith.subi %get3A_86, %sub3A_109 : vector<16xi32>
          %jit3A_111 = arith.constant 0 : i32
          %broadcast_in_dim3A_112 = vector.broadcast %jit3A_111 : i32 to vector<16xi32>
          %select_n3A_113 = arith.select %and3A_91, %sub3A_110, %broadcast_in_dim3A_112 : vector<16xi1>, vector<16xi32>
          tpu.vector_store_idx %arg21[%select_n3A_113], %broadcast_in_dim3A_5 masked %and3A_91 {add = true} : memref<320xf32, #tpu.memory_space<vmem>>[vector<16xi32>], vector<16xf32>, vector<16xi1>
        } else {
        }
        %ge3A_94 = vector.broadcast %mul3A_2 : i32 to vector<16xi32>
        %ge3A_95 = arith.cmpi sge, %get3A_82, %ge3A_94 : vector<16xi32>
        %lt3A_96 = vector.broadcast %add3A_4 : i32 to vector<16xi32>
        %lt3A_97 = arith.cmpi slt, %get3A_82, %lt3A_96 : vector<16xi32>
        %and3A_98 = arith.andi %ge3A_95, %lt3A_97 : vector<16xi1>
        %all_reduce_population_count3A_99 = tpu.all_reduce %and3A_98 {dim = 0 : i64, kind = #tpu.reduction_kind<sum>} : vector<16xi1> -> vector<16xi32>
        %slice3A_100 = vector.extract_strided_slice %all_reduce_population_count3A_99 {offsets = [0], sizes = [1], strides = [1]} : vector<16xi32> to vector<1xi32>
        %squeeze3A_101 = vector.extract %slice3A_100[0] : i32 from vector<1xi32>
        %gt3A_102 = arith.constant 0 : i32
        %gt3A_103 = arith.cmpi sgt, %squeeze3A_101, %gt3A_102 : i32
        %convert_element_type3A_104 = arith.extui %gt3A_103 : i1 to i32
        %cond3A_105 = arith.constant 0 : i32
        %cond3A_106 = arith.cmpi ne, %convert_element_type3A_104, %cond3A_105 : i32
        scf.if %cond3A_106 {
          %convert_element_type3A_109 = arith.extui %and3A_98 : vector<16xi1> to vector<16xi32>
          %broadcast_in_dim3A_110 = arith.constant true
          %broadcast_in_dim3A_111 = vector.broadcast %broadcast_in_dim3A_110 : i1 to vector<16xi1>
          %masked_cumsum3A = tpu.scan <sum>, %convert_element_type3A_109 masked %broadcast_in_dim3A_111 : vector<16xi32>, vector<16xi1> -> vector<16xi32>
          %sub3A_112 = arith.constant 1 : i32
          %sub3A_113 = vector.broadcast %sub3A_112 : i32 to vector<16xi32>
          %sub3A_114 = arith.subi %masked_cumsum3A, %sub3A_113 : vector<16xi32>
          %add3A_115 = vector.broadcast %scan3A_79 : i32 to vector<16xi32>
          %add3A_116 = arith.addi %sub3A_114, %add3A_115 : vector<16xi32>
          %jit3A_117 = arith.constant 0 : i32
          %jit3A_118 = arith.constant 12287 : i32
          %max3A = vector.broadcast %jit3A_117 : i32 to vector<16xi32>
          %max3A_119 = arith.maxsi %max3A, %add3A_116 : vector<16xi32>
          %min3A_120 = vector.broadcast %jit3A_118 : i32 to vector<16xi32>
          %min3A_121 = arith.minsi %min3A_120, %max3A_119 : vector<16xi32>
          %mul3A_122 = arith.constant 2000 : i32
          %mul3A_123 = arith.muli %scan3A_66, %mul3A_122 : i32
          %mul3A_124 = arith.constant 16 : i32
          %mul3A_125 = arith.muli %scan3A_78, %mul3A_124 : i32
          %add3A_126 = arith.addi %mul3A_123, %mul3A_125 : i32
          %add3A_127 = vector.broadcast %add3A_126 : i32 to vector<16xi32>
          %add3A_128 = arith.addi %add3A_127, %iota3A : vector<16xi32>
          tpu.vector_store_idx %arg11[%min3A_121], %add3A_128 masked %and3A_98 : memref<12288xi32, #tpu.memory_space<vmem>>[vector<16xi32>], vector<16xi32>, vector<16xi1>
          tpu.vector_store_idx %arg12[%min3A_121], %get3A_82 masked %and3A_98 : memref<12288xi32, #tpu.memory_space<vmem>>[vector<16xi32>], vector<16xi32>, vector<16xi1>
          tpu.vector_store_idx %arg13[%min3A_121], %get3A_86 masked %and3A_98 : memref<12288xi32, #tpu.memory_space<vmem>>[vector<16xi32>], vector<16xi32>, vector<16xi1>
        } else {
        }
        %add3A_107 = arith.addi %scan3A_79, %squeeze3A_101 : i32
        %min3A = arith.constant 12288 : i32
        %min3A_108 = arith.minsi %add3A_107, %min3A : i32
        scf.yield %min3A_108 : i32
      }
      %scan3A_77 = arith.constant 125 : i32
      scf.yield %scan3A_76 : i32
    }
    %scan3A_32 = arith.constant 160 : i32
    %add3A_33 = arith.constant 128 : i32
    %add3A_34 = arith.addi %scan3A_31, %add3A_33 : i32
    %sub3A = arith.constant 1 : i32
    %sub3A_35 = arith.subi %add3A_34, %sub3A : i32
    %jit3A = arith.constant 128 : i32
    %div3A = arith.divsi %sub3A_35, %jit3A : i32
    %sign3A = arith.constant 0 : i32
    %sign3A_36 = arith.cmpi sgt, %sub3A_35, %sign3A : i32
    %sign3A_37 = arith.extui %sign3A_36 : i1 to i32
    %sign3A_38 = arith.constant 0 : i32
    %sign3A_39 = arith.cmpi slt, %sub3A_35, %sign3A_38 : i32
    %sign3A_40 = arith.extui %sign3A_39 : i1 to i32
    %sign3A_41 = arith.subi %sign3A_37, %sign3A_40 : i32
    %sign3A_42 = arith.constant 0 : i32
    %sign3A_43 = arith.cmpi sgt, %jit3A, %sign3A_42 : i32
    %sign3A_44 = arith.extui %sign3A_43 : i1 to i32
    %sign3A_45 = arith.constant 0 : i32
    %sign3A_46 = arith.cmpi slt, %jit3A, %sign3A_45 : i32
    %sign3A_47 = arith.extui %sign3A_46 : i1 to i32
    %sign3A_48 = arith.subi %sign3A_44, %sign3A_47 : i32
    %ne3A = arith.cmpi ne, %sign3A_41, %sign3A_48 : i32
    %rem3A = arith.remsi %sub3A_35, %jit3A : i32
    %ne3A_49 = arith.constant 0 : i32
    %ne3A_50 = arith.cmpi ne, %rem3A, %ne3A_49 : i32
    %and3A = arith.andi %ne3A, %ne3A_50 : i1
    %sub3A_51 = arith.constant 1 : i32
    %sub3A_52 = arith.subi %div3A, %sub3A_51 : i32
    %select_n3A = arith.select %and3A, %sub3A_52, %div3A : i32
    %while3A = arith.constant 0 : i32
    %while3A_53 = arith.constant 0 : i32
    %while3A_54 = arith.subi %select_n3A, %while3A : i32
    %while3A_55 = arith.addi %while3A, %while3A_54 : i32
    %while3A_56 = arith.constant 1 : i32
    %while3A_57 = arith.divsi %while3A_54, %while3A_56 : i32
    %while3A_58 = arith.muli %while3A_57, %while3A_56 : i32
    %while3A_59 = arith.addi %while3A, %while3A_58 : i32
    %while3A_60 = arith.constant 1 : i32
    %while3A_61 = scf.for %while3A_66 = %while3A to %while3A_59 step %while3A_60 iter_args(%while3A_67 = %while3A_53) -> (i32)  : i32 {
      %scan3A_68 = arith.constant 0 : i32
      %scan3A_69 = arith.constant 0 : i32
      %scan3A_70 = arith.constant 8 : i32
      %scan3A_71 = arith.addi %scan3A_69, %scan3A_70 : i32
      %scan3A_72 = arith.constant 1 : i32
      %scan3A_73 = scf.for %scan3A_108 = %scan3A_69 to %scan3A_71 step %scan3A_72 iter_args(%scan3A_109 = %scan3A_68) -> (i32)  : i32 {
        %mul3A_110 = arith.constant 128 : i32
        %mul3A_111 = arith.muli %while3A_66, %mul3A_110 : i32
        %mul3A_112 = arith.constant 16 : i32
        %mul3A_113 = arith.muli %scan3A_108, %mul3A_112 : i32
        %add3A_114 = arith.addi %mul3A_111, %mul3A_113 : i32
        %get3A = arith.index_cast %add3A_114 : i32 to index
        %get3A_115 = tpu.vector_load %arg11[%get3A] {strides = array<i32>} : memref<12288xi32, #tpu.memory_space<vmem>>, vector<16xi32>,
        %mul3A_116 = arith.constant 16 : i32
        %mul3A_117 = arith.muli %scan3A_108, %mul3A_116 : i32
        %swap3A = arith.index_cast %mul3A_117 : i32 to index
        %swap3A_118 = tpu.vector_load %arg14[%swap3A] {strides = array<i32>} : memref<128xi32, #tpu.memory_space<vmem>>, vector<16xi32>,
        tpu.vector_store %arg14[%swap3A], %get3A_115 {strides = array<i32>} : memref<128xi32, #tpu.memory_space<vmem>>, vector<16xi32>,
        %mul3A_119 = arith.constant 128 : i32
        %mul3A_120 = arith.muli %while3A_66, %mul3A_119 : i32
        %mul3A_121 = arith.constant 16 : i32
        %mul3A_122 = arith.muli %scan3A_108, %mul3A_121 : i32
        %add3A_123 = arith.addi %mul3A_120, %mul3A_122 : i32
        %get3A_124 = arith.index_cast %add3A_123 : i32 to index
        %get3A_125 = tpu.vector_load %arg12[%get3A_124] {strides = array<i32>} : memref<12288xi32, #tpu.memory_space<vmem>>, vector<16xi32>,
        %mul3A_126 = arith.constant 16 : i32
        %mul3A_127 = arith.muli %scan3A_108, %mul3A_126 : i32
        %swap3A_128 = arith.index_cast %mul3A_127 : i32 to index
        %swap3A_129 = tpu.vector_load %arg15[%swap3A_128] {strides = array<i32>} : memref<128xi32, #tpu.memory_space<vmem>>, vector<16xi32>,
        tpu.vector_store %arg15[%swap3A_128], %get3A_125 {strides = array<i32>} : memref<128xi32, #tpu.memory_space<vmem>>, vector<16xi32>,
        %mul3A_130 = arith.constant 128 : i32
        %mul3A_131 = arith.muli %while3A_66, %mul3A_130 : i32
        %mul3A_132 = arith.constant 16 : i32
        %mul3A_133 = arith.muli %scan3A_108, %mul3A_132 : i32
        %add3A_134 = arith.addi %mul3A_131, %mul3A_133 : i32
        %get3A_135 = arith.index_cast %add3A_134 : i32 to index
        %get3A_136 = tpu.vector_load %arg13[%get3A_135] {strides = array<i32>} : memref<12288xi32, #tpu.memory_space<vmem>>, vector<16xi32>,
        %mul3A_137 = arith.constant 16 : i32
        %mul3A_138 = arith.muli %scan3A_108, %mul3A_137 : i32
        %swap3A_139 = arith.index_cast %mul3A_138 : i32 to index
        %swap3A_140 = tpu.vector_load %arg16[%swap3A_139] {strides = array<i32>} : memref<128xi32, #tpu.memory_space<vmem>>, vector<16xi32>,
        tpu.vector_store %arg16[%swap3A_139], %get3A_136 {strides = array<i32>} : memref<128xi32, #tpu.memory_space<vmem>>, vector<16xi32>,
        %scan3A_141 = arith.constant 0 : i32
        scf.yield %scan3A_141 : i32
      }
      %scan3A_74 = arith.constant 8 : i32
      %dma_start3A = arith.constant 0 : i32
      %dma_start3A_75 = arith.constant 0 : i32
      %dma_start3A_76 = tpu.memref_slice %arg2[%dma_start3A, %dma_start3A_75] : memref<10000x32xf32, #tpu.memory_space<hbm>> -> memref<10000x32xf32, #tpu.memory_space<hbm>>
      tpu.enqueue_indirect_dma source(%dma_start3A_76 : memref<10000x32xf32, #tpu.memory_space<hbm>>) target(%arg17 : memref<128x32xf32, #tpu.memory_space<vmem>>) offsets(%arg15 : memref<128xi32, #tpu.memory_space<vmem>>) semaphore(%arg22 : memref<!tpu.dma_semaphore, #tpu.memory_space<semaphore_mem>>)
      %dma_start3A_77 = arith.constant 0 : i32
      %dma_start3A_78 = arith.constant 0 : i32
      %dma_start3A_79 = tpu.memref_slice %arg3[%dma_start3A_77, %dma_start3A_78] : memref<10000x32xf32, #tpu.memory_space<hbm>> -> memref<10000x32xf32, #tpu.memory_space<hbm>>
      tpu.enqueue_indirect_dma source(%dma_start3A_79 : memref<10000x32xf32, #tpu.memory_space<hbm>>) target(%arg18 : memref<128x32xf32, #tpu.memory_space<vmem>>) offsets(%arg16 : memref<128xi32, #tpu.memory_space<vmem>>) semaphore(%arg22 : memref<!tpu.dma_semaphore, #tpu.memory_space<semaphore_mem>>)
      %dma_start3A_80 = arith.constant 0 : i32
      %dma_start3A_81 = arith.constant 0 : i32
      %dma_start3A_82 = tpu.memref_slice %arg4[%dma_start3A_80, %dma_start3A_81] : memref<320000x32xf32, #tpu.memory_space<hbm>> -> memref<320000x32xf32, #tpu.memory_space<hbm>>
      tpu.enqueue_indirect_dma source(%dma_start3A_82 : memref<320000x32xf32, #tpu.memory_space<hbm>>) target(%arg19 : memref<128x32xf32, #tpu.memory_space<vmem>>) offsets(%arg14 : memref<128xi32, #tpu.memory_space<vmem>>) semaphore(%arg22 : memref<!tpu.dma_semaphore, #tpu.memory_space<semaphore_mem>>)
      %dma_wait3A = arith.constant 0 : i32
      %dma_wait3A_83 = arith.constant 0 : i32
      %dma_wait3A_84 = tpu.memref_slice %arg2[%dma_wait3A, %dma_wait3A_83] : memref<10000x32xf32, #tpu.memory_space<hbm>> -> memref<10000x32xf32, #tpu.memory_space<hbm>>
      tpu.wait_indirect_dma semaphore(%arg22 : memref<!tpu.dma_semaphore, #tpu.memory_space<semaphore_mem>>) src(%dma_wait3A_84 : memref<10000x32xf32, #tpu.memory_space<hbm>>) dst(%arg17 : memref<128x32xf32, #tpu.memory_space<vmem>>)
      %dma_wait3A_85 = arith.constant 0 : i32
      %dma_wait3A_86 = arith.constant 0 : i32
      %dma_wait3A_87 = tpu.memref_slice %arg3[%dma_wait3A_85, %dma_wait3A_86] : memref<10000x32xf32, #tpu.memory_space<hbm>> -> memref<10000x32xf32, #tpu.memory_space<hbm>>
      tpu.wait_indirect_dma semaphore(%arg22 : memref<!tpu.dma_semaphore, #tpu.memory_space<semaphore_mem>>) src(%dma_wait3A_87 : memref<10000x32xf32, #tpu.memory_space<hbm>>) dst(%arg18 : memref<128x32xf32, #tpu.memory_space<vmem>>)
      %dma_wait3A_88 = arith.constant 0 : i32
      %dma_wait3A_89 = arith.constant 0 : i32
      %dma_wait3A_90 = tpu.memref_slice %arg4[%dma_wait3A_88, %dma_wait3A_89] : memref<320000x32xf32, #tpu.memory_space<hbm>> -> memref<320000x32xf32, #tpu.memory_space<hbm>>
      tpu.wait_indirect_dma semaphore(%arg22 : memref<!tpu.dma_semaphore, #tpu.memory_space<semaphore_mem>>) src(%dma_wait3A_90 : memref<320000x32xf32, #tpu.memory_space<hbm>>) dst(%arg19 : memref<128x32xf32, #tpu.memory_space<vmem>>)
      %mul3A_91 = arith.constant 128 : i32
      %mul3A_92 = arith.muli %while3A_66, %mul3A_91 : i32
      %sub3A_93 = arith.subi %scan3A_31, %mul3A_92 : i32
      %min3A = arith.constant 128 : i32
      %min3A_94 = arith.minsi %sub3A_93, %min3A : i32
      %while3A_95 = arith.constant 0 : i32
      %while3A_96 = arith.constant 0 : i32
      %while3A_97 = arith.subi %min3A_94, %while3A_95 : i32
      %while3A_98 = arith.addi %while3A_95, %while3A_97 : i32
      %while3A_99 = arith.constant 1 : i32
      %while3A_100 = arith.divsi %while3A_97, %while3A_99 : i32
      %while3A_101 = arith.muli %while3A_100, %while3A_99 : i32
      %while3A_102 = arith.addi %while3A_95, %while3A_101 : i32
      %while3A_103 = arith.constant 1 : i32
      %while3A_104 = scf.for %while3A_108 = %while3A_95 to %while3A_102 step %while3A_103 iter_args(%while3A_109 = %while3A_96) -> (i32)  : i32 {
        %broadcast_in_dim3A_110 = vector.broadcast %while3A_108 : i32 to vector<16xi32>
        %gather3A = tpu.vector_load_idx %arg15[%broadcast_in_dim3A_110] : memref<128xi32, #tpu.memory_space<vmem>>[vector<16xi32>], vector<16xi32>,
        %slice3A = vector.extract_strided_slice %gather3A {offsets = [0], sizes = [1], strides = [1]} : vector<16xi32> to vector<1xi32>
        %squeeze3A = vector.extract %slice3A[0] : i32 from vector<1xi32>
        %sub3A_111 = arith.subi %squeeze3A, %mul3A_2 : i32
        %get3A = arith.index_cast %while3A_108 : i32 to index
        %get3A_112 = arith.constant 0 : index
        %get3A_113 = tpu.vector_load %arg17[%get3A, %get3A_112] {strides = array<i32>} : memref<128x32xf32, #tpu.memory_space<vmem>>, vector<16xf32>,
        %get3A_114 = arith.index_cast %while3A_108 : i32 to index
        %get3A_115 = arith.constant 0 : index
        %get3A_116 = tpu.vector_load %arg18[%get3A_114, %get3A_115] {strides = array<i32>} : memref<128x32xf32, #tpu.memory_space<vmem>>, vector<16xf32>,
        %add3A_117 = arith.addf %get3A_113, %get3A_116 : vector<16xf32>
        %get3A_118 = arith.index_cast %while3A_108 : i32 to index
        %get3A_119 = arith.constant 0 : index
        %get3A_120 = tpu.vector_load %arg19[%get3A_118, %get3A_119] {strides = array<i32>} : memref<128x32xf32, #tpu.memory_space<vmem>>, vector<16xf32>,
        %add3A_121 = arith.addf %add3A_117, %get3A_120 : vector<16xf32>
        %get3A_122 = arith.index_cast %while3A_108 : i32 to index
        %get3A_123 = arith.constant 16 : index
        %get3A_124 = tpu.vector_load %arg17[%get3A_122, %get3A_123] {strides = array<i32>} : memref<128x32xf32, #tpu.memory_space<vmem>>, vector<16xf32>,
        %get3A_125 = arith.index_cast %while3A_108 : i32 to index
        %get3A_126 = arith.constant 16 : index
        %get3A_127 = tpu.vector_load %arg18[%get3A_125, %get3A_126] {strides = array<i32>} : memref<128x32xf32, #tpu.memory_space<vmem>>, vector<16xf32>,
        %add3A_128 = arith.addf %get3A_124, %get3A_127 : vector<16xf32>
        %get3A_129 = arith.index_cast %while3A_108 : i32 to index
        %get3A_130 = arith.constant 16 : index
        %get3A_131 = tpu.vector_load %arg19[%get3A_129, %get3A_130] {strides = array<i32>} : memref<128x32xf32, #tpu.memory_space<vmem>>, vector<16xf32>,
        %add3A_132 = arith.addf %add3A_128, %get3A_131 : vector<16xf32>
        %mul3A_133 = arith.constant 32 : i32
        %mul3A_134 = arith.muli %sub3A_111, %mul3A_133 : i32
        %get3A_135 = arith.index_cast %mul3A_134 : i32 to index
        %get3A_136 = tpu.vector_load %arg20[%get3A_135] {strides = array<i32>} : memref<10240xf32, #tpu.memory_space<vmem>>, vector<16xf32>,
        %mul3A_137 = arith.constant 32 : i32
        %mul3A_138 = arith.muli %sub3A_111, %mul3A_137 : i32
        %add3A_139 = arith.constant 16 : i32
        %add3A_140 = arith.addi %mul3A_138, %add3A_139 : i32
        %get3A_141 = arith.index_cast %add3A_140 : i32 to index
        %get3A_142 = tpu.vector_load %arg20[%get3A_141] {strides = array<i32>} : memref<10240xf32, #tpu.memory_space<vmem>>, vector<16xf32>,
        %max3A = arith.maximumf %get3A_136, %add3A_121 : vector<16xf32>
        %mul3A_143 = arith.constant 32 : i32
        %mul3A_144 = arith.muli %sub3A_111, %mul3A_143 : i32
        %swap3A = arith.index_cast %mul3A_144 : i32 to index
        %swap3A_145 = tpu.vector_load %arg20[%swap3A] {strides = array<i32>} : memref<10240xf32, #tpu.memory_space<vmem>>, vector<16xf32>,
        tpu.vector_store %arg20[%swap3A], %max3A {strides = array<i32>} : memref<10240xf32, #tpu.memory_space<vmem>>, vector<16xf32>,
        %max3A_146 = arith.maximumf %get3A_142, %add3A_132 : vector<16xf32>
        %mul3A_147 = arith.constant 32 : i32
        %mul3A_148 = arith.muli %sub3A_111, %mul3A_147 : i32
        %add3A_149 = arith.constant 16 : i32
        %add3A_150 = arith.addi %mul3A_148, %add3A_149 : i32
        %swap3A_151 = arith.index_cast %add3A_150 : i32 to index
        %swap3A_152 = tpu.vector_load %arg20[%swap3A_151] {strides = array<i32>} : memref<10240xf32, #tpu.memory_space<vmem>>, vector<16xf32>,
        tpu.vector_store %arg20[%swap3A_151], %max3A_146 {strides = array<i32>} : memref<10240xf32, #tpu.memory_space<vmem>>, vector<16xf32>,
        %while3A_153 = arith.constant 0 : i32
        scf.yield %while3A_153 : i32
      }
      %while3A_105 = arith.constant 1 : i32
      %while3A_106 = scf.for %while3A_108 = %while3A_102 to %while3A_98 step %while3A_105 iter_args(%while3A_109 = %while3A_104) -> (i32)  : i32 {
        %broadcast_in_dim3A_110 = vector.broadcast %while3A_108 : i32 to vector<16xi32>
        %gather3A = tpu.vector_load_idx %arg15[%broadcast_in_dim3A_110] : memref<128xi32, #tpu.memory_space<vmem>>[vector<16xi32>], vector<16xi32>,
        %slice3A = vector.extract_strided_slice %gather3A {offsets = [0], sizes = [1], strides = [1]} : vector<16xi32> to vector<1xi32>
        %squeeze3A = vector.extract %slice3A[0] : i32 from vector<1xi32>
        %sub3A_111 = arith.subi %squeeze3A, %mul3A_2 : i32
        %get3A = arith.index_cast %while3A_108 : i32 to index
        %get3A_112 = arith.constant 0 : index
        %get3A_113 = tpu.vector_load %arg17[%get3A, %get3A_112] {strides = array<i32>} : memref<128x32xf32, #tpu.memory_space<vmem>>, vector<16xf32>,
        %get3A_114 = arith.index_cast %while3A_108 : i32 to index
        %get3A_115 = arith.constant 0 : index
        %get3A_116 = tpu.vector_load %arg18[%get3A_114, %get3A_115] {strides = array<i32>} : memref<128x32xf32, #tpu.memory_space<vmem>>, vector<16xf32>,
        %add3A_117 = arith.addf %get3A_113, %get3A_116 : vector<16xf32>
        %get3A_118 = arith.index_cast %while3A_108 : i32 to index
        %get3A_119 = arith.constant 0 : index
        %get3A_120 = tpu.vector_load %arg19[%get3A_118, %get3A_119] {strides = array<i32>} : memref<128x32xf32, #tpu.memory_space<vmem>>, vector<16xf32>,
        %add3A_121 = arith.addf %add3A_117, %get3A_120 : vector<16xf32>
        %get3A_122 = arith.index_cast %while3A_108 : i32 to index
        %get3A_123 = arith.constant 16 : index
        %get3A_124 = tpu.vector_load %arg17[%get3A_122, %get3A_123] {strides = array<i32>} : memref<128x32xf32, #tpu.memory_space<vmem>>, vector<16xf32>,
        %get3A_125 = arith.index_cast %while3A_108 : i32 to index
        %get3A_126 = arith.constant 16 : index
        %get3A_127 = tpu.vector_load %arg18[%get3A_125, %get3A_126] {strides = array<i32>} : memref<128x32xf32, #tpu.memory_space<vmem>>, vector<16xf32>,
        %add3A_128 = arith.addf %get3A_124, %get3A_127 : vector<16xf32>
        %get3A_129 = arith.index_cast %while3A_108 : i32 to index
        %get3A_130 = arith.constant 16 : index
        %get3A_131 = tpu.vector_load %arg19[%get3A_129, %get3A_130] {strides = array<i32>} : memref<128x32xf32, #tpu.memory_space<vmem>>, vector<16xf32>,
        %add3A_132 = arith.addf %add3A_128, %get3A_131 : vector<16xf32>
        %mul3A_133 = arith.constant 32 : i32
        %mul3A_134 = arith.muli %sub3A_111, %mul3A_133 : i32
        %get3A_135 = arith.index_cast %mul3A_134 : i32 to index
        %get3A_136 = tpu.vector_load %arg20[%get3A_135] {strides = array<i32>} : memref<10240xf32, #tpu.memory_space<vmem>>, vector<16xf32>,
        %mul3A_137 = arith.constant 32 : i32
        %mul3A_138 = arith.muli %sub3A_111, %mul3A_137 : i32
        %add3A_139 = arith.constant 16 : i32
        %add3A_140 = arith.addi %mul3A_138, %add3A_139 : i32
        %get3A_141 = arith.index_cast %add3A_140 : i32 to index
        %get3A_142 = tpu.vector_load %arg20[%get3A_141] {strides = array<i32>} : memref<10240xf32, #tpu.memory_space<vmem>>, vector<16xf32>,
        %max3A = arith.maximumf %get3A_136, %add3A_121 : vector<16xf32>
        %mul3A_143 = arith.constant 32 : i32
        %mul3A_144 = arith.muli %sub3A_111, %mul3A_143 : i32
        %swap3A = arith.index_cast %mul3A_144 : i32 to index
        %swap3A_145 = tpu.vector_load %arg20[%swap3A] {strides = array<i32>} : memref<10240xf32, #tpu.memory_space<vmem>>, vector<16xf32>,
        tpu.vector_store %arg20[%swap3A], %max3A {strides = array<i32>} : memref<10240xf32, #tpu.memory_space<vmem>>, vector<16xf32>,
        %max3A_146 = arith.maximumf %get3A_142, %add3A_132 : vector<16xf32>
        %mul3A_147 = arith.constant 32 : i32
        %mul3A_148 = arith.muli %sub3A_111, %mul3A_147 : i32
        %add3A_149 = arith.constant 16 : i32
        %add3A_150 = arith.addi %mul3A_148, %add3A_149 : i32
        %swap3A_151 = arith.index_cast %add3A_150 : i32 to index
        %swap3A_152 = tpu.vector_load %arg20[%swap3A_151] {strides = array<i32>} : memref<10240xf32, #tpu.memory_space<vmem>>, vector<16xf32>,
        tpu.vector_store %arg20[%swap3A_151], %max3A_146 {strides = array<i32>} : memref<10240xf32, #tpu.memory_space<vmem>>, vector<16xf32>,
        %while3A_153 = arith.constant 0 : i32
        scf.yield %while3A_153 : i32
      }
      %while3A_107 = arith.constant 0 : i32
      scf.yield %while3A_107 : i32
    }
    %while3A_62 = arith.constant 1 : i32
    %while3A_63 = scf.for %while3A_66 = %while3A_59 to %while3A_55 step %while3A_62 iter_args(%while3A_67 = %while3A_61) -> (i32)  : i32 {
      %scan3A_68 = arith.constant 0 : i32
      %scan3A_69 = arith.constant 0 : i32
      %scan3A_70 = arith.constant 8 : i32
      %scan3A_71 = arith.addi %scan3A_69, %scan3A_70 : i32
      %scan3A_72 = arith.constant 1 : i32
      %scan3A_73 = scf.for %scan3A_108 = %scan3A_69 to %scan3A_71 step %scan3A_72 iter_args(%scan3A_109 = %scan3A_68) -> (i32)  : i32 {
        %mul3A_110 = arith.constant 128 : i32
        %mul3A_111 = arith.muli %while3A_66, %mul3A_110 : i32
        %mul3A_112 = arith.constant 16 : i32
        %mul3A_113 = arith.muli %scan3A_108, %mul3A_112 : i32
        %add3A_114 = arith.addi %mul3A_111, %mul3A_113 : i32
        %get3A = arith.index_cast %add3A_114 : i32 to index
        %get3A_115 = tpu.vector_load %arg11[%get3A] {strides = array<i32>} : memref<12288xi32, #tpu.memory_space<vmem>>, vector<16xi32>,
        %mul3A_116 = arith.constant 16 : i32
        %mul3A_117 = arith.muli %scan3A_108, %mul3A_116 : i32
        %swap3A = arith.index_cast %mul3A_117 : i32 to index
        %swap3A_118 = tpu.vector_load %arg14[%swap3A] {strides = array<i32>} : memref<128xi32, #tpu.memory_space<vmem>>, vector<16xi32>,
        tpu.vector_store %arg14[%swap3A], %get3A_115 {strides = array<i32>} : memref<128xi32, #tpu.memory_space<vmem>>, vector<16xi32>,
        %mul3A_119 = arith.constant 128 : i32
        %mul3A_120 = arith.muli %while3A_66, %mul3A_119 : i32
        %mul3A_121 = arith.constant 16 : i32
        %mul3A_122 = arith.muli %scan3A_108, %mul3A_121 : i32
        %add3A_123 = arith.addi %mul3A_120, %mul3A_122 : i32
        %get3A_124 = arith.index_cast %add3A_123 : i32 to index
        %get3A_125 = tpu.vector_load %arg12[%get3A_124] {strides = array<i32>} : memref<12288xi32, #tpu.memory_space<vmem>>, vector<16xi32>,
        %mul3A_126 = arith.constant 16 : i32
        %mul3A_127 = arith.muli %scan3A_108, %mul3A_126 : i32
        %swap3A_128 = arith.index_cast %mul3A_127 : i32 to index
        %swap3A_129 = tpu.vector_load %arg15[%swap3A_128] {strides = array<i32>} : memref<128xi32, #tpu.memory_space<vmem>>, vector<16xi32>,
        tpu.vector_store %arg15[%swap3A_128], %get3A_125 {strides = array<i32>} : memref<128xi32, #tpu.memory_space<vmem>>, vector<16xi32>,
        %mul3A_130 = arith.constant 128 : i32
        %mul3A_131 = arith.muli %while3A_66, %mul3A_130 : i32
        %mul3A_132 = arith.constant 16 : i32
        %mul3A_133 = arith.muli %scan3A_108, %mul3A_132 : i32
        %add3A_134 = arith.addi %mul3A_131, %mul3A_133 : i32
        %get3A_135 = arith.index_cast %add3A_134 : i32 to index
        %get3A_136 = tpu.vector_load %arg13[%get3A_135] {strides = array<i32>} : memref<12288xi32, #tpu.memory_space<vmem>>, vector<16xi32>,
        %mul3A_137 = arith.constant 16 : i32
        %mul3A_138 = arith.muli %scan3A_108, %mul3A_137 : i32
        %swap3A_139 = arith.index_cast %mul3A_138 : i32 to index
        %swap3A_140 = tpu.vector_load %arg16[%swap3A_139] {strides = array<i32>} : memref<128xi32, #tpu.memory_space<vmem>>, vector<16xi32>,
        tpu.vector_store %arg16[%swap3A_139], %get3A_136 {strides = array<i32>} : memref<128xi32, #tpu.memory_space<vmem>>, vector<16xi32>,
        %scan3A_141 = arith.constant 0 : i32
        scf.yield %scan3A_141 : i32
      }
      %scan3A_74 = arith.constant 8 : i32
      %dma_start3A = arith.constant 0 : i32
      %dma_start3A_75 = arith.constant 0 : i32
      %dma_start3A_76 = tpu.memref_slice %arg2[%dma_start3A, %dma_start3A_75] : memref<10000x32xf32, #tpu.memory_space<hbm>> -> memref<10000x32xf32, #tpu.memory_space<hbm>>
      tpu.enqueue_indirect_dma source(%dma_start3A_76 : memref<10000x32xf32, #tpu.memory_space<hbm>>) target(%arg17 : memref<128x32xf32, #tpu.memory_space<vmem>>) offsets(%arg15 : memref<128xi32, #tpu.memory_space<vmem>>) semaphore(%arg22 : memref<!tpu.dma_semaphore, #tpu.memory_space<semaphore_mem>>)
      %dma_start3A_77 = arith.constant 0 : i32
      %dma_start3A_78 = arith.constant 0 : i32
      %dma_start3A_79 = tpu.memref_slice %arg3[%dma_start3A_77, %dma_start3A_78] : memref<10000x32xf32, #tpu.memory_space<hbm>> -> memref<10000x32xf32, #tpu.memory_space<hbm>>
      tpu.enqueue_indirect_dma source(%dma_start3A_79 : memref<10000x32xf32, #tpu.memory_space<hbm>>) target(%arg18 : memref<128x32xf32, #tpu.memory_space<vmem>>) offsets(%arg16 : memref<128xi32, #tpu.memory_space<vmem>>) semaphore(%arg22 : memref<!tpu.dma_semaphore, #tpu.memory_space<semaphore_mem>>)
      %dma_start3A_80 = arith.constant 0 : i32
      %dma_start3A_81 = arith.constant 0 : i32
      %dma_start3A_82 = tpu.memref_slice %arg4[%dma_start3A_80, %dma_start3A_81] : memref<320000x32xf32, #tpu.memory_space<hbm>> -> memref<320000x32xf32, #tpu.memory_space<hbm>>
      tpu.enqueue_indirect_dma source(%dma_start3A_82 : memref<320000x32xf32, #tpu.memory_space<hbm>>) target(%arg19 : memref<128x32xf32, #tpu.memory_space<vmem>>) offsets(%arg14 : memref<128xi32, #tpu.memory_space<vmem>>) semaphore(%arg22 : memref<!tpu.dma_semaphore, #tpu.memory_space<semaphore_mem>>)
      %dma_wait3A = arith.constant 0 : i32
      %dma_wait3A_83 = arith.constant 0 : i32
      %dma_wait3A_84 = tpu.memref_slice %arg2[%dma_wait3A, %dma_wait3A_83] : memref<10000x32xf32, #tpu.memory_space<hbm>> -> memref<10000x32xf32, #tpu.memory_space<hbm>>
      tpu.wait_indirect_dma semaphore(%arg22 : memref<!tpu.dma_semaphore, #tpu.memory_space<semaphore_mem>>) src(%dma_wait3A_84 : memref<10000x32xf32, #tpu.memory_space<hbm>>) dst(%arg17 : memref<128x32xf32, #tpu.memory_space<vmem>>)
      %dma_wait3A_85 = arith.constant 0 : i32
      %dma_wait3A_86 = arith.constant 0 : i32
      %dma_wait3A_87 = tpu.memref_slice %arg3[%dma_wait3A_85, %dma_wait3A_86] : memref<10000x32xf32, #tpu.memory_space<hbm>> -> memref<10000x32xf32, #tpu.memory_space<hbm>>
      tpu.wait_indirect_dma semaphore(%arg22 : memref<!tpu.dma_semaphore, #tpu.memory_space<semaphore_mem>>) src(%dma_wait3A_87 : memref<10000x32xf32, #tpu.memory_space<hbm>>) dst(%arg18 : memref<128x32xf32, #tpu.memory_space<vmem>>)
      %dma_wait3A_88 = arith.constant 0 : i32
      %dma_wait3A_89 = arith.constant 0 : i32
      %dma_wait3A_90 = tpu.memref_slice %arg4[%dma_wait3A_88, %dma_wait3A_89] : memref<320000x32xf32, #tpu.memory_space<hbm>> -> memref<320000x32xf32, #tpu.memory_space<hbm>>
      tpu.wait_indirect_dma semaphore(%arg22 : memref<!tpu.dma_semaphore, #tpu.memory_space<semaphore_mem>>) src(%dma_wait3A_90 : memref<320000x32xf32, #tpu.memory_space<hbm>>) dst(%arg19 : memref<128x32xf32, #tpu.memory_space<vmem>>)
      %mul3A_91 = arith.constant 128 : i32
      %mul3A_92 = arith.muli %while3A_66, %mul3A_91 : i32
      %sub3A_93 = arith.subi %scan3A_31, %mul3A_92 : i32
      %min3A = arith.constant 128 : i32
      %min3A_94 = arith.minsi %sub3A_93, %min3A : i32
      %while3A_95 = arith.constant 0 : i32
      %while3A_96 = arith.constant 0 : i32
      %while3A_97 = arith.subi %min3A_94, %while3A_95 : i32
      %while3A_98 = arith.addi %while3A_95, %while3A_97 : i32
      %while3A_99 = arith.constant 1 : i32
      %while3A_100 = arith.divsi %while3A_97, %while3A_99 : i32
      %while3A_101 = arith.muli %while3A_100, %while3A_99 : i32
      %while3A_102 = arith.addi %while3A_95, %while3A_101 : i32
      %while3A_103 = arith.constant 1 : i32
      %while3A_104 = scf.for %while3A_108 = %while3A_95 to %while3A_102 step %while3A_103 iter_args(%while3A_109 = %while3A_96) -> (i32)  : i32 {
        %broadcast_in_dim3A_110 = vector.broadcast %while3A_108 : i32 to vector<16xi32>
        %gather3A = tpu.vector_load_idx %arg15[%broadcast_in_dim3A_110] : memref<128xi32, #tpu.memory_space<vmem>>[vector<16xi32>], vector<16xi32>,
        %slice3A = vector.extract_strided_slice %gather3A {offsets = [0], sizes = [1], strides = [1]} : vector<16xi32> to vector<1xi32>
        %squeeze3A = vector.extract %slice3A[0] : i32 from vector<1xi32>
        %sub3A_111 = arith.subi %squeeze3A, %mul3A_2 : i32
        %get3A = arith.index_cast %while3A_108 : i32 to index
        %get3A_112 = arith.constant 0 : index
        %get3A_113 = tpu.vector_load %arg17[%get3A, %get3A_112] {strides = array<i32>} : memref<128x32xf32, #tpu.memory_space<vmem>>, vector<16xf32>,
        %get3A_114 = arith.index_cast %while3A_108 : i32 to index
        %get3A_115 = arith.constant 0 : index
        %get3A_116 = tpu.vector_load %arg18[%get3A_114, %get3A_115] {strides = array<i32>} : memref<128x32xf32, #tpu.memory_space<vmem>>, vector<16xf32>,
        %add3A_117 = arith.addf %get3A_113, %get3A_116 : vector<16xf32>
        %get3A_118 = arith.index_cast %while3A_108 : i32 to index
        %get3A_119 = arith.constant 0 : index
        %get3A_120 = tpu.vector_load %arg19[%get3A_118, %get3A_119] {strides = array<i32>} : memref<128x32xf32, #tpu.memory_space<vmem>>, vector<16xf32>,
        %add3A_121 = arith.addf %add3A_117, %get3A_120 : vector<16xf32>
        %get3A_122 = arith.index_cast %while3A_108 : i32 to index
        %get3A_123 = arith.constant 16 : index
        %get3A_124 = tpu.vector_load %arg17[%get3A_122, %get3A_123] {strides = array<i32>} : memref<128x32xf32, #tpu.memory_space<vmem>>, vector<16xf32>,
        %get3A_125 = arith.index_cast %while3A_108 : i32 to index
        %get3A_126 = arith.constant 16 : index
        %get3A_127 = tpu.vector_load %arg18[%get3A_125, %get3A_126] {strides = array<i32>} : memref<128x32xf32, #tpu.memory_space<vmem>>, vector<16xf32>,
        %add3A_128 = arith.addf %get3A_124, %get3A_127 : vector<16xf32>
        %get3A_129 = arith.index_cast %while3A_108 : i32 to index
        %get3A_130 = arith.constant 16 : index
        %get3A_131 = tpu.vector_load %arg19[%get3A_129, %get3A_130] {strides = array<i32>} : memref<128x32xf32, #tpu.memory_space<vmem>>, vector<16xf32>,
        %add3A_132 = arith.addf %add3A_128, %get3A_131 : vector<16xf32>
        %mul3A_133 = arith.constant 32 : i32
        %mul3A_134 = arith.muli %sub3A_111, %mul3A_133 : i32
        %get3A_135 = arith.index_cast %mul3A_134 : i32 to index
        %get3A_136 = tpu.vector_load %arg20[%get3A_135] {strides = array<i32>} : memref<10240xf32, #tpu.memory_space<vmem>>, vector<16xf32>,
        %mul3A_137 = arith.constant 32 : i32
        %mul3A_138 = arith.muli %sub3A_111, %mul3A_137 : i32
        %add3A_139 = arith.constant 16 : i32
        %add3A_140 = arith.addi %mul3A_138, %add3A_139 : i32
        %get3A_141 = arith.index_cast %add3A_140 : i32 to index
        %get3A_142 = tpu.vector_load %arg20[%get3A_141] {strides = array<i32>} : memref<10240xf32, #tpu.memory_space<vmem>>, vector<16xf32>,
        %max3A = arith.maximumf %get3A_136, %add3A_121 : vector<16xf32>
        %mul3A_143 = arith.constant 32 : i32
        %mul3A_144 = arith.muli %sub3A_111, %mul3A_143 : i32
        %swap3A = arith.index_cast %mul3A_144 : i32 to index
        %swap3A_145 = tpu.vector_load %arg20[%swap3A] {strides = array<i32>} : memref<10240xf32, #tpu.memory_space<vmem>>, vector<16xf32>,
        tpu.vector_store %arg20[%swap3A], %max3A {strides = array<i32>} : memref<10240xf32, #tpu.memory_space<vmem>>, vector<16xf32>,
        %max3A_146 = arith.maximumf %get3A_142, %add3A_132 : vector<16xf32>
        %mul3A_147 = arith.constant 32 : i32
        %mul3A_148 = arith.muli %sub3A_111, %mul3A_147 : i32
        %add3A_149 = arith.constant 16 : i32
        %add3A_150 = arith.addi %mul3A_148, %add3A_149 : i32
        %swap3A_151 = arith.index_cast %add3A_150 : i32 to index
        %swap3A_152 = tpu.vector_load %arg20[%swap3A_151] {strides = array<i32>} : memref<10240xf32, #tpu.memory_space<vmem>>, vector<16xf32>,
        tpu.vector_store %arg20[%swap3A_151], %max3A_146 {strides = array<i32>} : memref<10240xf32, #tpu.memory_space<vmem>>, vector<16xf32>,
        %while3A_153 = arith.constant 0 : i32
        scf.yield %while3A_153 : i32
      }
      %while3A_105 = arith.constant 1 : i32
      %while3A_106 = scf.for %while3A_108 = %while3A_102 to %while3A_98 step %while3A_105 iter_args(%while3A_109 = %while3A_104) -> (i32)  : i32 {
        %broadcast_in_dim3A_110 = vector.broadcast %while3A_108 : i32 to vector<16xi32>
        %gather3A = tpu.vector_load_idx %arg15[%broadcast_in_dim3A_110] : memref<128xi32, #tpu.memory_space<vmem>>[vector<16xi32>], vector<16xi32>,
        %slice3A = vector.extract_strided_slice %gather3A {offsets = [0], sizes = [1], strides = [1]} : vector<16xi32> to vector<1xi32>
        %squeeze3A = vector.extract %slice3A[0] : i32 from vector<1xi32>
        %sub3A_111 = arith.subi %squeeze3A, %mul3A_2 : i32
        %get3A = arith.index_cast %while3A_108 : i32 to index
        %get3A_112 = arith.constant 0 : index
        %get3A_113 = tpu.vector_load %arg17[%get3A, %get3A_112] {strides = array<i32>} : memref<128x32xf32, #tpu.memory_space<vmem>>, vector<16xf32>,
        %get3A_114 = arith.index_cast %while3A_108 : i32 to index
        %get3A_115 = arith.constant 0 : index
        %get3A_116 = tpu.vector_load %arg18[%get3A_114, %get3A_115] {strides = array<i32>} : memref<128x32xf32, #tpu.memory_space<vmem>>, vector<16xf32>,
        %add3A_117 = arith.addf %get3A_113, %get3A_116 : vector<16xf32>
        %get3A_118 = arith.index_cast %while3A_108 : i32 to index
        %get3A_119 = arith.constant 0 : index
        %get3A_120 = tpu.vector_load %arg19[%get3A_118, %get3A_119] {strides = array<i32>} : memref<128x32xf32, #tpu.memory_space<vmem>>, vector<16xf32>,
        %add3A_121 = arith.addf %add3A_117, %get3A_120 : vector<16xf32>
        %get3A_122 = arith.index_cast %while3A_108 : i32 to index
        %get3A_123 = arith.constant 16 : index
        %get3A_124 = tpu.vector_load %arg17[%get3A_122, %get3A_123] {strides = array<i32>} : memref<128x32xf32, #tpu.memory_space<vmem>>, vector<16xf32>,
        %get3A_125 = arith.index_cast %while3A_108 : i32 to index
        %get3A_126 = arith.constant 16 : index
        %get3A_127 = tpu.vector_load %arg18[%get3A_125, %get3A_126] {strides = array<i32>} : memref<128x32xf32, #tpu.memory_space<vmem>>, vector<16xf32>,
        %add3A_128 = arith.addf %get3A_124, %get3A_127 : vector<16xf32>
        %get3A_129 = arith.index_cast %while3A_108 : i32 to index
        %get3A_130 = arith.constant 16 : index
        %get3A_131 = tpu.vector_load %arg19[%get3A_129, %get3A_130] {strides = array<i32>} : memref<128x32xf32, #tpu.memory_space<vmem>>, vector<16xf32>,
        %add3A_132 = arith.addf %add3A_128, %get3A_131 : vector<16xf32>
        %mul3A_133 = arith.constant 32 : i32
        %mul3A_134 = arith.muli %sub3A_111, %mul3A_133 : i32
        %get3A_135 = arith.index_cast %mul3A_134 : i32 to index
        %get3A_136 = tpu.vector_load %arg20[%get3A_135] {strides = array<i32>} : memref<10240xf32, #tpu.memory_space<vmem>>, vector<16xf32>,
        %mul3A_137 = arith.constant 32 : i32
        %mul3A_138 = arith.muli %sub3A_111, %mul3A_137 : i32
        %add3A_139 = arith.constant 16 : i32
        %add3A_140 = arith.addi %mul3A_138, %add3A_139 : i32
        %get3A_141 = arith.index_cast %add3A_140 : i32 to index
        %get3A_142 = tpu.vector_load %arg20[%get3A_141] {strides = array<i32>} : memref<10240xf32, #tpu.memory_space<vmem>>, vector<16xf32>,
        %max3A = arith.maximumf %get3A_136, %add3A_121 : vector<16xf32>
        %mul3A_143 = arith.constant 32 : i32
        %mul3A_144 = arith.muli %sub3A_111, %mul3A_143 : i32
        %swap3A = arith.index_cast %mul3A_144 : i32 to index
        %swap3A_145 = tpu.vector_load %arg20[%swap3A] {strides = array<i32>} : memref<10240xf32, #tpu.memory_space<vmem>>, vector<16xf32>,
        tpu.vector_store %arg20[%swap3A], %max3A {strides = array<i32>} : memref<10240xf32, #tpu.memory_space<vmem>>, vector<16xf32>,
        %max3A_146 = arith.maximumf %get3A_142, %add3A_132 : vector<16xf32>
        %mul3A_147 = arith.constant 32 : i32
        %mul3A_148 = arith.muli %sub3A_111, %mul3A_147 : i32
        %add3A_149 = arith.constant 16 : i32
        %add3A_150 = arith.addi %mul3A_148, %add3A_149 : i32
        %swap3A_151 = arith.index_cast %add3A_150 : i32 to index
        %swap3A_152 = tpu.vector_load %arg20[%swap3A_151] {strides = array<i32>} : memref<10240xf32, #tpu.memory_space<vmem>>, vector<16xf32>,
        tpu.vector_store %arg20[%swap3A_151], %max3A_146 {strides = array<i32>} : memref<10240xf32, #tpu.memory_space<vmem>>, vector<16xf32>,
        %while3A_153 = arith.constant 0 : i32
        scf.yield %while3A_153 : i32
      }
      %while3A_107 = arith.constant 0 : i32
      scf.yield %while3A_107 : i32
    }
    %mul3A_64 = arith.constant 32 : i32
    %mul3A_65 = arith.muli %mul3A_2, %mul3A_64 : i32
    "tpu.region"() ({
      %run_scoped3A = tpu.sem_alloc : memref<!tpu.dma_semaphore, #tpu.memory_space<semaphore_mem>>
      %dma_start3A = tpu.memref_slice %arg7[%mul3A_65] : memref<327680xf32, #tpu.memory_space<hbm>> -> memref<10240xf32, #tpu.memory_space<hbm>>
      %dma_start3A_66 = tpu.memref_slice %arg7[%mul3A_65] : memref<327680xf32, #tpu.memory_space<hbm>> -> memref<10240xf32, #tpu.memory_space<hbm>>
      tpu.enqueue_dma source(%arg20 : memref<10240xf32, #tpu.memory_space<vmem>>) target(%dma_start3A_66 : memref<10240xf32, #tpu.memory_space<hbm>>) target_semaphore(%run_scoped3A : memref<!tpu.dma_semaphore, #tpu.memory_space<semaphore_mem>>)
      %dma_wait3A = tpu.memref_slice %arg7[%mul3A_65] : memref<327680xf32, #tpu.memory_space<hbm>> -> memref<10240xf32, #tpu.memory_space<hbm>>
      %dma_wait3A_67 = tpu.memref_slice %arg7[%mul3A_65] : memref<327680xf32, #tpu.memory_space<hbm>> -> memref<10240xf32, #tpu.memory_space<hbm>>
      tpu.wait_dma2 semaphore(%run_scoped3A : memref<!tpu.dma_semaphore, #tpu.memory_space<semaphore_mem>>) src(%arg20 : memref<10240xf32, #tpu.memory_space<vmem>>) dst(%dma_wait3A_67 : memref<10240xf32, #tpu.memory_space<hbm>>)
      tpu.yield
    }) : () -> ()
    "tpu.region"() ({
      %run_scoped3A = tpu.sem_alloc : memref<!tpu.dma_semaphore, #tpu.memory_space<semaphore_mem>>
      %dma_start3A = tpu.memref_slice %arg8[%mul3A_2] : memref<10240xf32, #tpu.memory_space<hbm>> -> memref<320xf32, #tpu.memory_space<hbm>>
      %dma_start3A_66 = tpu.memref_slice %arg8[%mul3A_2] : memref<10240xf32, #tpu.memory_space<hbm>> -> memref<320xf32, #tpu.memory_space<hbm>>
      tpu.enqueue_dma source(%arg21 : memref<320xf32, #tpu.memory_space<vmem>>) target(%dma_start3A_66 : memref<320xf32, #tpu.memory_space<hbm>>) target_semaphore(%run_scoped3A : memref<!tpu.dma_semaphore, #tpu.memory_space<semaphore_mem>>)
      %dma_wait3A = tpu.memref_slice %arg8[%mul3A_2] : memref<10240xf32, #tpu.memory_space<hbm>> -> memref<320xf32, #tpu.memory_space<hbm>>
      %dma_wait3A_67 = tpu.memref_slice %arg8[%mul3A_2] : memref<10240xf32, #tpu.memory_space<hbm>> -> memref<320xf32, #tpu.memory_space<hbm>>
      tpu.wait_dma2 semaphore(%run_scoped3A : memref<!tpu.dma_semaphore, #tpu.memory_space<semaphore_mem>>) src(%arg21 : memref<320xf32, #tpu.memory_space<vmem>>) dst(%dma_wait3A_67 : memref<320xf32, #tpu.memory_space<hbm>>)
      tpu.yield
    }) : () -> ()
    return
  }
}

module attributes {stable_mosaic.version = 14 : i64} {
  func.func @_node_proj_body(%arg0: i32, %arg1: memref<1000x128xf32, #tpu.memory_space<vmem>>, %arg2: memref<272x32xf32, #tpu.memory_space<vmem>>, %arg3: memref<1000x32xf32, #tpu.memory_space<vmem>>, %arg4: memref<1000x32xf32, #tpu.memory_space<vmem>>) attributes {dimension_semantics = [#tpu.dimension_semantics<arbitrary>], iteration_bounds = array<i64: 10>, scalar_prefetch = 0 : i64, scratch_operands = 0 : i64, tpu.core_type = #tpu.core_type<tc>, window_params = [{transform_indices = @transform_0, window_bounds = array<i64: 1000, 128>}, {pipeline_mode = #tpu.pipeline_mode<synchronous>, transform_indices = @transform_1, window_bounds = array<i64: 272, 32>}, {transform_indices = @transform_2, window_bounds = array<i64: 1000, 32>}, {transform_indices = @transform_3, window_bounds = array<i64: 1000, 32>}]} {
    %get3A = arith.constant 0 : index
    %get3A_0 = arith.constant 0 : index
    %get3A_1 = vector.load %arg1[%get3A, %get3A_0] : memref<1000x128xf32, #tpu.memory_space<vmem>>, vector<1000x128xf32>
    %get3A_2 = arith.constant 0 : index
    %get3A_3 = arith.constant 0 : index
    %get3A_4 = vector.load %arg2[%get3A_2, %get3A_3] : memref<272x32xf32, #tpu.memory_space<vmem>>, vector<272x32xf32>
    %slice3A = vector.extract_strided_slice %get3A_4 {offsets = [0, 0], sizes = [128, 32], strides = [1, 1]} : vector<272x32xf32> to vector<128x32xf32>
    %dot_general3A = arith.constant dense<0.000000e+00> : vector<1000x32xf32>
    %dot_general3A_5 = tpu.matmul %get3A_1, %slice3A, %dot_general3A {dimension_numbers = #tpu.dot_dimension_numbers<[1], [0], [0], [1], [0, 0, 1, 1], [], []>, transpose_lhs_hint = false} : vector<1000x128xf32>, vector<128x32xf32>, vector<1000x32xf32> -> vector<1000x32xf32>
    %swap3A = arith.constant 0 : index
    %swap3A_6 = arith.constant 0 : index
    %swap3A_7 = vector.load %arg3[%swap3A, %swap3A_6] : memref<1000x32xf32, #tpu.memory_space<vmem>>, vector<1000x32xf32>
    tpu.vector_store %arg3[%swap3A, %swap3A_6], %dot_general3A_5 {strides = array<i32>} : memref<1000x32xf32, #tpu.memory_space<vmem>>, vector<1000x32xf32>,
    %slice3A_8 = vector.extract_strided_slice %get3A_4 {offsets = [128, 0], sizes = [128, 32], strides = [1, 1]} : vector<272x32xf32> to vector<128x32xf32>
    %dot_general3A_9 = arith.constant dense<0.000000e+00> : vector<1000x32xf32>
    %dot_general3A_10 = tpu.matmul %get3A_1, %slice3A_8, %dot_general3A_9 {dimension_numbers = #tpu.dot_dimension_numbers<[1], [0], [0], [1], [0, 0, 1, 1], [], []>, transpose_lhs_hint = false} : vector<1000x128xf32>, vector<128x32xf32>, vector<1000x32xf32> -> vector<1000x32xf32>
    %swap3A_11 = arith.constant 0 : index
    %swap3A_12 = arith.constant 0 : index
    %swap3A_13 = vector.load %arg4[%swap3A_11, %swap3A_12] : memref<1000x32xf32, #tpu.memory_space<vmem>>, vector<1000x32xf32>
    tpu.vector_store %arg4[%swap3A_11, %swap3A_12], %dot_general3A_10 {strides = array<i32>} : memref<1000x32xf32, #tpu.memory_space<vmem>>, vector<1000x32xf32>,
    return
  }
  func.func @transform_0(%arg0: i32) -> (i32, i32) {
    %c0_i32 = arith.constant 0 : i32
    %c0_i32_0 = arith.constant 0 : i32
    return %arg0, %c0_i32 : i32, i32
  }
  func.func @transform_1(%arg0: i32) -> (i32, i32) {
    %c0_i32 = arith.constant 0 : i32
    %c0_i32_0 = arith.constant 0 : i32
    %c0_i32_1 = arith.constant 0 : i32
    return %c0_i32, %c0_i32_0 : i32, i32
  }
  func.func @transform_2(%arg0: i32) -> (i32, i32) {
    %c0_i32 = arith.constant 0 : i32
    %c0_i32_0 = arith.constant 0 : i32
    return %arg0, %c0_i32 : i32, i32
  }
  func.func @transform_3(%arg0: i32) -> (i32, i32) {
    %c0_i32 = arith.constant 0 : i32
    %c0_i32_0 = arith.constant 0 : i32
    return %arg0, %c0_i32 : i32, i32
  }
}

module attributes {stable_mosaic.version = 14 : i64} {
  func.func @_edge_proj_body(%arg0: i32, %arg1: memref<8000x16xf32, #tpu.memory_space<vmem>>, %arg2: memref<272x32xf32, #tpu.memory_space<vmem>>, %arg3: memref<1x32xf32, #tpu.memory_space<vmem>>, %arg4: memref<8000x32xf32, #tpu.memory_space<vmem>>) attributes {dimension_semantics = [#tpu.dimension_semantics<arbitrary>], iteration_bounds = array<i64: 40>, scalar_prefetch = 0 : i64, scratch_operands = 0 : i64, tpu.core_type = #tpu.core_type<tc>, window_params = [{transform_indices = @transform_0, window_bounds = array<i64: 8000, 16>}, {pipeline_mode = #tpu.pipeline_mode<synchronous>, transform_indices = @transform_1, window_bounds = array<i64: 272, 32>}, {pipeline_mode = #tpu.pipeline_mode<synchronous>, transform_indices = @transform_2, window_bounds = array<i64: 1, 32>}, {transform_indices = @transform_3, window_bounds = array<i64: 8000, 32>}]} {
    %get3A = arith.constant 0 : index
    %get3A_0 = arith.constant 0 : index
    %get3A_1 = vector.load %arg2[%get3A, %get3A_0] : memref<272x32xf32, #tpu.memory_space<vmem>>, vector<272x32xf32>
    %get3A_2 = arith.constant 0 : index
    %get3A_3 = arith.constant 0 : index
    %get3A_4 = vector.load %arg1[%get3A_2, %get3A_3] : memref<8000x16xf32, #tpu.memory_space<vmem>>, vector<8000x16xf32>
    %slice3A = vector.extract_strided_slice %get3A_1 {offsets = [256, 0], sizes = [16, 32], strides = [1, 1]} : vector<272x32xf32> to vector<16x32xf32>
    %dot_general3A = arith.constant dense<0.000000e+00> : vector<8000x32xf32>
    %dot_general3A_5 = tpu.matmul %get3A_4, %slice3A, %dot_general3A {dimension_numbers = #tpu.dot_dimension_numbers<[1], [0], [0], [1], [0, 0, 1, 1], [], []>, transpose_lhs_hint = false} : vector<8000x16xf32>, vector<16x32xf32>, vector<8000x32xf32> -> vector<8000x32xf32>
    %get3A_6 = arith.constant 0 : index
    %get3A_7 = arith.constant 0 : index
    %get3A_8 = vector.load %arg3[%get3A_6, %get3A_7] : memref<1x32xf32, #tpu.memory_space<vmem>>, vector<1x32xf32>
    %add3A = vector.broadcast %get3A_8 : vector<1x32xf32> to vector<8000x32xf32>
    %add3A_9 = arith.addf %dot_general3A_5, %add3A : vector<8000x32xf32>
    %swap3A = arith.constant 0 : index
    %swap3A_10 = arith.constant 0 : index
    %swap3A_11 = vector.load %arg4[%swap3A, %swap3A_10] : memref<8000x32xf32, #tpu.memory_space<vmem>>, vector<8000x32xf32>
    tpu.vector_store %arg4[%swap3A, %swap3A_10], %add3A_9 {strides = array<i32>} : memref<8000x32xf32, #tpu.memory_space<vmem>>, vector<8000x32xf32>,
    return
  }
  func.func @transform_0(%arg0: i32) -> (i32, i32) {
    %c0_i32 = arith.constant 0 : i32
    %c0_i32_0 = arith.constant 0 : i32
    return %arg0, %c0_i32 : i32, i32
  }
  func.func @transform_1(%arg0: i32) -> (i32, i32) {
    %c0_i32 = arith.constant 0 : i32
    %c0_i32_0 = arith.constant 0 : i32
    %c0_i32_1 = arith.constant 0 : i32
    return %c0_i32, %c0_i32_0 : i32, i32
  }
  func.func @transform_2(%arg0: i32) -> (i32, i32) {
    %c0_i32 = arith.constant 0 : i32
    %c0_i32_0 = arith.constant 0 : i32
    %c0_i32_1 = arith.constant 0 : i32
    return %c0_i32, %c0_i32_0 : i32, i32
  }
  func.func @transform_3(%arg0: i32) -> (i32, i32) {
    %c0_i32 = arith.constant 0 : i32
    %c0_i32_0 = arith.constant 0 : i32
    return %arg0, %c0_i32 : i32, i32
  }
}

module attributes {stable_mosaic.version = 14 : i64} {
  func.func @_mid1_body(%arg0: memref<10000x32xf32, #tpu.memory_space<vmem>>, %arg1: memref<10000x1xf32, #tpu.memory_space<vmem>>, %arg2: memref<10000x1xf32, #tpu.memory_space<vmem>>, %arg3: memref<10016x32xf32, #tpu.memory_space<vmem>>) attributes {dimension_semantics = [], scalar_prefetch = 0 : i64, scratch_operands = 0 : i64, tpu.core_type = #tpu.core_type<tc>} {
    %get3A = arith.constant 0 : index
    %get3A_0 = arith.constant 0 : index
    %get3A_1 = vector.load %arg1[%get3A, %get3A_0] : memref<10000x1xf32, #tpu.memory_space<vmem>>, vector<10000x1xf32>
    %gt3A = arith.constant 0.000000e+00 : f32
    %gt3A_2 = vector.broadcast %gt3A : f32 to vector<10000x1xf32>
    %gt3A_3 = arith.cmpf ogt, %get3A_1, %gt3A_2 : vector<10000x1xf32>
    %gt3A_4 = arith.constant 0.000000e+00 : f32
    %gt3A_5 = vector.broadcast %gt3A_4 : f32 to vector<10000x1xf32>
    %gt3A_6 = arith.cmpf ogt, %get3A_1, %gt3A_5 : vector<10000x1xf32>
    %jit3A = arith.constant 1.000000e+00 : f32
    %broadcast_in_dim3A = vector.broadcast %jit3A : f32 to vector<10000x1xf32>
    %select_n3A = arith.select %gt3A_6, %get3A_1, %broadcast_in_dim3A : vector<10000x1xi1>, vector<10000x1xf32>
    %rsqrt3A = math.rsqrt %select_n3A : vector<10000x1xf32>
    %jit3A_7 = arith.constant 0.000000e+00 : f32
    %broadcast_in_dim3A_8 = vector.broadcast %jit3A_7 : f32 to vector<10000x1xf32>
    %select_n3A_9 = arith.select %gt3A_3, %rsqrt3A, %broadcast_in_dim3A_8 : vector<10000x1xi1>, vector<10000x1xf32>
    %swap3A = arith.constant 0 : index
    %swap3A_10 = arith.constant 0 : index
    %swap3A_11 = vector.load %arg2[%swap3A, %swap3A_10] : memref<10000x1xf32, #tpu.memory_space<vmem>>, vector<10000x1xf32>
    tpu.vector_store %arg2[%swap3A, %swap3A_10], %select_n3A_9 {strides = array<i32>} : memref<10000x1xf32, #tpu.memory_space<vmem>>, vector<10000x1xf32>,
    %get3A_12 = arith.constant 0 : index
    %get3A_13 = arith.constant 0 : index
    %get3A_14 = vector.load %arg0[%get3A_12, %get3A_13] : memref<10000x32xf32, #tpu.memory_space<vmem>>, vector<10000x32xf32>
    %mul3A = vector.broadcast %select_n3A_9 : vector<10000x1xf32> to vector<10000x32xf32>
    %mul3A_15 = arith.mulf %mul3A, %get3A_14 : vector<10000x32xf32>
    %swap3A_16 = arith.constant 0 : index
    %swap3A_17 = arith.constant 0 : index
    %swap3A_18 = vector.load %arg3[%swap3A_16, %swap3A_17] : memref<10016x32xf32, #tpu.memory_space<vmem>>, vector<10000x32xf32>
    tpu.vector_store %arg3[%swap3A_16, %swap3A_17], %mul3A_15 {strides = array<i32>} : memref<10016x32xf32, #tpu.memory_space<vmem>>, vector<10000x32xf32>,
    %broadcast_in_dim3A_19 = arith.constant 0.000000e+00 : f32
    %broadcast_in_dim3A_20 = vector.broadcast %broadcast_in_dim3A_19 : f32 to vector<16x32xf32>
    %swap3A_21 = arith.constant 10000 : index
    %swap3A_22 = arith.constant 0 : index
    %swap3A_23 = vector.load %arg3[%swap3A_21, %swap3A_22] : memref<10016x32xf32, #tpu.memory_space<vmem>>, vector<16x32xf32>
    tpu.vector_store %arg3[%swap3A_21, %swap3A_22], %broadcast_in_dim3A_20 {strides = array<i32>} : memref<10016x32xf32, #tpu.memory_space<vmem>>, vector<16x32xf32>,
    return
  }
}

module attributes {stable_mosaic.version = 14 : i64} {
  func.func @_comb1_body(%arg0: memref<10000x32xf32, #tpu.memory_space<vmem>>, %arg1: memref<2x10240x32xf32, #tpu.memory_space<vmem>>, %arg2: memref<10000x1xf32, #tpu.memory_space<vmem>>, %arg3: memref<32x128xf32, #tpu.memory_space<vmem>>, %arg4: memref<32x128xf32, #tpu.memory_space<vmem>>, %arg5: memref<128xf32, #tpu.memory_space<vmem>>, %arg6: memref<10000x128xf32, #tpu.memory_space<vmem>>, %arg7: memref<10016x128xf32, #tpu.memory_space<vmem>>) attributes {dimension_semantics = [], scalar_prefetch = 0 : i64, scratch_operands = 0 : i64, tpu.core_type = #tpu.core_type<tc>} {
    %get3A = arith.constant 0 : index
    %get3A_0 = arith.constant 0 : index
    %get3A_1 = vector.load %arg0[%get3A, %get3A_0] : memref<10000x32xf32, #tpu.memory_space<vmem>>, vector<10000x32xf32>
    %get3A_2 = arith.constant 0 : index
    %get3A_3 = arith.constant 0 : index
    %get3A_4 = vector.load %arg2[%get3A_2, %get3A_3] : memref<10000x1xf32, #tpu.memory_space<vmem>>, vector<10000x1xf32>
    %get3A_5 = arith.constant 0 : index
    %get3A_6 = arith.constant 0 : index
    %get3A_7 = arith.constant 0 : index
    %get3A_8 = vector.load %arg1[%get3A_5, %get3A_6, %get3A_7] : memref<2x10240x32xf32, #tpu.memory_space<vmem>>, vector<1x10000x32xf32>
    %get3A_9 = vector.shape_cast %get3A_8 : vector<1x10000x32xf32> to vector<10000x32xf32>
    %get3A_10 = arith.constant 1 : index
    %get3A_11 = arith.constant 0 : index
    %get3A_12 = arith.constant 0 : index
    %get3A_13 = vector.load %arg1[%get3A_10, %get3A_11, %get3A_12] : memref<2x10240x32xf32, #tpu.memory_space<vmem>>, vector<1x10000x32xf32>
    %get3A_14 = vector.shape_cast %get3A_13 : vector<1x10000x32xf32> to vector<10000x32xf32>
    %add3A = arith.addf %get3A_9, %get3A_14 : vector<10000x32xf32>
    %get3A_15 = arith.constant 0 : index
    %get3A_16 = arith.constant 0 : index
    %get3A_17 = vector.load %arg3[%get3A_15, %get3A_16] : memref<32x128xf32, #tpu.memory_space<vmem>>, vector<32x128xf32>
    %dot_general3A = arith.constant dense<0.000000e+00> : vector<10000x128xf32>
    %dot_general3A_18 = tpu.matmul %get3A_1, %get3A_17, %dot_general3A {dimension_numbers = #tpu.dot_dimension_numbers<[1], [0], [0], [1], [0, 0, 1, 1], [], []>, transpose_lhs_hint = false} : vector<10000x32xf32>, vector<32x128xf32>, vector<10000x128xf32> -> vector<10000x128xf32>
    %get3A_19 = arith.constant 0 : index
    %get3A_20 = arith.constant 0 : index
    %get3A_21 = vector.load %arg4[%get3A_19, %get3A_20] : memref<32x128xf32, #tpu.memory_space<vmem>>, vector<32x128xf32>
    %dot_general3A_22 = arith.constant dense<0.000000e+00> : vector<10000x128xf32>
    %dot_general3A_23 = tpu.matmul %add3A, %get3A_21, %dot_general3A_22 {dimension_numbers = #tpu.dot_dimension_numbers<[1], [0], [0], [1], [0, 0, 1, 1], [], []>, transpose_lhs_hint = false} : vector<10000x32xf32>, vector<32x128xf32>, vector<10000x128xf32> -> vector<10000x128xf32>
    %mul3A = vector.broadcast %get3A_4 : vector<10000x1xf32> to vector<10000x128xf32>
    %mul3A_24 = arith.mulf %mul3A, %dot_general3A_23 : vector<10000x128xf32>
    %sub3A = arith.subf %dot_general3A_18, %mul3A_24 : vector<10000x128xf32>
    %get3A_25 = arith.constant 0 : index
    %get3A_26 = vector.load %arg5[%get3A_25] : memref<128xf32, #tpu.memory_space<vmem>>, vector<128xf32>
    %broadcast_in_dim3A = vector.shape_cast %get3A_26 : vector<128xf32> to vector<1x128xf32>
    %add3A_27 = vector.broadcast %broadcast_in_dim3A : vector<1x128xf32> to vector<10000x128xf32>
    %add3A_28 = arith.addf %sub3A, %add3A_27 : vector<10000x128xf32>
    %reduce_sum3A = arith.constant dense<0.000000e+00> : vector<10000xf32>
    %reduce_sum3A_29 = vector.multi_reduction <add>, %add3A_28, %reduce_sum3A [1] : vector<10000x128xf32> to vector<10000xf32>
    %broadcast_in_dim3A_30 = vector.shape_cast %reduce_sum3A_29 : vector<10000xf32> to vector<10000x1xf32>
    %div3A = arith.constant 1.280000e+02 : f32
    %div3A_31 = vector.broadcast %div3A : f32 to vector<10000x1xf32>
    %div3A_32 = arith.divf %broadcast_in_dim3A_30, %div3A_31 : vector<10000x1xf32>
    %jit3A = arith.constant 0 : i32
    %reduce_sum3A_33 = arith.constant dense<0.000000e+00> : vector<10000xf32>
    %reduce_sum3A_34 = vector.multi_reduction <add>, %add3A_28, %reduce_sum3A_33 [1] : vector<10000x128xf32> to vector<10000xf32>
    %broadcast_in_dim3A_35 = vector.shape_cast %reduce_sum3A_34 : vector<10000xf32> to vector<10000x1xf32>
    %div3A_36 = arith.constant 1.280000e+02 : f32
    %div3A_37 = vector.broadcast %div3A_36 : f32 to vector<10000x1xf32>
    %div3A_38 = arith.divf %broadcast_in_dim3A_35, %div3A_37 : vector<10000x1xf32>
    %sub3A_39 = vector.broadcast %div3A_38 : vector<10000x1xf32> to vector<10000x128xf32>
    %sub3A_40 = arith.subf %add3A_28, %sub3A_39 : vector<10000x128xf32>
    %square3A = arith.mulf %sub3A_40, %sub3A_40 : vector<10000x128xf32>
    %convert_element_type3A = arith.sitofp %jit3A : i32 to f32
    %sub3A_41 = arith.constant 1.280000e+02 : f32
    %sub3A_42 = arith.subf %sub3A_41, %convert_element_type3A : f32
    %reduce_sum3A_43 = arith.constant dense<0.000000e+00> : vector<10000xf32>
    %reduce_sum3A_44 = vector.multi_reduction <add>, %square3A, %reduce_sum3A_43 [1] : vector<10000x128xf32> to vector<10000xf32>
    %broadcast_in_dim3A_45 = vector.shape_cast %reduce_sum3A_44 : vector<10000xf32> to vector<10000x1xf32>
    %div3A_46 = vector.broadcast %sub3A_42 : f32 to vector<10000x1xf32>
    %div3A_47 = arith.divf %broadcast_in_dim3A_45, %div3A_46 : vector<10000x1xf32>
    %gt3A = arith.constant 0.000000e+00 : f32
    %gt3A_48 = arith.cmpf ogt, %sub3A_42, %gt3A : f32
    %jit3A_49 = arith.constant 0x7FC00000 : f32
    %broadcast_in_dim3A_50 = vector.broadcast %jit3A_49 : f32 to vector<10000x1xf32>
    %select_n3A = arith.select %gt3A_48, %div3A_47, %broadcast_in_dim3A_50 : vector<10000x1xf32>
    %sub3A_51 = vector.broadcast %div3A_32 : vector<10000x1xf32> to vector<10000x128xf32>
    %sub3A_52 = arith.subf %add3A_28, %sub3A_51 : vector<10000x128xf32>
    %add3A_53 = arith.constant 9.99999974E-6 : f32
    %add3A_54 = vector.broadcast %add3A_53 : f32 to vector<10000x1xf32>
    %add3A_55 = arith.addf %select_n3A, %add3A_54 : vector<10000x1xf32>
    %sqrt3A = math.sqrt %add3A_55 : vector<10000x1xf32>
    %div3A_56 = vector.broadcast %sqrt3A : vector<10000x1xf32> to vector<10000x128xf32>
    %div3A_57 = arith.divf %sub3A_52, %div3A_56 : vector<10000x128xf32>
    %max3A = arith.constant 0.000000e+00 : f32
    %max3A_58 = vector.broadcast %max3A : f32 to vector<10000x128xf32>
    %max3A_59 = arith.maximumf %div3A_57, %max3A_58 : vector<10000x128xf32>
    %swap3A = arith.constant 0 : index
    %swap3A_60 = arith.constant 0 : index
    %swap3A_61 = vector.load %arg6[%swap3A, %swap3A_60] : memref<10000x128xf32, #tpu.memory_space<vmem>>, vector<10000x128xf32>
    tpu.vector_store %arg6[%swap3A, %swap3A_60], %max3A_59 {strides = array<i32>} : memref<10000x128xf32, #tpu.memory_space<vmem>>, vector<10000x128xf32>,
    %mul3A_62 = vector.broadcast %get3A_4 : vector<10000x1xf32> to vector<10000x128xf32>
    %mul3A_63 = arith.mulf %mul3A_62, %max3A_59 : vector<10000x128xf32>
    %swap3A_64 = arith.constant 0 : index
    %swap3A_65 = arith.constant 0 : index
    %swap3A_66 = vector.load %arg7[%swap3A_64, %swap3A_65] : memref<10016x128xf32, #tpu.memory_space<vmem>>, vector<10000x128xf32>
    tpu.vector_store %arg7[%swap3A_64, %swap3A_65], %mul3A_63 {strides = array<i32>} : memref<10016x128xf32, #tpu.memory_space<vmem>>, vector<10000x128xf32>,
    %broadcast_in_dim3A_67 = arith.constant 0.000000e+00 : f32
    %broadcast_in_dim3A_68 = vector.broadcast %broadcast_in_dim3A_67 : f32 to vector<16x128xf32>
    %swap3A_69 = arith.constant 10000 : index
    %swap3A_70 = arith.constant 0 : index
    %swap3A_71 = vector.load %arg7[%swap3A_69, %swap3A_70] : memref<10016x128xf32, #tpu.memory_space<vmem>>, vector<16x128xf32>
    tpu.vector_store %arg7[%swap3A_69, %swap3A_70], %broadcast_in_dim3A_68 {strides = array<i32>} : memref<10016x128xf32, #tpu.memory_space<vmem>>, vector<16x128xf32>,
    return
  }
}

module attributes {stable_mosaic.version = 14 : i64} {
  func.func @_comb2_body(%arg0: memref<10000x128xf32, #tpu.memory_space<vmem>>, %arg1: memref<2x10240x128xf32, #tpu.memory_space<vmem>>, %arg2: memref<10000x1xf32, #tpu.memory_space<vmem>>, %arg3: memref<128x128xf32, #tpu.memory_space<vmem>>, %arg4: memref<128x128xf32, #tpu.memory_space<vmem>>, %arg5: memref<128xf32, #tpu.memory_space<vmem>>, %arg6: memref<128x1xf32, #tpu.memory_space<vmem>>, %arg7: memref<1xf32, #tpu.memory_space<vmem>>, %arg8: memref<10000x1xf32, #tpu.memory_space<vmem>>) attributes {dimension_semantics = [], scalar_prefetch = 0 : i64, scratch_operands = 0 : i64, tpu.core_type = #tpu.core_type<tc>} {
    %get3A = arith.constant 0 : index
    %get3A_0 = arith.constant 0 : index
    %get3A_1 = vector.load %arg0[%get3A, %get3A_0] : memref<10000x128xf32, #tpu.memory_space<vmem>>, vector<10000x128xf32>
    %get3A_2 = arith.constant 0 : index
    %get3A_3 = arith.constant 0 : index
    %get3A_4 = vector.load %arg2[%get3A_2, %get3A_3] : memref<10000x1xf32, #tpu.memory_space<vmem>>, vector<10000x1xf32>
    %get3A_5 = arith.constant 0 : index
    %get3A_6 = arith.constant 0 : index
    %get3A_7 = arith.constant 0 : index
    %get3A_8 = vector.load %arg1[%get3A_5, %get3A_6, %get3A_7] : memref<2x10240x128xf32, #tpu.memory_space<vmem>>, vector<1x10000x128xf32>
    %get3A_9 = vector.shape_cast %get3A_8 : vector<1x10000x128xf32> to vector<10000x128xf32>
    %get3A_10 = arith.constant 1 : index
    %get3A_11 = arith.constant 0 : index
    %get3A_12 = arith.constant 0 : index
    %get3A_13 = vector.load %arg1[%get3A_10, %get3A_11, %get3A_12] : memref<2x10240x128xf32, #tpu.memory_space<vmem>>, vector<1x10000x128xf32>
    %get3A_14 = vector.shape_cast %get3A_13 : vector<1x10000x128xf32> to vector<10000x128xf32>
    %add3A = arith.addf %get3A_9, %get3A_14 : vector<10000x128xf32>
    %get3A_15 = arith.constant 0 : index
    %get3A_16 = arith.constant 0 : index
    %get3A_17 = vector.load %arg3[%get3A_15, %get3A_16] : memref<128x128xf32, #tpu.memory_space<vmem>>, vector<128x128xf32>
    %dot_general3A = arith.constant dense<0.000000e+00> : vector<10000x128xf32>
    %dot_general3A_18 = tpu.matmul %get3A_1, %get3A_17, %dot_general3A {dimension_numbers = #tpu.dot_dimension_numbers<[1], [0], [0], [1], [0, 0, 1, 1], [], []>, transpose_lhs_hint = false} : vector<10000x128xf32>, vector<128x128xf32>, vector<10000x128xf32> -> vector<10000x128xf32>
    %get3A_19 = arith.constant 0 : index
    %get3A_20 = arith.constant 0 : index
    %get3A_21 = vector.load %arg4[%get3A_19, %get3A_20] : memref<128x128xf32, #tpu.memory_space<vmem>>, vector<128x128xf32>
    %dot_general3A_22 = arith.constant dense<0.000000e+00> : vector<10000x128xf32>
    %dot_general3A_23 = tpu.matmul %add3A, %get3A_21, %dot_general3A_22 {dimension_numbers = #tpu.dot_dimension_numbers<[1], [0], [0], [1], [0, 0, 1, 1], [], []>, transpose_lhs_hint = false} : vector<10000x128xf32>, vector<128x128xf32>, vector<10000x128xf32> -> vector<10000x128xf32>
    %mul3A = vector.broadcast %get3A_4 : vector<10000x1xf32> to vector<10000x128xf32>
    %mul3A_24 = arith.mulf %mul3A, %dot_general3A_23 : vector<10000x128xf32>
    %sub3A = arith.subf %dot_general3A_18, %mul3A_24 : vector<10000x128xf32>
    %get3A_25 = arith.constant 0 : index
    %get3A_26 = vector.load %arg5[%get3A_25] : memref<128xf32, #tpu.memory_space<vmem>>, vector<128xf32>
    %broadcast_in_dim3A = vector.shape_cast %get3A_26 : vector<128xf32> to vector<1x128xf32>
    %add3A_27 = vector.broadcast %broadcast_in_dim3A : vector<1x128xf32> to vector<10000x128xf32>
    %add3A_28 = arith.addf %sub3A, %add3A_27 : vector<10000x128xf32>
    %reduce_sum3A = arith.constant dense<0.000000e+00> : vector<10000xf32>
    %reduce_sum3A_29 = vector.multi_reduction <add>, %add3A_28, %reduce_sum3A [1] : vector<10000x128xf32> to vector<10000xf32>
    %broadcast_in_dim3A_30 = vector.shape_cast %reduce_sum3A_29 : vector<10000xf32> to vector<10000x1xf32>
    %div3A = arith.constant 1.280000e+02 : f32
    %div3A_31 = vector.broadcast %div3A : f32 to vector<10000x1xf32>
    %div3A_32 = arith.divf %broadcast_in_dim3A_30, %div3A_31 : vector<10000x1xf32>
    %jit3A = arith.constant 0 : i32
    %reduce_sum3A_33 = arith.constant dense<0.000000e+00> : vector<10000xf32>
    %reduce_sum3A_34 = vector.multi_reduction <add>, %add3A_28, %reduce_sum3A_33 [1] : vector<10000x128xf32> to vector<10000xf32>
    %broadcast_in_dim3A_35 = vector.shape_cast %reduce_sum3A_34 : vector<10000xf32> to vector<10000x1xf32>
    %div3A_36 = arith.constant 1.280000e+02 : f32
    %div3A_37 = vector.broadcast %div3A_36 : f32 to vector<10000x1xf32>
    %div3A_38 = arith.divf %broadcast_in_dim3A_35, %div3A_37 : vector<10000x1xf32>
    %sub3A_39 = vector.broadcast %div3A_38 : vector<10000x1xf32> to vector<10000x128xf32>
    %sub3A_40 = arith.subf %add3A_28, %sub3A_39 : vector<10000x128xf32>
    %square3A = arith.mulf %sub3A_40, %sub3A_40 : vector<10000x128xf32>
    %convert_element_type3A = arith.sitofp %jit3A : i32 to f32
    %sub3A_41 = arith.constant 1.280000e+02 : f32
    %sub3A_42 = arith.subf %sub3A_41, %convert_element_type3A : f32
    %reduce_sum3A_43 = arith.constant dense<0.000000e+00> : vector<10000xf32>
    %reduce_sum3A_44 = vector.multi_reduction <add>, %square3A, %reduce_sum3A_43 [1] : vector<10000x128xf32> to vector<10000xf32>
    %broadcast_in_dim3A_45 = vector.shape_cast %reduce_sum3A_44 : vector<10000xf32> to vector<10000x1xf32>
    %div3A_46 = vector.broadcast %sub3A_42 : f32 to vector<10000x1xf32>
    %div3A_47 = arith.divf %broadcast_in_dim3A_45, %div3A_46 : vector<10000x1xf32>
    %gt3A = arith.constant 0.000000e+00 : f32
    %gt3A_48 = arith.cmpf ogt, %sub3A_42, %gt3A : f32
    %jit3A_49 = arith.constant 0x7FC00000 : f32
    %broadcast_in_dim3A_50 = vector.broadcast %jit3A_49 : f32 to vector<10000x1xf32>
    %select_n3A = arith.select %gt3A_48, %div3A_47, %broadcast_in_dim3A_50 : vector<10000x1xf32>
    %sub3A_51 = vector.broadcast %div3A_32 : vector<10000x1xf32> to vector<10000x128xf32>
    %sub3A_52 = arith.subf %add3A_28, %sub3A_51 : vector<10000x128xf32>
    %add3A_53 = arith.constant 9.99999974E-6 : f32
    %add3A_54 = vector.broadcast %add3A_53 : f32 to vector<10000x1xf32>
    %add3A_55 = arith.addf %select_n3A, %add3A_54 : vector<10000x1xf32>
    %sqrt3A = math.sqrt %add3A_55 : vector<10000x1xf32>
    %div3A_56 = vector.broadcast %sqrt3A : vector<10000x1xf32> to vector<10000x128xf32>
    %div3A_57 = arith.divf %sub3A_52, %div3A_56 : vector<10000x128xf32>
    %max3A = arith.constant 0.000000e+00 : f32
    %max3A_58 = vector.broadcast %max3A : f32 to vector<10000x128xf32>
    %max3A_59 = arith.maximumf %div3A_57, %max3A_58 : vector<10000x128xf32>
    %get3A_60 = arith.constant 0 : index
    %get3A_61 = arith.constant 0 : index
    %get3A_62 = vector.load %arg6[%get3A_60, %get3A_61] : memref<128x1xf32, #tpu.memory_space<vmem>>, vector<128x1xf32>
    %dot_general3A_63 = arith.constant dense<0.000000e+00> : vector<10000x1xf32>
    %dot_general3A_64 = tpu.matmul %max3A_59, %get3A_62, %dot_general3A_63 {dimension_numbers = #tpu.dot_dimension_numbers<[1], [0], [0], [1], [0, 0, 1, 1], [], []>, transpose_lhs_hint = false} : vector<10000x128xf32>, vector<128x1xf32>, vector<10000x1xf32> -> vector<10000x1xf32>
    %get3A_65 = arith.constant 0 : index
    %get3A_66 = vector.load %arg7[%get3A_65] : memref<1xf32, #tpu.memory_space<vmem>>, vector<1xf32>
    %broadcast_in_dim3A_67 = vector.shape_cast %get3A_66 : vector<1xf32> to vector<1x1xf32>
    %add3A_68 = vector.broadcast %broadcast_in_dim3A_67 : vector<1x1xf32> to vector<10000x1xf32>
    %add3A_69 = arith.addf %dot_general3A_64, %add3A_68 : vector<10000x1xf32>
    %swap3A = arith.constant 0 : index
    %swap3A_70 = arith.constant 0 : index
    %swap3A_71 = vector.load %arg8[%swap3A, %swap3A_70] : memref<10000x1xf32, #tpu.memory_space<vmem>>, vector<10000x1xf32>
    tpu.vector_store %arg8[%swap3A, %swap3A_70], %add3A_69 {strides = array<i32>} : memref<10000x1xf32, #tpu.memory_space<vmem>>, vector<10000x1xf32>,
    return
  }
}

</mosaic_0001>

<sc_bundles>
// kernel: kernel.10.cloned.1.call-start
scs
__scs_entry_jumppad:
0x0: {  	(pc) =	sbr.rel $0x88, $3  }
0x1: {  	(tag) =	ssettag $0x0;
	lr =	simm.s32 $0x1  }
0x2: {  	[smem:$0x3F94] =	sst lr;
	_ =	strace $0xD0000000  }
0x3: {  	_ = 	snop  }
0x4: {  	_ = 	snop  }
0x5: {  	_ = 	snop  }
0x6: {  	_ = 	snop  }
0x7: {  	_ = 	snop  }
__scs_overlays_trampoline_lowered:
0x8: {  	[smem:$0x3FA3] =	sst s0  }
0x9: {  	[smem:$0x3FA4] =	sst s1  }
0xa: {  	[smem:$0x3FA5] =	sst s2  }
0xb: {  	[smem:$0x3FA6] =	sst s3  }
0xc: {  	[smem:$0x3FA7] =	sst s4  }
0xd: {  	[smem:$0x3FA8] =	sst s5  }
0xe: {  	[smem:$0x3FA9] =	sst s6  }
0xf: {  	[smem:$0x3FAA] =	sst s7  }
0x10: {  	[smem:$0x3FAB] =	sst s8  }
0x11: {  	[smem:$0x3FAC] =	sst s9;
	s0 =	simm.s32 @!p0 $0x0  }
0x12: {  	s1 =	sld [smem:$0x3F92];
	s0 =	simm.s32 @p0 $0x1  }
0x13: {  	[smem:$0x3FAD] =	sst s0;
	s0 =	simm.s32 @!p1 $0x0  }
0x14: {  	s2 =	sld [smem:$0x3F91];
	s0 =	simm.s32 @p1 $0x1  }
0x15: {  	[smem:$0x3FAE] =	sst s0;
	s0 =	simm.s32 @!p2 $0x0  }
0x16: {  	s3 =	sld [smem:$0x3FDB];
	s0 =	simm.s32 @p2 $0x1  }
0x17: {  	s4 =	simm.s32 $0x1BF5;
	[smem:$0x3FB0] =	sst s0  }
0x18: {  	s0 =	sld [smem:$0x3F93];
	_ =	swait.ge [sflag:s4], $0x0  }
0x19: {  	s7 =	sld [smem:$0x3F94]  }
0x1a: {  	s8 =	sadd.s32 $0xFFFFE003, lr  }
0x1b: {  	s9 =	sadd.s32 $0xFFFFFEF7, lr;
	s5 =	simm.s32 $0xFFFFFFFF;
	p2 =	slt.u32 s8, $0xFFFFF086  }
0x1c: {  	p1 =	slt.u32 s9, $0xF7A;
	s5 =	simm.s32 @!p2 $0x0  }
0x1d: {  	s5 =	simm.s32 @p1 $0x1;
	p0 =	seq.s32 s7, s2  }
0x1e: {  	s7 =	smul.u32 @!p0 $0xF7A, s2;
	p2 =	seq.s32 @!p0 s5, $0x0  }
0x1f: {  	s9 =	smul.u32 $0xF7A, s1;
	s8 =	simm.s32 @!p0 $0x1BF5;
	p2 =	por !p2, p0  }
0x20: {  	[sflag:s8] =	ssyncset.s32 @!p0 $0xFFFFF086;
	s6 =	sadd.s32 @!p0 s3, s7;
	s7 =	simm.s32 @!p0 $0x108  }
0x21: {  	s3 =	sadd.s32 s3, s9;
	s6 =	sadd.s32 @!p0 $0x88, s6;
	s7 =	simm.s32 @p2 $0x1082  }
0x22: {  	[simem:s7], [sflag:s8] =	dma.local @!p0 [hbm:s6], $0xF7A  }
0x23: {  	s9 =	sor.u32 $0xD0000000, s2;
	s6 =	simm.s32 $0x108;
	_ =	swait.ge @!p0 [sflag:s8], $0x0  }
0x24: {  	s3 =	sadd.s32 $0x88, s3;
	s6 =	simm.s32 @!p1 $0x1082;
	[sflag:s4] =	ssyncset.s32 $0xFFFFF086  }
0x25: {  	[simem:s6], [sflag:s4] =	dma.local [hbm:s3], $0xF7A  }
0x26: {  	[smem:$0x3F94] =	sst s1;
	(tag) =	ssettag s2;
	_ =	strace s9  }
0x27: {  	s1 =	sld [smem:$0x3FA4]  }
0x28: {  	s2 =	sld [smem:$0x3FA5]  }
0x29: {  	s4 =	sld [smem:$0x3FA7]  }
0x2a: {  	p0 =	seq.s32 s5, $0x0;
	s5 =	sld [smem:$0x3FA8]  }
0x2b: {  	s6 =	sld [smem:$0x3FA9]  }
0x2c: {  	s7 =	sld [smem:$0x3FAA]  }
0x2d: {  	s3 =	simm.s32 $0x108;
	s8 =	sld [smem:$0x3FAB]  }
0x2e: {  	s3 =	simm.s32 @!p0 $0x1082;
	s9 =	sld [smem:$0x3FAC]  }
0x2f: {  	lr =	sadd.s32 s0, s3;
	s0 =	sld [smem:$0x3FA3]  }
0x30: {  	s3 =	sld [smem:$0x3FA6]  }
0x31: {  	[smem:$0x3FAF] =	sst s10  }
0x32: {  	s10 =	sld [smem:$0x3FAD];
	_ =	sdelay $0x3  }
0x33: {  	p0 =	seq.s32 s10, $0x1;
	s10 =	sld [smem:$0x3FAF];
	_ =	sdelay $0x3  }
0x34: {  	[smem:$0x3FAF] =	sst s10  }
0x35: {  	s10 =	sld [smem:$0x3FAE];
	_ =	sdelay $0x3  }
0x36: {  	p1 =	seq.s32 s10, $0x1;
	s10 =	sld [smem:$0x3FAF];
	_ =	sdelay $0x3  }
0x37: {  	[smem:$0x3FAF] =	sst s10  }
0x38: {  	s10 =	sld [smem:$0x3FB0]  }
0x39: {  	_ = 	snop;
	(pc) =	sbr.ind lr, $3  }
0x3a: {  	_ = 	snop  }
0x3b: {  	_ = 	snop  }
0x3c: {  	p2 =	seq.s32 s10, $0x1;
	s10 =	sld [smem:$0x3FAF]  }
0x3d: {  	_ =	shalt  }
0x3e: {  	_ =	shalt  }
0x3f: {  	_ =	shalt  }
0x40: {  	_ =	shalt  }
0x41: {  	_ =	shalt  }
0x42: {  	_ =	shalt  }
0x43: {  	_ =	shalt  }
0x44: {  	_ =	shalt  }
0x45: {  	_ =	shalt  }
0x46: {  	_ =	shalt  }
0x47: {  	_ =	shalt  }
0x48: {  	_ =	shalt  }
0x49: {  	_ =	shalt  }
0x4a: {  	_ =	shalt  }
0x4b: {  	_ =	shalt  }
0x4c: {  	_ =	shalt  }
0x4d: {  	_ =	shalt  }
0x4e: {  	_ =	shalt  }
0x4f: {  	_ =	shalt  }
0x50: {  	_ =	shalt  }
0x51: {  	_ =	shalt  }
0x52: {  	_ =	shalt  }
0x53: {  	_ =	shalt  }
0x54: {  	_ =	shalt  }
0x55: {  	_ =	shalt  }
0x56: {  	_ =	shalt  }
0x57: {  	_ =	shalt  }
0x58: {  	_ =	shalt  }
0x59: {  	_ =	shalt  }
0x5a: {  	_ =	shalt  }
0x5b: {  	_ =	shalt  }
0x5c: {  	_ =	shalt  }
0x5d: {  	_ =	shalt  }
0x5e: {  	_ =	shalt  }
0x5f: {  	_ =	shalt  }
0x60: {  	_ =	shalt  }
0x61: {  	_ =	shalt  }
0x62: {  	_ =	shalt  }
0x63: {  	_ =	shalt  }
0x64: {  	_ =	shalt  }
0x65: {  	_ =	shalt  }
0x66: {  	_ =	shalt  }
0x67: {  	_ =	shalt  }
0x68: {  	_ =	shalt  }
0x69: {  	_ =	shalt  }
0x6a: {  	_ =	shalt  }
0x6b: {  	_ =	shalt  }
0x6c: {  	_ =	shalt  }
0x6d: {  	_ =	shalt  }
0x6e: {  	_ =	shalt  }
0x6f: {  	_ =	shalt  }
0x70: {  	_ =	shalt  }
0x71: {  	_ =	shalt  }
0x72: {  	_ =	shalt  }
0x73: {  	_ =	shalt  }
0x74: {  	_ =	shalt  }
0x75: {  	_ =	shalt  }
0x76: {  	_ =	shalt  }
0x77: {  	_ =	shalt  }
0x78: {  	_ =	shalt  }
0x79: {  	_ =	shalt  }
0x7a: {  	_ =	shalt  }
0x7b: {  	_ =	shalt  }
0x7c: {  	_ =	shalt  }
0x7d: {  	_ =	shalt  }
0x7e: {  	_ =	shalt  }
0x7f: {  	_ =	shalt  }
0x80: {  	_ =	shalt  }
0x81: {  	_ =	shalt  }
0x82: {  	_ =	shalt  }
0x83: {  	_ =	shalt  }
0x84: {  	_ =	shalt  }
0x85: {  	_ =	shalt  }
0x86: {  	_ =	shalt  }
0x87: {  	_ =	shalt  }
.Lfunc_end0:
.L_simem_size_0:
called_computation_lowered:
.L_overlay_start_0:
0x88: {  	s2 =	sld [smem:$0x3FD9]  }
0x89: {  	s3 =	sld [smem:$0x3FFE];
	_ =	sdelay $0x1  }
0x8a: {  	s1 =	srdreg.scid  }
0x8b: {  	s0 =	sand.u32 $0x1, s1  }
0x8c: {  	s17 =	sshll.u32 s0, $0xA;
	s2 =	sadd.s32 s3, s2  }
0x8d: {  	s2 =	sadd.s32 s2, s17  }
0x8e: {  	[smem:$0x3FBB] =	sst s2  }
0x8f: {  	_ = 	snop  }
0x90: {  	s2 =	sld [smem:$0x3FD0];
	(tm) =	ssettm $0x1  }
0x91: {  	s18 =	sld [smem:$0x3FFB];
	_ =	sdelay $0x3  }
0x92: {  	_ =	strace s18  }
0x93: {  	s3 =	sld [smem:$0x3FFC];
	_ =	sdelay $0x3  }
0x94: {  	_ =	strace s3  }
0x95: {  	s3 =	sld [smem:$0x3FFD];
	_ =	sdelay $0x3  }
0x96: {  	_ =	strace s3  }
0x97: {  	_ =	strace $0x8FFFFFFF  }
0x98: {  	s19 =	sld [smem:$0x3FDB];
	_ =	sdelay $0x1  }
0x99: {  	s4 =	simm.s32 $_scs_section_size  }
0x9a: {  	s5 =	simm.s32 $_size__tile_overlayer_lowered;
	s6 =	simm.s32 $_tile_overlayer_lowered  }
0x9b: {  	s22 =	simm.s32 $0x1BFF;
	s21 =	sshll.u32 s6, $0x1;
	s3 =	sadd.s32 s4, s19  }
0x9c: {  	s7 =	simm.s32 $0x0;
	s20 =	sshll.u32 s5, $0x1;
	s5 =	sadd.s32 s21, s3  }
0x9d: {  	[timem:s7], [sflag:s22] =	dma.local [hbm:s5], s20  }
0x9e: {  	_ =	swait.ge [sflag:s22], s20  }
0x9f: {  	s4 =	ssub.s32 $0x0, s20;
	[sflag:s22] =	ssyncset.done $0x0  }
0xa0: {  	[sflag:s22] =	ssyncadd.s32 s4;
	_ =	sdelay $0x1  }
0xa1: {  	s23 =	simm.s32 $0x1B8B  }
0xa2: {  	_ =	swait.ge [sflag:s23], $0x1  }
0xa3: {  	[sflag:s23] =	ssyncset.done $0x0  }
0xa4: {  	s25 =	simm.s32 $0x1B8E;
	s24 =	sld [smem:$0x3FFE];
	[sflag:s23] =	ssyncadd.s32 $0xFFFFFFFF  }
0xa5: {  	s26 =	simm.s32 $execute0_lowered;
	[smem:$0x3FD2] =	sst s25  }
0xa6: {  	s5 =	sshll.u32 s26, $0x1;
	_ =	strace $0x80000046;
	[dreg:$0x1] =	wrdreg $0xFFFFFFFF  }
0xa7: {  	s28 =	simm.s32 $_size_execute0_lowered;
	s3 =	sadd.s32 s3, s5;
	[dreg:$0x0] =	wrdreg $0x0  }
0xa8: {  	s5 =	sshll.u32 s28, $0x1;
	[dreg:$0x2] =	wrdreg s3  }
0xa9: {  	[dreg:$0x3] =	wrdreg s5  }
0xaa: {  	[dreg:$0x4] =	wrdreg $0xC0  }
0xab: {  	_ =	task [dreg:s7], $0x5FFFF  }
0xac: {  	[dreg:$0x1] =	wrdreg $0xFFFFFFFF  }
0xad: {  	[dreg:$0x0] =	wrdreg $0x60  }
0xae: {  	[dreg:$0x2] =	wrdreg s24  }
0xaf: {  	[dreg:$0x3] =	wrdreg s2  }
0xb0: {  	[dreg:$0x4] =	wrdreg $0x9  }
0xb1: {  	_ =	task.clear_ibuf [dreg:s7], $0x5FFFF;
	_ =	strace $0x90000046  }
0xb2: {  	s29 =	simm.s32 $0x9;
	_ =	strace $0x80000048  }
0xb3: {  	_ =	swait.ge [sflag:s29], $0x1  }
0xb4: {  	[sflag:s29] =	ssyncadd.s32 $0xFFFFFFFF  }
0xb5: {  	_ =	strace $0x90000048  }
0xb6: {  	_ =	sfence  }
0xb7: {  	s30 =	sld [smem:$0x0];
	_ =	sdelay $0x2  }
0xb8: {  	s31 =	sshll.u32 s1, $0xD;
	s1 =	sshrl.u32 s1, $0x2  }
0xb9: {  	s3 =	sand.u32 $0x4000, s31;
	s1 =	sadd.s32 s1, s30  }
0xba: {  	s0 =	sor.u32 s3, s0;
	s1 =	sshll.u32 s1, $0x11  }
0xbb: {  	s0 =	sor.u32 s1, s0  }
0xbc: {  	s0 =	sadd.s32 $0x8F2B, s0  }
0xbd: {  	[sflag:s0] =	ssyncadd.remote.s32 $0x1  }
0xbe: {  	_ =	sfence.sel $0xFFFF  }
0xbf: {  	[dreg:$0x0] =	wrdreg $0xFFFFFFFF;
	(pc) =	sbr.abs _section_cstart, $3  }
0xc0: {  	[dreg:$0x1] =	wrdreg $0xFFFFFFFF  }
0xc1: {  	_ =	task.clear_ibuf [dreg:s7], $0x2FFFF;
	_ =	strace $0x9FFFFFFF  }
0xc2: {  	(tm) =	ssettm $0x7FFFFFFF  }
0xc3: {  	_ =	shalt  }
tec
execute0_lowered:
.L_overlay_start_1:
0x0: {  	(tag) =	ssettag $0x1  }
0x1: {  	s0 =	rddreg [dreg:$0x0]  }
0x2: {  	s1 =	rddreg [dreg:$0x1]  }
0x3: {  	s2 =	simm.s32 $0x0;
	s30 =	srdreg.scid;
	s3 =	stileid.u32  }
0x4: {  	s12 =	simm.s32 $0x2;
	s13 =	simm.s32 $0x7D0;
	s14 =	simm.s32 $0x1  }
0x5: {  	s15 =	simm.s32 $0x80;
	s16 =	simm.s32 $0xA020;
	s17 =	simm.s32 $0xA120  }
0x6: {  	s18 =	simm.s32 $0xA0A0;
	s19 =	simm.s32 $0xB120;
	s20 =	simm.s32 $0x9FA0  }
0x7: {  	[smem:$0x7FF] =	sst s2;
	s2 =	sand.u32 $0x1, s30;
	s5 =	sshll.u32 s3, $0x1  }
0x8: {  	s21 =	simm.s32 $0xC120;
	s24 =	simm.s32 $0x0;
	s7 =	sor.u32 s2, s5  }
0x9: {  	s3 =	sadd.s32 $0x2000, s0;
	s4 =	sadd.s32 $0xBE00, s0;
	s9 =	smul.u32 $0x500, s7  }
.Ltmp0:
0xa: {  	s6 =	sadd.s32 $0x158200, s0;
	s2 =	ssub.s32 $0x2, s2;
	(pc) =	sbr.rel .LBB2_1-.Ltmp0, $4  }
0xb: {  	s8 =	sadd.s32 $0x14E400, s0;
	s10 =	sshrl.u32 s2, $0x1;
	s7 =	smul.u32 $0x140, s7  }
0xc: {  	_ =	strace $0x80000047;
	s5 =	sadd.s32 $0x15C00, s0;
	s2 =	ssub.s32 s2, s10  }
0xd: {  	v2 =	vimm.f32 $0.0e+00;
	s0 =	sadd.s32 s9, s0;
	s22 =	sadd.s32 $0x140, s7;
	s31 =	sshrl.u32 s7, $0x3  }
0xe: {  	v3 =	vimm.s32 $0x0;
	s11 =	smax.u32 s2, $0x1;
	v0 =	vmov s7;
	s9 =	sadd.s32 $0x162000, s0;
	s10 =	sadd.s32 s1, s31;
	v1 =	vmov s22  }
.LBB2_15:
0xf: {  	s0 =	simm.s32 $0x0;
	s1 =	simm.s32 $0xD120  }
0x10: {  	[hbm4b:s9+s0] =	stream.linear.scatter [tilespmem:s1], [sflag:$0x2], $0x2800, $0x38;
	[tilespmem:$0xFA60] =	vst v63  }
0x11: {  	s24 =	sadd.s32 $0x1, s24;
	_ =	swait.ge [sflag:s12], $0x2800  }
0x12: {  	p0 =	sne.s32 s24, s11;
	[sflag:s12] =	ssyncset.done $0x0  }
.Ltmp1:
0x13: {  	s31 =	simm.s32 $0xF920;
	[sflag:s12] =	ssyncadd.s32 $0xFFFFD800;
	(pc) =	sbr.rel @!p0 .LBB2_16-.Ltmp1, $4  }
0x14: {  	[hbm4b:s10+s0] =	stream.linear.scatter [tilespmem:s31], [sflag:$0x2], $0x140, $0x38;
	[tilespmem:$0xFA60] =	vst v63  }
0x15: {  	_ =	swait.ge [sflag:s12], $0x140  }
0x16: {  	[sflag:s12] =	ssyncset.done $0x0  }
0x17: {  	[sflag:s12] =	ssyncadd.s32 $0xFFFFFEC0  }
.LBB2_1:
0x18: {  	s0 =	simm.s32 $0x40;
	s1 =	simm.s32 $0x0  }
.LBB2_2:
0x19: {  	p0 =	sne.s32 s0, $0x9FC0;
	[tilespmem:s1+$0xD120] =	vst v2;
	s1 =	smov.u32 s0;
	s0 =	sadd.s32 $0x40, s0  }
.Ltmp2:
0x1a: {  	(pc) =	sbr.rel @p0 .LBB2_2-.Ltmp2, $2  }
0x1b: {  	_ =	sdelay $0x2  }
0x1c: {  	s1 =	sshra.s32 s1, $0x2  }
0x1d: {  	[tilespmem:s1+$0xD120] =	vst v2  }
0x1e: {  	[tilespmem:$0xF920] =	vst v2  }
0x1f: {  	[tilespmem:$0xF930] =	vst v2  }
0x20: {  	[tilespmem:$0xF940] =	vst v2  }
0x21: {  	[tilespmem:$0xF950] =	vst v2  }
0x22: {  	[tilespmem:$0xF960] =	vst v2  }
0x23: {  	[tilespmem:$0xF970] =	vst v2  }
0x24: {  	[tilespmem:$0xF980] =	vst v2  }
0x25: {  	[tilespmem:$0xF990] =	vst v2  }
0x26: {  	[tilespmem:$0xF9A0] =	vst v2  }
0x27: {  	[tilespmem:$0xF9B0] =	vst v2  }
0x28: {  	[tilespmem:$0xF9C0] =	vst v2  }
0x29: {  	[tilespmem:$0xF9D0] =	vst v2  }
0x2a: {  	[tilespmem:$0xF9E0] =	vst v2  }
0x2b: {  	[tilespmem:$0xF9F0] =	vst v2  }
0x2c: {  	[tilespmem:$0xFA00] =	vst v2  }
0x2d: {  	[tilespmem:$0xFA10] =	vst v2  }
0x2e: {  	[tilespmem:$0xFA20] =	vst v2  }
0x2f: {  	[tilespmem:$0xFA30] =	vst v2  }
0x30: {  	[tilespmem:$0xFA40] =	vst v2  }
0x31: {  	s26 =	simm.s32 $0x0;
	s0 =	simm.s32 $0x40;
	s1 =	simm.s32 $0x0;
	[tilespmem:$0xFA50] =	vst v2  }
.LBB2_4:
0x32: {  	p0 =	sne.s32 s0, $0xBFC0;
	[tilespmem:s1+$0x6FA0] =	vst v3;
	s2 =	smov.u32 s0;
	s0 =	sadd.s32 $0x40, s0  }
.Ltmp3:
0x33: {  	[tilespmem:s1+$0xFA0] =	vst v3;
	(pc) =	sbr.rel @p0 .LBB2_4-.Ltmp3, $2  }
0x34: {  	[tilespmem:s1+$0x3FA0] =	vst v3;
	_ =	sdelay $0x2  }
0x35: {  	s1 =	sshra.s32 s2, $0x2  }
0x36: {  	[tilespmem:s1+$0x6FA0] =	vst v3  }
0x37: {  	[tilespmem:s1+$0xFA0] =	vst v3  }
0x38: {  	[tilespmem:s1+$0x3FA0] =	vst v3;
	s25 =	simm.s32 $0x0;
	s28 =	simm.s32 $0x0  }
.LBB2_6:
0x39: {  	s0 =	smul.u32 $0x7D0, s28;
	_ =	sdelay $0x1  }
0x3a: {  	s0 =	sshrl.u32 s0, $0x3  }
0x3b: {  	s2 =	simm.s32 $0x0;
	s1 =	sadd.s32 s6, s0  }
0x3c: {  	[tilespmem:s2], [sflag:$0x2] =	stream.linear.gather [hbm4b:s1+s2], $0x7D0, $0x38;
	[tilespmem:$0xFA60] =	vst v63  }
0x3d: {  	_ =	swait.ge [sflag:s12], $0x7D0  }
0x3e: {  	[sflag:s12] =	ssyncset.done $0x0  }
0x3f: {  	s0 =	sadd.s32 s8, s0;
	[sflag:s12] =	ssyncadd.s32 $0xFFFFF830  }
0x40: {  	[tilespmem:s13], [sflag:$0x2] =	stream.linear.gather [hbm4b:s0+s2], $0x7D0, $0x38;
	[tilespmem:$0xFA60] =	vst v63  }
0x41: {  	_ =	swait.ge [sflag:s12], $0x7D0  }
0x42: {  	[sflag:s12] =	ssyncset.done $0x0  }
0x43: {  	s22 =	simm.s32 $0x0;
	[sflag:s12] =	ssyncadd.s32 $0xFFFFF830  }
0x44: {  	v6 =	vld [tilespmem:s22+$0x0];
	_ =	sdelay $0x4  }
0x45: {  	vm0 =	vge.s32 v6, v0;
	vm1 =	vlt.s32 v6, v1  }
0x46: {  	vm0 =	vmand vm0, vm1  }
0x47: {  	v5 =	vmpcnt.ones.xlane vm0;
	_ =	sdelay $0x1  }
0x48: {  	v4 =	vld [tilespmem:s22+$0x7D0];
	(v2sf) =	vpush v5, $0x0;
	_ =	sdelay $0x4  }
0x49: {  	vm2 =	vlt.s32 v4, v1;
	vm1 =	vge.s32 v4, v0  }
0x4a: {  	vm1 =	vmand vm1, vm2;
	vm2 =	vne.s32 v4, v6  }
0x4b: {  	vm1 =	vmand vm2, vm1  }
0x4c: {  	v5 =	vmpcnt.ones.xlane vm1;
	_ =	sdelay $0x1  }
0x4d: {  	(v2sf) =	vpush v5, $0x0;
	_ =	sdelay $0x4  }
0x4e: {  	s23 =	spop (v2sf)  }
0x4f: {  	p0 =	slt.s32 s23, $0x1  }
0x50: {  	v5 =	vimm.s32 @!p0 $0x0  }
0x51: {  	v5 =	vsel @!p0 vm0, $0x1, v5  }
0x52: {  	(xrf0) =	vadd.scan.msk.s32 @!p0 $0xffff, v5;
	_ =	sdelay $0x2  }
0x53: {  	v5 =	vmov @!p0 s25  }
0x54: {  	v5 =	vadd.s32 @!p0 $0xFFFFFFFF, v5  }
0x55: {  	v5 =	vbroadcast @!p0 v5, $0x0  }
0x56: {  	s31 =	spop (v2sf);
	v7, _, _ =	vpop @!p0 (xrf0)  }
0x57: {  	p1 =	slt.s32 s31, $0x1;
	v5 =	vadd.s32 @!p0 v5, v7  }
0x58: {  	v7 =	vsub.s32 @!p1 v4, v0;
	vm2 =	vgt.s32 @!p0 v5, $0x0  }
0x59: {  	v7 =	vnsel @!p1 vm1, $0x0, v7;
	v5 =	vnsel @!p0 vm2, $0x0, v5  }
0x5a: {  	v5 =	vmin.u32 @!p0 v5, $0x2FFF;
	_ =	sdelay $0x2  }
0x5b: {  	v9 =	vlaneseq.u32 @!p0;
	v8 =	vimm.f32 @!p1 $1.000000000e+00;
	s0 =	simm.s32 @!p1 $0xF920  }
0x5c: {  	s25 =	sadd.s32 s25, s23;
	[tilespmem:v7+s0+$0x0] =	vst.idx.add.f32.msk @!p1 vm1, v8;
	v7 =	vor.u32 @!p0 s26, v9;
	s0 =	simm.s32 @!p0 $0xFA0  }
0x5d: {  	s29 =	simm.s32 $0x40;
	p1 =	slt.s32 s25, $0x3000;
	[tilespmem:v5+s0+$0x0] =	vst.idx.msk @!p0 vm0, v7;
	s0 =	simm.s32 @!p0 $0x3FA0  }
0x5e: {  	s30 =	smov.u32 s26;
	s1 =	simm.s32 @!p0 $0x6FA0;
	s25 =	simm.s32 @!p1 $0x3000;
	[tilespmem:v5+s0+$0x0] =	vst.idx.msk @!p0 vm0, v6  }
.LBB2_7:
0x5f: {  	s0 =	sshra.s32 s29, $0x2;
	[tilespmem:v5+s1+$0x0] =	vst.idx.msk @!p0 vm0, v4;
	s1 =	smov.u32 s25  }
0x60: {  	v6 =	vld [tilespmem:s0+$0x0]  }
0x61: {  	s29 =	sadd.s32 $0x40, s29;
	v4 =	vld [tilespmem:s0+$0x7D0]  }
0x62: {  	p1 =	sne.s32 s29, $0x1F40;
	_ =	sdelay $0x2  }
0x63: {  	vm0 =	vge.s32 v6, v0;
	vm1 =	vlt.s32 v6, v1  }
0x64: {  	vm0 =	vmand vm0, vm1  }
0x65: {  	v5 =	vmpcnt.ones.xlane vm0;
	_ =	sdelay $0x1  }
0x66: {  	(v2sf) =	vpush v5, $0x0;
	_ =	sdelay $0x4  }
0x67: {  	vm1 =	vge.s32 v4, v0;
	vm2 =	vlt.s32 v4, v1  }
0x68: {  	vm1 =	vmand vm1, vm2;
	vm2 =	vne.s32 v4, v6  }
0x69: {  	vm1 =	vmand vm2, vm1  }
0x6a: {  	v5 =	vmpcnt.ones.xlane vm1;
	_ =	sdelay $0x1  }
0x6b: {  	(v2sf) =	vpush v5, $0x0;
	_ =	sdelay $0x4  }
0x6c: {  	s0 =	spop (v2sf)  }
0x6d: {  	p0 =	slt.s32 s0, $0x1;
	s0 =	sadd.s32 s25, s0  }
0x6e: {  	v5 =	vimm.s32 @!p0 $0x0;
	p2 =	slt.s32 s0, $0x3000;
	s25 =	smov.u32 s0  }
0x6f: {  	v5 =	vsel @!p0 vm0, $0x1, v5;
	s25 =	simm.s32 @!p2 $0x3000  }
0x70: {  	(xrf0) =	vadd.scan.msk.s32 @!p0 $0xffff, v5;
	_ =	sdelay $0x2  }
0x71: {  	v5 =	vmov @!p0 s1  }
0x72: {  	v5 =	vadd.s32 @!p0 $0xFFFFFFFF, v5  }
0x73: {  	v5 =	vbroadcast @!p0 v5, $0x0  }
0x74: {  	s1 =	spop (v2sf);
	v7, _, _ =	vpop @!p0 (xrf0)  }
0x75: {  	p2 =	slt.s32 s1, $0x1;
	v5 =	vadd.s32 @!p0 v5, v7  }
0x76: {  	v7 =	vsub.s32 @!p2 v4, v0;
	vm2 =	vgt.s32 @!p0 v5, $0x0  }
0x77: {  	v7 =	vnsel @!p2 vm1, $0x0, v7;
	v5 =	vnsel @!p0 vm2, $0x0, v5  }
0x78: {  	v5 =	vmin.u32 @!p0 v5, $0x2FFF;
	_ =	sdelay $0x1  }
.Ltmp4:
0x79: {  	(pc) =	sbr.rel @p1 .LBB2_7-.Ltmp4, $4  }
0x7a: {  	s30 =	sadd.s32 $0x10, s30;
	v9 =	vlaneseq.u32 @!p0;
	v8 =	vimm.f32 @!p2 $1.000000000e+00;
	s1 =	simm.s32 @!p2 $0xF920  }
0x7b: {  	[tilespmem:v7+s1+$0x0] =	vst.idx.add.f32.msk @!p2 vm1, v8;
	v7 =	vor.u32 @!p0 s30, v9;
	s1 =	simm.s32 @!p0 $0xFA0  }
0x7c: {  	[tilespmem:v5+s1+$0x0] =	vst.idx.msk @!p0 vm0, v7;
	s1 =	simm.s32 @!p0 $0x3FA0  }
0x7d: {  	[tilespmem:v5+s1+$0x0] =	vst.idx.msk @!p0 vm0, v6;
	s1 =	simm.s32 @!p0 $0x6FA0  }
0x7e: {  	s28 =	sadd.s32 $0x1, s28  }
0x7f: {  	p1 =	sne.s32 s28, $0xA0  }
.Ltmp5:
0x80: {  	_ = 	snop;
	(pc) =	sbr.rel @p1 .LBB2_6-.Ltmp5, $2  }
0x81: {  	_ =	sdelay $0x2  }
0x82: {  	[tilespmem:v5+s1+$0x0] =	vst.idx.msk @!p0 vm0, v4;
	s26 =	sadd.s32 $0x7D0, s26  }
0x83: {  	s1 =	sadd.s32 $0x7F, s25  }
0x84: {  	s2 =	sand.u32 $0x7F, s1  }
0x85: {  	p0 =	slt.s32 s0, $0xFFFFFF82;
	s22 =	sshra.s32 s1, $0x1F;
	p1 =	sne.s32 s2, $0x0  }
0x86: {  	s31 =	sshrl.u32 s22, $0x19;
	p0 =	por !p0, !p1  }
0x87: {  	s0 =	sadd.s32 s31, s1;
	s1 =	simm.s32 $0x1;
	p0 =	por !p0, !p0  }
0x88: {  	s0 =	sshra.s32 s0, $0x7;
	s1 =	simm.s32 @!p0 $0x0  }
0x89: {  	s26 =	ssub.s32 s0, s1  }
0x8a: {  	p0 =	slt.s32 s26, $0x1  }
.Ltmp6:
0x8b: {  	_ = 	snop;
	(pc) =	sbr.rel @!p0 .LBB2_10-.Ltmp6, $4  }
.Ltmp7:
0x8c: {  	_ = 	snop;
	(pc) =	sbr.rel @p0 .LBB2_15-.Ltmp7, $4  }
0x8d: {  	_ = 	snop  }
0x8e: {  	_ = 	snop  }
0x8f: {  	s28 =	simm.s32 $0x0;
	s29 =	smov.u32 s25;
	s30 =	simm.s32 $0x0  }
0x90: {  	_ = 	snop  }
.LBB2_13:
0x91: {  	v5 =	vadd.f32 v5, v8  }
0x92: {  	v4 =	vadd.f32 v4, v9  }
0x93: {  	v5 =	vmax.f32 v6, v5  }
0x94: {  	v4 =	vmax.f32 v7, v4;
	[tilespmem:s2+$0xD130] =	vst v5  }
0x95: {  	[tilespmem:s2+$0xD120] =	vst v4  }
.LBB2_14:
0x96: {  	s30 =	sadd.s32 $0x1, s30  }
0x97: {  	p0 =	sne.s32 s30, s26  }
.Ltmp8:
0x98: {  	_ = 	snop;
	(pc) =	sbr.rel @!p0 .LBB2_15-.Ltmp8, $2  }
0x99: {  	_ =	sdelay $0x2  }
0x9a: {  	s29 =	sadd.s32 $0xFFFFFF80, s29  }
.LBB2_10:
0x9b: {  	s0 =	sshll.u32 s30, $0x7  }
0x9c: {  	v4 =	vld [tilespmem:s0+$0xFA0];
	_ =	sdelay $0x4  }
0x9d: {  	[tilespmem:$0x9FA0] =	vst v4  }
0x9e: {  	v4 =	vld [tilespmem:s0+$0x3FA0];
	_ =	sdelay $0x4  }
0x9f: {  	[tilespmem:$0xA020] =	vst v4  }
0xa0: {  	v4 =	vld [tilespmem:s0+$0x6FA0];
	_ =	sdelay $0x4  }
0xa1: {  	[tilespmem:$0xA0A0] =	vst v4  }
0xa2: {  	v4 =	vld [tilespmem:s0+$0xFB0];
	_ =	sdelay $0x4  }
0xa3: {  	[tilespmem:$0x9FB0] =	vst v4  }
0xa4: {  	v4 =	vld [tilespmem:s0+$0x3FB0];
	_ =	sdelay $0x4  }
0xa5: {  	[tilespmem:$0xA030] =	vst v4  }
0xa6: {  	v4 =	vld [tilespmem:s0+$0x6FB0];
	_ =	sdelay $0x4  }
0xa7: {  	[tilespmem:$0xA0B0] =	vst v4  }
0xa8: {  	v4 =	vld [tilespmem:s0+$0xFC0];
	_ =	sdelay $0x4  }
0xa9: {  	[tilespmem:$0x9FC0] =	vst v4  }
0xaa: {  	v4 =	vld [tilespmem:s0+$0x3FC0];
	_ =	sdelay $0x4  }
0xab: {  	[tilespmem:$0xA040] =	vst v4  }
0xac: {  	v4 =	vld [tilespmem:s0+$0x6FC0];
	_ =	sdelay $0x4  }
0xad: {  	[tilespmem:$0xA0C0] =	vst v4  }
0xae: {  	v4 =	vld [tilespmem:s0+$0xFD0];
	_ =	sdelay $0x4  }
0xaf: {  	[tilespmem:$0x9FD0] =	vst v4  }
0xb0: {  	v4 =	vld [tilespmem:s0+$0x3FD0];
	_ =	sdelay $0x4  }
0xb1: {  	[tilespmem:$0xA050] =	vst v4  }
0xb2: {  	v4 =	vld [tilespmem:s0+$0x6FD0];
	_ =	sdelay $0x4  }
0xb3: {  	[tilespmem:$0xA0D0] =	vst v4  }
0xb4: {  	v4 =	vld [tilespmem:s0+$0xFE0];
	_ =	sdelay $0x4  }
0xb5: {  	[tilespmem:$0x9FE0] =	vst v4  }
0xb6: {  	v4 =	vld [tilespmem:s0+$0x3FE0];
	_ =	sdelay $0x4  }
0xb7: {  	[tilespmem:$0xA060] =	vst v4  }
0xb8: {  	v4 =	vld [tilespmem:s0+$0x6FE0];
	_ =	sdelay $0x4  }
0xb9: {  	[tilespmem:$0xA0E0] =	vst v4  }
0xba: {  	v4 =	vld [tilespmem:s0+$0xFF0];
	_ =	sdelay $0x4  }
0xbb: {  	[tilespmem:$0x9FF0] =	vst v4  }
0xbc: {  	v4 =	vld [tilespmem:s0+$0x3FF0];
	_ =	sdelay $0x4  }
0xbd: {  	[tilespmem:$0xA070] =	vst v4  }
0xbe: {  	v4 =	vld [tilespmem:s0+$0x6FF0];
	_ =	sdelay $0x4  }
0xbf: {  	[tilespmem:$0xA0F0] =	vst v4  }
0xc0: {  	v4 =	vld [tilespmem:s0+$0x1000];
	_ =	sdelay $0x4  }
0xc1: {  	[tilespmem:$0xA000] =	vst v4  }
0xc2: {  	v4 =	vld [tilespmem:s0+$0x4000];
	_ =	sdelay $0x4  }
0xc3: {  	[tilespmem:$0xA080] =	vst v4  }
0xc4: {  	v4 =	vld [tilespmem:s0+$0x7000];
	_ =	sdelay $0x4  }
0xc5: {  	[tilespmem:$0xA100] =	vst v4  }
0xc6: {  	v4 =	vld [tilespmem:s0+$0x1010];
	_ =	sdelay $0x4  }
0xc7: {  	[tilespmem:$0xA010] =	vst v4  }
0xc8: {  	v4 =	vld [tilespmem:s0+$0x4010];
	_ =	sdelay $0x4  }
0xc9: {  	[tilespmem:$0xA090] =	vst v4  }
0xca: {  	v4 =	vld [tilespmem:s0+$0x7010];
	_ =	sdelay $0x4  }
0xcb: {  	[tilespmem:$0xA110] =	vst v4  }
0xcc: {  	[tilespmem:s17], [sflag:$0x1] =	stream.indirect.gather [hbm4b:s3+s15], $0x20, s16, s15, $0xb8;
	[tilespmem:$0xFA60] =	vst v63  }
0xcd: {  	_ = 	snop  }
0xce: {  	[tilespmem:s19], [sflag:$0x1] =	stream.indirect.gather [hbm4b:s4+s15], $0x20, s18, s15, $0xb8;
	[tilespmem:$0xFA60] =	vst v63  }
0xcf: {  	_ = 	snop  }
0xd0: {  	[tilespmem:s21], [sflag:$0x1] =	stream.indirect.gather [hbm4b:s5+s15], $0x20, s20, s15, $0xb8;
	[tilespmem:$0xFA60] =	vst v63  }
0xd1: {  	_ =	swait.ge [sflag:s14], $0x1000  }
0xd2: {  	[sflag:s14] =	ssyncset.done $0x0  }
0xd3: {  	s0 =	ssub.s32 s25, s0;
	[sflag:s14] =	ssyncadd.s32 $0xFFFFF000  }
0xd4: {  	p0 =	slt.s32 s0, $0x1;
	_ =	swait.ge [sflag:s14], $0x1000  }
.Ltmp9:
0xd5: {  	[sflag:s14] =	ssyncset.done $0x0;
	(pc) =	sbr.rel @p0 .LBB2_14-.Ltmp9, $4  }
0xd6: {  	[sflag:s14] =	ssyncadd.s32 $0xFFFFF000  }
0xd7: {  	_ =	swait.ge [sflag:s14], $0x1000  }
0xd8: {  	[sflag:s14] =	ssyncset.done $0x0  }
0xd9: {  	[sflag:s14] =	ssyncadd.s32 $0xFFFFF000  }
0xda: {  	v4 =	vmov s28;
	_ =	sdelay $0x4  }
0xdb: {  	v4 =	vld.idx.msk [tilespmem:v4+s16+$0x0], $0xffff;
	_ =	sdelay $0x4  }
0xdc: {  	(v2sf) =	vpush v4, $0x0;
	_ =	sdelay $0xb  }
0xdd: {  	s31 =	simm.s32 $0xA130  }
0xde: {  	p0 =	sgt.s32 s29, $0x1;
	s22 =	smov.u32 s29;
	v7 =	vld [tilespmem:s31+$0x0]  }
0xdf: {  	s0 =	simm.s32 $0xB130;
	v9 =	vld [tilespmem:s31+$0xFFFFFFF0];
	s22 =	simm.s32 @!p0 $0x1  }
0xe0: {  	v8 =	vld [tilespmem:s0+$0x0];
	s22 =	smin.u32 s22, $0x80;
	s2 =	spop (v2sf)  }
0xe1: {  	s1 =	simm.s32 $0xC130;
	v10 =	vld [tilespmem:s0+$0xFFFFFFF0];
	p0 =	sne.s32 s22, $0x1;
	s2 =	ssub.s32 s2, s7  }
.Ltmp10:
0xe2: {  	v5 =	vld [tilespmem:s1+$0x0];
	s2 =	sshll.u32 s2, $0x7;
	(pc) =	sbr.rel @!p0 .LBB2_13-.Ltmp10, $4  }
0xe3: {  	v4 =	vld [tilespmem:s1+$0xFFFFFFF0];
	s2 =	sshra.s32 s2, $0x2  }
0xe4: {  	v6 =	vld [tilespmem:s2+$0xD130]  }
0xe5: {  	v8 =	vadd.f32 v8, v7;
	v7 =	vld [tilespmem:s2+$0xD120]  }
0xe6: {  	s23 =	simm.s32 $0x1;
	v9 =	vadd.f32 v10, v9  }
.LBB2_12:
0xe7: {  	v10 =	vmov s23;
	s23 =	sadd.s32 $0x1, s23;
	v5 =	vadd.f32 v5, v8  }
0xe8: {  	v4 =	vadd.f32 v4, v9;
	p0 =	sne.s32 s22, s23  }
0xe9: {  	v5 =	vmax.f32 v6, v5  }
0xea: {  	v4 =	vmax.f32 v7, v4;
	[tilespmem:s2+$0xD130] =	vst v5  }
0xeb: {  	[tilespmem:s2+$0xD120] =	vst v4  }
0xec: {  	s31 =	sadd.s32 $0x20, s31;
	v6 =	vld.idx.msk [tilespmem:v10+s16+$0x0], $0xffff  }
0xed: {  	v7 =	vld [tilespmem:s31+$0x0]  }
0xee: {  	s0 =	sadd.s32 $0x20, s0;
	v9 =	vld [tilespmem:s31+$0xFFFFFFF0]  }
0xef: {  	s1 =	sadd.s32 $0x20, s1;
	v10 =	vld [tilespmem:s0+$0xFFFFFFF0]  }
0xf0: {  	v4 =	vld [tilespmem:s1+$0xFFFFFFF0]  }
0xf1: {  	v5 =	vld [tilespmem:s1+$0x0]  }
0xf2: {  	(v2sf) =	vpush v6, $0x0;
	_ =	sdelay $0xe  }
0xf3: {  	v8 =	vld [tilespmem:s0+$0x0];
	s2 =	spop (v2sf)  }
0xf4: {  	s2 =	ssub.s32 s2, s7  }
.Ltmp11:
0xf5: {  	s2 =	sshll.u32 s2, $0x7;
	(pc) =	sbr.rel @p0 .LBB2_12-.Ltmp11, $4  }
0xf6: {  	s2 =	sshra.s32 s2, $0x2  }
0xf7: {  	v6 =	vld [tilespmem:s2+$0xD130]  }
0xf8: {  	v8 =	vadd.f32 v8, v7;
	v7 =	vld [tilespmem:s2+$0xD120]  }
0xf9: {  	v9 =	vadd.f32 v10, v9  }
.Ltmp12:
0xfa: {  	_ = 	snop;
	(pc) =	sbr.rel .LBB2_13-.Ltmp12, $1  }
0xfb: {  	_ =	sdelay $0x3  }
.LBB2_16:
0xfc: {  	_ =	sfence.sel $0x180000  }
0xfd: {  	[bflag:$0x0] =	sbarrier.arrive $0xFFFF  }
0xfe: {  	_ =	strace $0x90000047  }
0xff: {  	s0 =	stileid.u32;
	[bflag:$0x2] =	sbarrier.arrive $0xFFFF  }
0x100: {  	p0 =	sne.s32 s0, $0x0;
	s0 =	rddreg [dreg:$0x2]  }
0x101: {  	s0 =	sadd.s32 @!p0 $0x100000, s0  }
0x102: {  	[sflag:s0] =	ssyncadd.tile.s32 @!p0 $0x1;
	_ =	shalt  }
.Lfunc_end2:
_tile_overlayer_lowered:
.L_overlay_start_2:
0x103: {  	(tag) =	ssettag $0x2  }
0x104: {  	s0 =	rddreg [dreg:$0x0];
	s2 =	stileid.u32  }
0x105: {  	s1 =	rddreg [dreg:$0x1];
	p0 =	sne.s32 s2, $0x0  }
0x106: {  	s3 =	rddreg [dreg:$0x2];
	[bflag:$0x3] =	sbarrier.arrive $0xFFFF;
	s2 =	simm.s32 @!p0 $0x1C02  }
0x107: {  	[timem:s3], [sflag:s2] =	dma.local @!p0 [hbm:s0], s1  }
0x108: {  	s0 =	simm.s32 @!p0 $0x2  }
0x109: {  	_ =	swait.ge @!p0 [sflag:s0], s1  }
0x10a: {  	s1 =	ssub.s32 @!p0 $0x0, s1;
	[sflag:s0] =	ssyncset.done @!p0 $0x0  }
0x10b: {  	[sflag:s0] =	ssyncadd.s32 @!p0 s1  }
0x10c: {  	[bflag:$0x3] =	sbarrier.arrive $0xFFFF  }
0x10d: {  	_ =	shalt  }

// kernel: kernel.13.cloned.1.call-start
scs
__scs_entry_jumppad:
0x0: {  	(pc) =	sbr.rel $0x88, $3  }
0x1: {  	(tag) =	ssettag $0x0;
	lr =	simm.s32 $0x1  }
0x2: {  	[smem:$0x3F94] =	sst lr;
	_ =	strace $0xD0000000  }
0x3: {  	_ = 	snop  }
0x4: {  	_ = 	snop  }
0x5: {  	_ = 	snop  }
0x6: {  	_ = 	snop  }
0x7: {  	_ = 	snop  }
__scs_overlays_trampoline_lowered:
0x8: {  	[smem:$0x3FA3] =	sst s0  }
0x9: {  	[smem:$0x3FA4] =	sst s1  }
0xa: {  	[smem:$0x3FA5] =	sst s2  }
0xb: {  	[smem:$0x3FA6] =	sst s3  }
0xc: {  	[smem:$0x3FA7] =	sst s4  }
0xd: {  	[smem:$0x3FA8] =	sst s5  }
0xe: {  	[smem:$0x3FA9] =	sst s6  }
0xf: {  	[smem:$0x3FAA] =	sst s7  }
0x10: {  	[smem:$0x3FAB] =	sst s8  }
0x11: {  	[smem:$0x3FAC] =	sst s9;
	s0 =	simm.s32 @!p0 $0x0  }
0x12: {  	s1 =	sld [smem:$0x3F92];
	s0 =	simm.s32 @p0 $0x1  }
0x13: {  	[smem:$0x3FAD] =	sst s0;
	s0 =	simm.s32 @!p1 $0x0  }
0x14: {  	s2 =	sld [smem:$0x3F91];
	s0 =	simm.s32 @p1 $0x1  }
0x15: {  	[smem:$0x3FAE] =	sst s0;
	s0 =	simm.s32 @!p2 $0x0  }
0x16: {  	s3 =	sld [smem:$0x3FDB];
	s0 =	simm.s32 @p2 $0x1  }
0x17: {  	s4 =	simm.s32 $0x1BF5;
	[smem:$0x3FB0] =	sst s0  }
0x18: {  	s0 =	sld [smem:$0x3F93];
	_ =	swait.ge [sflag:s4], $0x0  }
0x19: {  	s7 =	sld [smem:$0x3F94]  }
0x1a: {  	s8 =	sadd.s32 $0xFFFFE003, lr  }
0x1b: {  	s9 =	sadd.s32 $0xFFFFFEF7, lr;
	s5 =	simm.s32 $0xFFFFFFFF;
	p2 =	slt.u32 s8, $0xFFFFF086  }
0x1c: {  	p1 =	slt.u32 s9, $0xF7A;
	s5 =	simm.s32 @!p2 $0x0  }
0x1d: {  	s5 =	simm.s32 @p1 $0x1;
	p0 =	seq.s32 s7, s2  }
0x1e: {  	s7 =	smul.u32 @!p0 $0xF7A, s2;
	p2 =	seq.s32 @!p0 s5, $0x0  }
0x1f: {  	s9 =	smul.u32 $0xF7A, s1;
	s8 =	simm.s32 @!p0 $0x1BF5;
	p2 =	por !p2, p0  }
0x20: {  	[sflag:s8] =	ssyncset.s32 @!p0 $0xFFFFF086;
	s6 =	sadd.s32 @!p0 s3, s7;
	s7 =	simm.s32 @!p0 $0x108  }
0x21: {  	s3 =	sadd.s32 s3, s9;
	s6 =	sadd.s32 @!p0 $0x88, s6;
	s7 =	simm.s32 @p2 $0x1082  }
0x22: {  	[simem:s7], [sflag:s8] =	dma.local @!p0 [hbm:s6], $0xF7A  }
0x23: {  	s9 =	sor.u32 $0xD0000000, s2;
	s6 =	simm.s32 $0x108;
	_ =	swait.ge @!p0 [sflag:s8], $0x0  }
0x24: {  	s3 =	sadd.s32 $0x88, s3;
	s6 =	simm.s32 @!p1 $0x1082;
	[sflag:s4] =	ssyncset.s32 $0xFFFFF086  }
0x25: {  	[simem:s6], [sflag:s4] =	dma.local [hbm:s3], $0xF7A  }
0x26: {  	[smem:$0x3F94] =	sst s1;
	(tag) =	ssettag s2;
	_ =	strace s9  }
0x27: {  	s1 =	sld [smem:$0x3FA4]  }
0x28: {  	s2 =	sld [smem:$0x3FA5]  }
0x29: {  	s4 =	sld [smem:$0x3FA7]  }
0x2a: {  	p0 =	seq.s32 s5, $0x0;
	s5 =	sld [smem:$0x3FA8]  }
0x2b: {  	s6 =	sld [smem:$0x3FA9]  }
0x2c: {  	s7 =	sld [smem:$0x3FAA]  }
0x2d: {  	s3 =	simm.s32 $0x108;
	s8 =	sld [smem:$0x3FAB]  }
0x2e: {  	s3 =	simm.s32 @!p0 $0x1082;
	s9 =	sld [smem:$0x3FAC]  }
0x2f: {  	lr =	sadd.s32 s0, s3;
	s0 =	sld [smem:$0x3FA3]  }
0x30: {  	s3 =	sld [smem:$0x3FA6]  }
0x31: {  	[smem:$0x3FAF] =	sst s10  }
0x32: {  	s10 =	sld [smem:$0x3FAD];
	_ =	sdelay $0x3  }
0x33: {  	p0 =	seq.s32 s10, $0x1;
	s10 =	sld [smem:$0x3FAF];
	_ =	sdelay $0x3  }
0x34: {  	[smem:$0x3FAF] =	sst s10  }
0x35: {  	s10 =	sld [smem:$0x3FAE];
	_ =	sdelay $0x3  }
0x36: {  	p1 =	seq.s32 s10, $0x1;
	s10 =	sld [smem:$0x3FAF];
	_ =	sdelay $0x3  }
0x37: {  	[smem:$0x3FAF] =	sst s10  }
0x38: {  	s10 =	sld [smem:$0x3FB0]  }
0x39: {  	_ = 	snop;
	(pc) =	sbr.ind lr, $3  }
0x3a: {  	_ = 	snop  }
0x3b: {  	_ = 	snop  }
0x3c: {  	p2 =	seq.s32 s10, $0x1;
	s10 =	sld [smem:$0x3FAF]  }
0x3d: {  	_ =	shalt  }
0x3e: {  	_ =	shalt  }
0x3f: {  	_ =	shalt  }
0x40: {  	_ =	shalt  }
0x41: {  	_ =	shalt  }
0x42: {  	_ =	shalt  }
0x43: {  	_ =	shalt  }
0x44: {  	_ =	shalt  }
0x45: {  	_ =	shalt  }
0x46: {  	_ =	shalt  }
0x47: {  	_ =	shalt  }
0x48: {  	_ =	shalt  }
0x49: {  	_ =	shalt  }
0x4a: {  	_ =	shalt  }
0x4b: {  	_ =	shalt  }
0x4c: {  	_ =	shalt  }
0x4d: {  	_ =	shalt  }
0x4e: {  	_ =	shalt  }
0x4f: {  	_ =	shalt  }
0x50: {  	_ =	shalt  }
0x51: {  	_ =	shalt  }
0x52: {  	_ =	shalt  }
0x53: {  	_ =	shalt  }
0x54: {  	_ =	shalt  }
0x55: {  	_ =	shalt  }
0x56: {  	_ =	shalt  }
0x57: {  	_ =	shalt  }
0x58: {  	_ =	shalt  }
0x59: {  	_ =	shalt  }
0x5a: {  	_ =	shalt  }
0x5b: {  	_ =	shalt  }
0x5c: {  	_ =	shalt  }
0x5d: {  	_ =	shalt  }
0x5e: {  	_ =	shalt  }
0x5f: {  	_ =	shalt  }
0x60: {  	_ =	shalt  }
0x61: {  	_ =	shalt  }
0x62: {  	_ =	shalt  }
0x63: {  	_ =	shalt  }
0x64: {  	_ =	shalt  }
0x65: {  	_ =	shalt  }
0x66: {  	_ =	shalt  }
0x67: {  	_ =	shalt  }
0x68: {  	_ =	shalt  }
0x69: {  	_ =	shalt  }
0x6a: {  	_ =	shalt  }
0x6b: {  	_ =	shalt  }
0x6c: {  	_ =	shalt  }
0x6d: {  	_ =	shalt  }
0x6e: {  	_ =	shalt  }
0x6f: {  	_ =	shalt  }
0x70: {  	_ =	shalt  }
0x71: {  	_ =	shalt  }
0x72: {  	_ =	shalt  }
0x73: {  	_ =	shalt  }
0x74: {  	_ =	shalt  }
0x75: {  	_ =	shalt  }
0x76: {  	_ =	shalt  }
0x77: {  	_ =	shalt  }
0x78: {  	_ =	shalt  }
0x79: {  	_ =	shalt  }
0x7a: {  	_ =	shalt  }
0x7b: {  	_ =	shalt  }
0x7c: {  	_ =	shalt  }
0x7d: {  	_ =	shalt  }
0x7e: {  	_ =	shalt  }
0x7f: {  	_ =	shalt  }
0x80: {  	_ =	shalt  }
0x81: {  	_ =	shalt  }
0x82: {  	_ =	shalt  }
0x83: {  	_ =	shalt  }
0x84: {  	_ =	shalt  }
0x85: {  	_ =	shalt  }
0x86: {  	_ =	shalt  }
0x87: {  	_ =	shalt  }
.Lfunc_end0:
.L_simem_size_0:
called_computation.1_lowered:
.L_overlay_start_0:
0x88: {  	s2 =	sld [smem:$0x3FD9]  }
0x89: {  	s3 =	sld [smem:$0x3FFE];
	_ =	sdelay $0x1  }
0x8a: {  	s1 =	srdreg.scid  }
0x8b: {  	s0 =	sand.u32 $0x1, s1  }
0x8c: {  	s16 =	sshll.u32 s0, $0xA;
	s2 =	sadd.s32 s3, s2  }
0x8d: {  	s2 =	sadd.s32 s2, s16  }
0x8e: {  	[smem:$0x3FBB] =	sst s2  }
0x8f: {  	_ = 	snop  }
0x90: {  	(tm) =	ssettm $0x1  }
0x91: {  	s17 =	sld [smem:$0x3FFB];
	_ =	sdelay $0x3  }
0x92: {  	_ =	strace s17  }
0x93: {  	s2 =	sld [smem:$0x3FFC];
	_ =	sdelay $0x3  }
0x94: {  	_ =	strace s2  }
0x95: {  	s2 =	sld [smem:$0x3FFD];
	_ =	sdelay $0x3  }
0x96: {  	_ =	strace s2  }
0x97: {  	_ =	strace $0x8FFFFFFF  }
0x98: {  	s18 =	sld [smem:$0x3FDB];
	_ =	sdelay $0x1  }
0x99: {  	s19 =	simm.s32 $_scs_section_size  }
0x9a: {  	s4 =	simm.s32 $_size__tile_overlayer_lowered;
	s5 =	simm.s32 $_tile_overlayer_lowered  }
0x9b: {  	s22 =	simm.s32 $0x1BFF;
	s21 =	sshll.u32 s5, $0x1;
	s2 =	sadd.s32 s19, s18  }
0x9c: {  	s6 =	simm.s32 $0x0;
	s20 =	sshll.u32 s4, $0x1;
	s4 =	sadd.s32 s21, s2  }
0x9d: {  	[timem:s6], [sflag:s22] =	dma.local [hbm:s4], s20  }
0x9e: {  	_ =	swait.ge [sflag:s22], s20  }
0x9f: {  	s3 =	ssub.s32 $0x0, s20;
	[sflag:s22] =	ssyncset.done $0x0  }
0xa0: {  	[sflag:s22] =	ssyncadd.s32 s3;
	_ =	sdelay $0x1  }
0xa1: {  	s23 =	simm.s32 $0x1B8B  }
0xa2: {  	_ =	swait.ge [sflag:s23], $0x1  }
0xa3: {  	[sflag:s23] =	ssyncset.done $0x0  }
0xa4: {  	s25 =	simm.s32 $0x1B8E;
	s24 =	sld [smem:$0x3FFE];
	[sflag:s23] =	ssyncadd.s32 $0xFFFFFFFF  }
0xa5: {  	s26 =	simm.s32 $execute0_lowered;
	[smem:$0x3FD2] =	sst s25  }
0xa6: {  	s4 =	sshll.u32 s26, $0x1;
	_ =	strace $0x80000049;
	[dreg:$0x1] =	wrdreg $0xFFFFFFFF  }
0xa7: {  	s28 =	simm.s32 $_size_execute0_lowered;
	s2 =	sadd.s32 s2, s4;
	[dreg:$0x0] =	wrdreg $0x0  }
0xa8: {  	s4 =	sshll.u32 s28, $0x1;
	[dreg:$0x2] =	wrdreg s2  }
0xa9: {  	[dreg:$0x3] =	wrdreg s4  }
0xaa: {  	[dreg:$0x4] =	wrdreg $0xC0  }
0xab: {  	_ =	task [dreg:s6], $0x5FFFF  }
0xac: {  	[dreg:$0x1] =	wrdreg $0xFFFFFFFF  }
0xad: {  	[dreg:$0x0] =	wrdreg $0x60  }
0xae: {  	[dreg:$0x2] =	wrdreg s24  }
0xaf: {  	[dreg:$0x3] =	wrdreg $0x11000  }
0xb0: {  	[dreg:$0x4] =	wrdreg $0x9  }
0xb1: {  	_ =	task.clear_ibuf [dreg:s6], $0x5FFFF;
	_ =	strace $0x90000049  }
0xb2: {  	s29 =	simm.s32 $0x9;
	_ =	strace $0x8000004B  }
0xb3: {  	_ =	swait.ge [sflag:s29], $0x1  }
0xb4: {  	[sflag:s29] =	ssyncadd.s32 $0xFFFFFFFF  }
0xb5: {  	_ =	strace $0x9000004B  }
0xb6: {  	_ =	sfence  }
0xb7: {  	s30 =	sld [smem:$0x0];
	_ =	sdelay $0x2  }
0xb8: {  	s31 =	sshll.u32 s1, $0xD;
	s1 =	sshrl.u32 s1, $0x2  }
0xb9: {  	s3 =	sand.u32 $0x4000, s31;
	s1 =	sadd.s32 s1, s30  }
0xba: {  	s0 =	sor.u32 s3, s0;
	s1 =	sshll.u32 s1, $0x11  }
0xbb: {  	s0 =	sor.u32 s1, s0  }
0xbc: {  	s0 =	sadd.s32 $0x8F2B, s0  }
0xbd: {  	[sflag:s0] =	ssyncadd.remote.s32 $0x1  }
0xbe: {  	_ =	sfence.sel $0xFFFF  }
0xbf: {  	[dreg:$0x0] =	wrdreg $0xFFFFFFFF;
	(pc) =	sbr.abs _section_cstart, $3  }
0xc0: {  	[dreg:$0x1] =	wrdreg $0xFFFFFFFF  }
0xc1: {  	_ =	task.clear_ibuf [dreg:s6], $0x2FFFF;
	_ =	strace $0x9FFFFFFF  }
0xc2: {  	(tm) =	ssettm $0x7FFFFFFF  }
0xc3: {  	_ =	shalt  }
tec
execute0_lowered:
.L_overlay_start_1:
0x0: {  	(tag) =	ssettag $0x1  }
0x1: {  	s0 =	rddreg [dreg:$0x0]  }
0x2: {  	s1 =	rddreg [dreg:$0x1]  }
0x3: {  	s2 =	simm.s32 $0x0;
	s6 =	srdreg.scid;
	s3 =	stileid.u32  }
0x4: {  	s28 =	simm.s32 $0x80;
	s29 =	simm.s32 $0x1;
	s30 =	simm.s32 $0x0  }
0x5: {  	[smem:$0x7FF] =	sst s2;
	s4 =	sadd.s32 $0x2000, s0;
	s5 =	sadd.s32 $0x14E400, s0  }
0x6: {  	s24 =	sand.u32 $0x1, s6;
	s6 =	sadd.s32 $0x158200, s0;
	s8 =	smul.u32 $0x14000, s3  }
0x7: {  	s0 =	sadd.s32 $0xBE00, s0;
	s19 =	smul.u32 $0x5000, s3;
	s7 =	ssub.s32 $0x2, s24  }
0x8: {  	s21 =	sshll.u32 s3, $0x1;
	_ =	strace $0x8000004A;
	s9 =	sshrl.u32 s7, $0x1  }
0x9: {  	s20 =	sshrl.u32 s8, $0x2;
	s22 =	sadd.s32 s19, s1;
	s15 =	sadd.s32 $0x1000, s19  }
0xa: {  	s17 =	sadd.s32 $0x2000, s19;
	s25 =	sadd.s32 $0x4000, s19;
	s8 =	sor.u32 s21, s24  }
0xb: {  	s9 =	ssub.s32 s7, s9;
	s7 =	sadd.s32 s20, s1;
	s20 =	smul.u32 $0x50000, s24  }
0xc: {  	[dreg:$0x3] =	wrdreg s22;
	s22 =	sadd.s32 $0x3000, s19;
	s21 =	sadd.s32 s25, s1  }
0xd: {  	s24 =	sshll.u32 s24, $0x7;
	s9 =	smax.u32 s9, $0x1;
	s10 =	sadd.s32 $0x1000, s7  }
0xe: {  	s11 =	sadd.s32 $0x2000, s7;
	s12 =	sadd.s32 $0x3000, s7;
	s13 =	sadd.s32 $0x4000, s7  }
0xf: {  	s14 =	sadd.s32 s20, s19;
	s16 =	sadd.s32 s20, s15;
	s15 =	sadd.s32 s15, s1  }
0x10: {  	s18 =	sadd.s32 s20, s17;
	s17 =	sadd.s32 s17, s1;
	s23 =	sadd.s32 s20, s22  }
0x11: {  	s19 =	sadd.s32 s22, s1;
	s26 =	sadd.s32 s20, s25;
	s25 =	simm.s32 $0x100  }
0x12: {  	s14 =	sshrl.u32 s14, $0x3;
	s16 =	sshrl.u32 s16, $0x3;
	s18 =	sshrl.u32 s18, $0x3  }
0x13: {  	s23 =	sshrl.u32 s23, $0x3;
	s31 =	sshrl.u32 s26, $0x3;
	s26 =	ssub.s32 $0x9E3, s8  }
0x14: {  	s14 =	sadd.s32 s0, s14;
	s16 =	sadd.s32 s0, s16;
	s18 =	sadd.s32 s0, s18  }
0x15: {  	s20 =	sadd.s32 s0, s23;
	s22 =	sadd.s32 s0, s31;
	s31 =	sshll.u32 s3, $0x8  }
0x16: {  	v0 =	vimm.f32 $0.0e+00;
	s23 =	sshrl.u32 s26, $0x5;
	s26 =	simm.s32 $0x2;
	s0 =	sor.u32 s24, s31  }
.LBB2_1:
0x17: {  	s24 =	simm.s32 $0x80;
	s31 =	simm.s32 $0x0  }
.LBB2_2:
0x18: {  	p0 =	sne.s32 s24, $0x3F80;
	[tilespmem:s31+$0x100] =	vst v0;
	s3 =	smov.u32 s24;
	s24 =	sadd.s32 $0x80, s24  }
.Ltmp0:
0x19: {  	[tilespmem:s31+$0x110] =	vst v0;
	(pc) =	sbr.rel @p0 .LBB2_2-.Ltmp0, $2  }
0x1a: {  	_ =	sdelay $0x2  }
0x1b: {  	s31 =	sshra.s32 s3, $0x2  }
0x1c: {  	[tilespmem:s31+$0x100] =	vst v0  }
0x1d: {  	[tilespmem:s31+$0x110] =	vst v0  }
0x1e: {  	[spmem:s7] =	stream.linear.scatter [tilespmem:s25], [sflag:$0x2], $0x1000, $0x38;
	[tilespmem:$0x6100] =	vst v63  }
0x1f: {  	_ =	swait.ge [sflag:s26], $0x1000  }
0x20: {  	[sflag:s26] =	ssyncset.done $0x0  }
0x21: {  	[sflag:s26] =	ssyncadd.s32 $0xFFFFF000  }
0x22: {  	[spmem:s10] =	stream.linear.scatter [tilespmem:s25], [sflag:$0x2], $0x1000, $0x38;
	[tilespmem:$0x6100] =	vst v63  }
0x23: {  	_ =	swait.ge [sflag:s26], $0x1000  }
0x24: {  	[sflag:s26] =	ssyncset.done $0x0  }
0x25: {  	[sflag:s26] =	ssyncadd.s32 $0xFFFFF000  }
0x26: {  	[spmem:s11] =	stream.linear.scatter [tilespmem:s25], [sflag:$0x2], $0x1000, $0x38;
	[tilespmem:$0x6100] =	vst v63  }
0x27: {  	_ =	swait.ge [sflag:s26], $0x1000  }
0x28: {  	[sflag:s26] =	ssyncset.done $0x0  }
0x29: {  	[sflag:s26] =	ssyncadd.s32 $0xFFFFF000  }
0x2a: {  	[spmem:s12] =	stream.linear.scatter [tilespmem:s25], [sflag:$0x2], $0x1000, $0x38;
	[tilespmem:$0x6100] =	vst v63  }
0x2b: {  	_ =	swait.ge [sflag:s26], $0x1000  }
0x2c: {  	[sflag:s26] =	ssyncset.done $0x0  }
0x2d: {  	[sflag:s26] =	ssyncadd.s32 $0xFFFFF000  }
0x2e: {  	[spmem:s13] =	stream.linear.scatter [tilespmem:s25], [sflag:$0x2], $0x1000, $0x38;
	[tilespmem:$0x6100] =	vst v63  }
0x2f: {  	_ =	swait.ge [sflag:s26], $0x1000  }
0x30: {  	[sflag:s26] =	ssyncset.done $0x0  }
0x31: {  	s3 =	sshrl.u32 s0, $0x3;
	[sflag:s26] =	ssyncadd.s32 $0xFFFFF000  }
0x32: {  	s24 =	sadd.s32 s5, s3;
	[bflag:$0x0] =	sbarrier.arrive $0xFFFF  }
0x33: {  	[tilespmem:s2], [sflag:$0x2] =	stream.linear.gather [hbm4b:s24+s2], $0x80, $0x38;
	[tilespmem:$0x6100] =	vst v63  }
0x34: {  	_ =	swait.ge [sflag:s26], $0x80  }
0x35: {  	[sflag:s26] =	ssyncset.done $0x0  }
0x36: {  	s3 =	sadd.s32 s6, s3;
	[sflag:s26] =	ssyncadd.s32 $0xFFFFFF80  }
0x37: {  	[tilespmem:s28], [sflag:$0x2] =	stream.linear.gather [hbm4b:s3+s2], $0x80, $0x38;
	[tilespmem:$0x6100] =	vst v63  }
0x38: {  	_ =	swait.ge [sflag:s26], $0x80  }
0x39: {  	[sflag:s26] =	ssyncset.done $0x0  }
0x3a: {  	[sflag:s26] =	ssyncadd.s32 $0xFFFFFF80  }
0x3b: {  	v1 =	vld [tilespmem:$0xE0]  }
0x3c: {  	v3 =	vld [tilespmem:$0xD0]  }
0x3d: {  	v7 =	vld [tilespmem:$0xB0]  }
0x3e: {  	v4 =	vld [tilespmem:$0xA0]  }
0x3f: {  	v6 =	vld [tilespmem:$0x30]  }
0x40: {  	v2 =	vld [tilespmem:$0x50]  }
0x41: {  	v12 =	vld [tilespmem:$0x20]  }
0x42: {  	p0 =	sne.s32 s23, $0x1;
	v11 =	vld [tilespmem:$0xC0]  }
.Ltmp1:
0x43: {  	v5 =	vld [tilespmem:$0x0];
	(pc) =	sbr.rel @!p0 .LBB2_5-.Ltmp1, $4  }
0x44: {  	v9 =	vld [tilespmem:$0x40]  }
0x45: {  	v10 =	vld [tilespmem:$0x80]  }
0x46: {  	v8 =	vld [tilespmem:$0x60];
	vm0 =	veq.s32 v12, v4  }
0x47: {  	s31 =	sadd.s32 $0xFFFFFFFF, s23;
	s24 =	smov.u32 s0;
	v4 =	vld [tilespmem:$0x90];
	v12 =	vsel vm0, $0x2710, v12  }
.LBB2_4:
0x48: {  	p0 =	sne.s32 s31, $0x1;
	s31 =	sadd.s32 $0xFFFFFFFF, s31;
	v13 =	vld [tilespmem:$0xF0];
	s24 =	sadd.s32 $0x1000, s24  }
0x49: {  	vm0 =	veq.s32 v6, v7;
	[tilespmem:$0x20] =	vst v12;
	vm1 =	veq.s32 v9, v11;
	v7 =	vld [tilespmem:$0x70]  }
0x4a: {  	v6 =	vsel vm0, $0x2710, v6;
	vm0 =	veq.s32 v2, v3;
	vm2 =	veq.s32 v5, v10;
	v10 =	vld [tilespmem:$0x10]  }
0x4b: {  	v3 =	vsel vm2, $0x2710, v5;
	[tilespmem:$0x30] =	vst v6;
	v5 =	vsel vm1, $0x2710, v9;
	vm1 =	veq.s32 v8, v1  }
0x4c: {  	v1 =	vsel vm0, $0x2710, v2;
	[tilespmem:$0x40] =	vst v5;
	v2 =	vsel vm1, $0x2710, v8  }
0x4d: {  	[tilespmem:$0x50] =	vst v1  }
0x4e: {  	[tilespmem:$0x60] =	vst v2;
	vm0 =	veq.s32 v7, v13  }
0x4f: {  	[tilespmem:$0x0] =	vst v3;
	vm1 =	veq.s32 v10, v4;
	v1 =	vsel vm0, $0x2710, v7  }
0x50: {  	v2 =	vsel vm1, $0x2710, v10;
	[tilespmem:$0x70] =	vst v1  }
0x51: {  	[tilespmem:$0x10] =	vst v2  }
0x52: {  	[tilespmem:s25], [sflag:$0x1] =	stream.indirect.gather [hbm4b:s4+s28], $0x20, s2, s28, $0xb8;
	[tilespmem:$0x6100] =	vst v63  }
0x53: {  	_ =	swait.ge [sflag:s29], $0x1000  }
0x54: {  	[sflag:s29] =	ssyncset.done $0x0  }
0x55: {  	s3 =	sshrl.u32 s24, $0x3;
	[sflag:s29] =	ssyncadd.s32 $0xFFFFF000  }
0x56: {  	[spmem:s1] =	stream.indirect.scatter.add.f32 [tilespmem:s25], [sflag:$0x2], $0x20, s28, s28, $0xb8;
	[tilespmem:$0x6100] =	vst v63  }
0x57: {  	s8 =	sadd.s32 s5, s3;
	_ =	swait.ge [sflag:s26], $0x1000  }
0x58: {  	[sflag:s26] =	ssyncset.done $0x0  }
0x59: {  	[sflag:s26] =	ssyncadd.s32 $0xFFFFF000  }
0x5a: {  	[tilespmem:s2], [sflag:$0x2] =	stream.linear.gather [hbm4b:s8+s2], $0x80, $0x38;
	[tilespmem:$0x6100] =	vst v63  }
0x5b: {  	s3 =	sadd.s32 s6, s3;
	_ =	swait.ge [sflag:s26], $0x80  }
0x5c: {  	[sflag:s26] =	ssyncset.done $0x0  }
0x5d: {  	[sflag:s26] =	ssyncadd.s32 $0xFFFFFF80  }
0x5e: {  	[tilespmem:s28], [sflag:$0x2] =	stream.linear.gather [hbm4b:s3+s2], $0x80, $0x38;
	[tilespmem:$0x6100] =	vst v63  }
0x5f: {  	_ =	swait.ge [sflag:s26], $0x80  }
0x60: {  	[sflag:s26] =	ssyncset.done $0x0  }
0x61: {  	[sflag:s26] =	ssyncadd.s32 $0xFFFFFF80  }
0x62: {  	v1 =	vld [tilespmem:$0xE0]  }
0x63: {  	v3 =	vld [tilespmem:$0xD0]  }
0x64: {  	v7 =	vld [tilespmem:$0xB0]  }
0x65: {  	v4 =	vld [tilespmem:$0xA0]  }
0x66: {  	v6 =	vld [tilespmem:$0x30]  }
0x67: {  	v2 =	vld [tilespmem:$0x50]  }
0x68: {  	v12 =	vld [tilespmem:$0x20]  }
0x69: {  	v11 =	vld [tilespmem:$0xC0]  }
.Ltmp2:
0x6a: {  	v5 =	vld [tilespmem:$0x0];
	(pc) =	sbr.rel @p0 .LBB2_4-.Ltmp2, $4  }
0x6b: {  	v9 =	vld [tilespmem:$0x40]  }
0x6c: {  	v10 =	vld [tilespmem:$0x80]  }
0x6d: {  	vm0 =	veq.s32 v12, v4;
	v8 =	vld [tilespmem:$0x60]  }
0x6e: {  	v4 =	vld [tilespmem:$0x90];
	v12 =	vsel vm0, $0x2710, v12  }
.LBB2_5:
0x6f: {  	v13 =	vld [tilespmem:$0xF0]  }
0x70: {  	vm0 =	veq.s32 v6, v7;
	v62 =	vld [tilespmem:$0x70]  }
0x71: {  	[tilespmem:$0x20] =	vst v12;
	v63 =	vld [tilespmem:$0x10];
	vm1 =	veq.s32 v9, v11;
	v6 =	vsel vm0, $0x2710, v6  }
0x72: {  	vm11 =	veq.s32 v2, v3;
	[tilespmem:$0x30] =	vst v6;
	v3 =	vsel vm1, $0x2710, v9  }
0x73: {  	vm12 =	veq.s32 v8, v1;
	[tilespmem:$0x40] =	vst v3;
	v1 =	vsel vm11, $0x2710, v2  }
0x74: {  	vm13 =	veq.s32 v5, v10;
	v2 =	vsel vm12, $0x2710, v8;
	[tilespmem:$0x50] =	vst v1  }
0x75: {  	v1 =	vsel vm13, $0x2710, v5;
	[tilespmem:$0x60] =	vst v2;
	vm14 =	veq.s32 v62, v13  }
0x76: {  	[tilespmem:$0x0] =	vst v1;
	vm15 =	veq.s32 v63, v4;
	v1 =	vsel vm14, $0x2710, v62  }
0x77: {  	v2 =	vsel vm15, $0x2710, v63;
	[tilespmem:$0x70] =	vst v1  }
0x78: {  	[tilespmem:$0x10] =	vst v2  }
0x79: {  	[tilespmem:s25], [sflag:$0x1] =	stream.indirect.gather [hbm4b:s4+s28], $0x20, s2, s28, $0xb8;
	[tilespmem:$0x6100] =	vst v63  }
0x7a: {  	_ =	swait.ge [sflag:s29], $0x1000  }
0x7b: {  	[sflag:s29] =	ssyncset.done $0x0  }
0x7c: {  	[sflag:s29] =	ssyncadd.s32 $0xFFFFF000  }
0x7d: {  	[spmem:s1] =	stream.indirect.scatter.add.f32 [tilespmem:s25], [sflag:$0x2], $0x20, s28, s28, $0xb8;
	[tilespmem:$0x6100] =	vst v63  }
0x7e: {  	_ =	swait.ge [sflag:s26], $0x1000  }
0x7f: {  	[sflag:s26] =	ssyncset.done $0x0  }
0x80: {  	[sflag:s26] =	ssyncadd.s32 $0xFFFFF000  }
0x81: {  	[bflag:$0x0] =	sbarrier.arrive $0xFFFF  }
0x82: {  	s3 =	rddreg [dreg:$0x3]  }
0x83: {  	[tilespmem:s25], [sflag:$0x2] =	stream.linear.gather [spmem:s3], $0x1000, $0x38;
	[tilespmem:$0x6100] =	vst v63  }
0x84: {  	_ =	swait.ge [sflag:s26], $0x1000  }
0x85: {  	[sflag:s26] =	ssyncset.done $0x0  }
0x86: {  	[sflag:s26] =	ssyncadd.s32 $0xFFFFF000  }
0x87: {  	[hbm4b:s14+s2] =	stream.linear.scatter [tilespmem:s25], [sflag:$0x2], $0x1000, $0x38;
	[tilespmem:$0x6100] =	vst v63  }
0x88: {  	_ =	swait.ge [sflag:s26], $0x1000  }
0x89: {  	[sflag:s26] =	ssyncset.done $0x0  }
0x8a: {  	[sflag:s26] =	ssyncadd.s32 $0xFFFFF000  }
0x8b: {  	[tilespmem:s25], [sflag:$0x2] =	stream.linear.gather [spmem:s15], $0x1000, $0x38;
	[tilespmem:$0x6100] =	vst v63  }
0x8c: {  	_ =	swait.ge [sflag:s26], $0x1000  }
0x8d: {  	[sflag:s26] =	ssyncset.done $0x0  }
0x8e: {  	[sflag:s26] =	ssyncadd.s32 $0xFFFFF000  }
0x8f: {  	[hbm4b:s16+s2] =	stream.linear.scatter [tilespmem:s25], [sflag:$0x2], $0x1000, $0x38;
	[tilespmem:$0x6100] =	vst v63  }
0x90: {  	_ =	swait.ge [sflag:s26], $0x1000  }
0x91: {  	[sflag:s26] =	ssyncset.done $0x0  }
0x92: {  	[sflag:s26] =	ssyncadd.s32 $0xFFFFF000  }
0x93: {  	[tilespmem:s25], [sflag:$0x2] =	stream.linear.gather [spmem:s17], $0x1000, $0x38;
	[tilespmem:$0x6100] =	vst v63  }
0x94: {  	_ =	swait.ge [sflag:s26], $0x1000  }
0x95: {  	[sflag:s26] =	ssyncset.done $0x0  }
0x96: {  	[sflag:s26] =	ssyncadd.s32 $0xFFFFF000  }
0x97: {  	[hbm4b:s18+s2] =	stream.linear.scatter [tilespmem:s25], [sflag:$0x2], $0x1000, $0x38;
	[tilespmem:$0x6100] =	vst v63  }
0x98: {  	_ =	swait.ge [sflag:s26], $0x1000  }
0x99: {  	[sflag:s26] =	ssyncset.done $0x0  }
0x9a: {  	[sflag:s26] =	ssyncadd.s32 $0xFFFFF000  }
0x9b: {  	[tilespmem:s25], [sflag:$0x2] =	stream.linear.gather [spmem:s19], $0x1000, $0x38;
	[tilespmem:$0x6100] =	vst v63  }
0x9c: {  	_ =	swait.ge [sflag:s26], $0x1000  }
0x9d: {  	[sflag:s26] =	ssyncset.done $0x0  }
0x9e: {  	[sflag:s26] =	ssyncadd.s32 $0xFFFFF000  }
0x9f: {  	[hbm4b:s20+s2] =	stream.linear.scatter [tilespmem:s25], [sflag:$0x2], $0x1000, $0x38;
	[tilespmem:$0x6100] =	vst v63  }
0xa0: {  	_ =	swait.ge [sflag:s26], $0x1000  }
0xa1: {  	[sflag:s26] =	ssyncset.done $0x0  }
0xa2: {  	[sflag:s26] =	ssyncadd.s32 $0xFFFFF000  }
0xa3: {  	[tilespmem:s25], [sflag:$0x2] =	stream.linear.gather [spmem:s21], $0x1000, $0x38;
	[tilespmem:$0x6100] =	vst v63  }
0xa4: {  	s30 =	sadd.s32 $0x1, s30;
	_ =	swait.ge [sflag:s26], $0x1000  }
0xa5: {  	p0 =	sne.s32 s30, s9;
	[sflag:s26] =	ssyncset.done $0x0  }
.Ltmp3:
0xa6: {  	[sflag:s26] =	ssyncadd.s32 $0xFFFFF000;
	(pc) =	sbr.rel @p0 .LBB2_1-.Ltmp3, $4  }
0xa7: {  	[hbm4b:s22+s2] =	stream.linear.scatter [tilespmem:s25], [sflag:$0x2], $0x1000, $0x38;
	[tilespmem:$0x6100] =	vst v63  }
0xa8: {  	_ =	swait.ge [sflag:s26], $0x1000  }
0xa9: {  	[sflag:s26] =	ssyncset.done $0x0  }
0xaa: {  	[sflag:s26] =	ssyncadd.s32 $0xFFFFF000  }
0xab: {  	_ =	sfence.sel $0x180000  }
0xac: {  	[bflag:$0x0] =	sbarrier.arrive $0xFFFF  }
0xad: {  	_ =	strace $0x9000004A  }
0xae: {  	s0 =	stileid.u32;
	[bflag:$0x2] =	sbarrier.arrive $0xFFFF  }
0xaf: {  	p0 =	sne.s32 s0, $0x0;
	s0 =	rddreg [dreg:$0x2]  }
0xb0: {  	s0 =	sadd.s32 @!p0 $0x100000, s0  }
0xb1: {  	[sflag:s0] =	ssyncadd.tile.s32 @!p0 $0x1;
	_ =	shalt  }
.Lfunc_end2:
_tile_overlayer_lowered:
.L_overlay_start_2:
0xb2: {  	(tag) =	ssettag $0x2  }
0xb3: {  	s0 =	rddreg [dreg:$0x0];
	s2 =	stileid.u32  }
0xb4: {  	s1 =	rddreg [dreg:$0x1];
	p0 =	sne.s32 s2, $0x0  }
0xb5: {  	s3 =	rddreg [dreg:$0x2];
	[bflag:$0x3] =	sbarrier.arrive $0xFFFF;
	s2 =	simm.s32 @!p0 $0x1C02  }
0xb6: {  	[timem:s3], [sflag:s2] =	dma.local @!p0 [hbm:s0], s1  }
0xb7: {  	s0 =	simm.s32 @!p0 $0x2  }
0xb8: {  	_ =	swait.ge @!p0 [sflag:s0], s1  }
0xb9: {  	s1 =	ssub.s32 @!p0 $0x0, s1;
	[sflag:s0] =	ssyncset.done @!p0 $0x0  }
0xba: {  	[sflag:s0] =	ssyncadd.s32 @!p0 s1  }
0xbb: {  	[bflag:$0x3] =	sbarrier.arrive $0xFFFF  }
0xbc: {  	_ =	shalt  }

// kernel: kernel.16.cloned.1.call-start
scs
__scs_entry_jumppad:
0x0: {  	(pc) =	sbr.rel $0x88, $3  }
0x1: {  	(tag) =	ssettag $0x0;
	lr =	simm.s32 $0x1  }
0x2: {  	[smem:$0x3F94] =	sst lr;
	_ =	strace $0xD0000000  }
0x3: {  	_ = 	snop  }
0x4: {  	_ = 	snop  }
0x5: {  	_ = 	snop  }
0x6: {  	_ = 	snop  }
0x7: {  	_ = 	snop  }
__scs_overlays_trampoline_lowered:
0x8: {  	[smem:$0x3FA3] =	sst s0  }
0x9: {  	[smem:$0x3FA4] =	sst s1  }
0xa: {  	[smem:$0x3FA5] =	sst s2  }
0xb: {  	[smem:$0x3FA6] =	sst s3  }
0xc: {  	[smem:$0x3FA7] =	sst s4  }
0xd: {  	[smem:$0x3FA8] =	sst s5  }
0xe: {  	[smem:$0x3FA9] =	sst s6  }
0xf: {  	[smem:$0x3FAA] =	sst s7  }
0x10: {  	[smem:$0x3FAB] =	sst s8  }
0x11: {  	[smem:$0x3FAC] =	sst s9;
	s0 =	simm.s32 @!p0 $0x0  }
0x12: {  	s1 =	sld [smem:$0x3F92];
	s0 =	simm.s32 @p0 $0x1  }
0x13: {  	[smem:$0x3FAD] =	sst s0;
	s0 =	simm.s32 @!p1 $0x0  }
0x14: {  	s2 =	sld [smem:$0x3F91];
	s0 =	simm.s32 @p1 $0x1  }
0x15: {  	[smem:$0x3FAE] =	sst s0;
	s0 =	simm.s32 @!p2 $0x0  }
0x16: {  	s3 =	sld [smem:$0x3FDB];
	s0 =	simm.s32 @p2 $0x1  }
0x17: {  	s4 =	simm.s32 $0x1BF5;
	[smem:$0x3FB0] =	sst s0  }
0x18: {  	s0 =	sld [smem:$0x3F93];
	_ =	swait.ge [sflag:s4], $0x0  }
0x19: {  	s7 =	sld [smem:$0x3F94]  }
0x1a: {  	s8 =	sadd.s32 $0xFFFFE003, lr  }
0x1b: {  	s9 =	sadd.s32 $0xFFFFFEF7, lr;
	s5 =	simm.s32 $0xFFFFFFFF;
	p2 =	slt.u32 s8, $0xFFFFF086  }
0x1c: {  	p1 =	slt.u32 s9, $0xF7A;
	s5 =	simm.s32 @!p2 $0x0  }
0x1d: {  	s5 =	simm.s32 @p1 $0x1;
	p0 =	seq.s32 s7, s2  }
0x1e: {  	s7 =	smul.u32 @!p0 $0xF7A, s2;
	p2 =	seq.s32 @!p0 s5, $0x0  }
0x1f: {  	s9 =	smul.u32 $0xF7A, s1;
	s8 =	simm.s32 @!p0 $0x1BF5;
	p2 =	por !p2, p0  }
0x20: {  	[sflag:s8] =	ssyncset.s32 @!p0 $0xFFFFF086;
	s6 =	sadd.s32 @!p0 s3, s7;
	s7 =	simm.s32 @!p0 $0x108  }
0x21: {  	s3 =	sadd.s32 s3, s9;
	s6 =	sadd.s32 @!p0 $0x88, s6;
	s7 =	simm.s32 @p2 $0x1082  }
0x22: {  	[simem:s7], [sflag:s8] =	dma.local @!p0 [hbm:s6], $0xF7A  }
0x23: {  	s9 =	sor.u32 $0xD0000000, s2;
	s6 =	simm.s32 $0x108;
	_ =	swait.ge @!p0 [sflag:s8], $0x0  }
0x24: {  	s3 =	sadd.s32 $0x88, s3;
	s6 =	simm.s32 @!p1 $0x1082;
	[sflag:s4] =	ssyncset.s32 $0xFFFFF086  }
0x25: {  	[simem:s6], [sflag:s4] =	dma.local [hbm:s3], $0xF7A  }
0x26: {  	[smem:$0x3F94] =	sst s1;
	(tag) =	ssettag s2;
	_ =	strace s9  }
0x27: {  	s1 =	sld [smem:$0x3FA4]  }
0x28: {  	s2 =	sld [smem:$0x3FA5]  }
0x29: {  	s4 =	sld [smem:$0x3FA7]  }
0x2a: {  	p0 =	seq.s32 s5, $0x0;
	s5 =	sld [smem:$0x3FA8]  }
0x2b: {  	s6 =	sld [smem:$0x3FA9]  }
0x2c: {  	s7 =	sld [smem:$0x3FAA]  }
0x2d: {  	s3 =	simm.s32 $0x108;
	s8 =	sld [smem:$0x3FAB]  }
0x2e: {  	s3 =	simm.s32 @!p0 $0x1082;
	s9 =	sld [smem:$0x3FAC]  }
0x2f: {  	lr =	sadd.s32 s0, s3;
	s0 =	sld [smem:$0x3FA3]  }
0x30: {  	s3 =	sld [smem:$0x3FA6]  }
0x31: {  	[smem:$0x3FAF] =	sst s10  }
0x32: {  	s10 =	sld [smem:$0x3FAD];
	_ =	sdelay $0x3  }
0x33: {  	p0 =	seq.s32 s10, $0x1;
	s10 =	sld [smem:$0x3FAF];
	_ =	sdelay $0x3  }
0x34: {  	[smem:$0x3FAF] =	sst s10  }
0x35: {  	s10 =	sld [smem:$0x3FAE];
	_ =	sdelay $0x3  }
0x36: {  	p1 =	seq.s32 s10, $0x1;
	s10 =	sld [smem:$0x3FAF];
	_ =	sdelay $0x3  }
0x37: {  	[smem:$0x3FAF] =	sst s10  }
0x38: {  	s10 =	sld [smem:$0x3FB0]  }
0x39: {  	_ = 	snop;
	(pc) =	sbr.ind lr, $3  }
0x3a: {  	_ = 	snop  }
0x3b: {  	_ = 	snop  }
0x3c: {  	p2 =	seq.s32 s10, $0x1;
	s10 =	sld [smem:$0x3FAF]  }
0x3d: {  	_ =	shalt  }
0x3e: {  	_ =	shalt  }
0x3f: {  	_ =	shalt  }
0x40: {  	_ =	shalt  }
0x41: {  	_ =	shalt  }
0x42: {  	_ =	shalt  }
0x43: {  	_ =	shalt  }
0x44: {  	_ =	shalt  }
0x45: {  	_ =	shalt  }
0x46: {  	_ =	shalt  }
0x47: {  	_ =	shalt  }
0x48: {  	_ =	shalt  }
0x49: {  	_ =	shalt  }
0x4a: {  	_ =	shalt  }
0x4b: {  	_ =	shalt  }
0x4c: {  	_ =	shalt  }
0x4d: {  	_ =	shalt  }
0x4e: {  	_ =	shalt  }
0x4f: {  	_ =	shalt  }
0x50: {  	_ =	shalt  }
0x51: {  	_ =	shalt  }
0x52: {  	_ =	shalt  }
0x53: {  	_ =	shalt  }
0x54: {  	_ =	shalt  }
0x55: {  	_ =	shalt  }
0x56: {  	_ =	shalt  }
0x57: {  	_ =	shalt  }
0x58: {  	_ =	shalt  }
0x59: {  	_ =	shalt  }
0x5a: {  	_ =	shalt  }
0x5b: {  	_ =	shalt  }
0x5c: {  	_ =	shalt  }
0x5d: {  	_ =	shalt  }
0x5e: {  	_ =	shalt  }
0x5f: {  	_ =	shalt  }
0x60: {  	_ =	shalt  }
0x61: {  	_ =	shalt  }
0x62: {  	_ =	shalt  }
0x63: {  	_ =	shalt  }
0x64: {  	_ =	shalt  }
0x65: {  	_ =	shalt  }
0x66: {  	_ =	shalt  }
0x67: {  	_ =	shalt  }
0x68: {  	_ =	shalt  }
0x69: {  	_ =	shalt  }
0x6a: {  	_ =	shalt  }
0x6b: {  	_ =	shalt  }
0x6c: {  	_ =	shalt  }
0x6d: {  	_ =	shalt  }
0x6e: {  	_ =	shalt  }
0x6f: {  	_ =	shalt  }
0x70: {  	_ =	shalt  }
0x71: {  	_ =	shalt  }
0x72: {  	_ =	shalt  }
0x73: {  	_ =	shalt  }
0x74: {  	_ =	shalt  }
0x75: {  	_ =	shalt  }
0x76: {  	_ =	shalt  }
0x77: {  	_ =	shalt  }
0x78: {  	_ =	shalt  }
0x79: {  	_ =	shalt  }
0x7a: {  	_ =	shalt  }
0x7b: {  	_ =	shalt  }
0x7c: {  	_ =	shalt  }
0x7d: {  	_ =	shalt  }
0x7e: {  	_ =	shalt  }
0x7f: {  	_ =	shalt  }
0x80: {  	_ =	shalt  }
0x81: {  	_ =	shalt  }
0x82: {  	_ =	shalt  }
0x83: {  	_ =	shalt  }
0x84: {  	_ =	shalt  }
0x85: {  	_ =	shalt  }
0x86: {  	_ =	shalt  }
0x87: {  	_ =	shalt  }
.Lfunc_end0:
.L_simem_size_0:
called_computation.2_lowered:
.L_overlay_start_0:
0x88: {  	s2 =	sld [smem:$0x3FD9]  }
0x89: {  	s3 =	sld [smem:$0x3FFE];
	_ =	sdelay $0x1  }
0x8a: {  	s1 =	srdreg.scid  }
0x8b: {  	s0 =	sand.u32 $0x1, s1  }
0x8c: {  	s16 =	sshll.u32 s0, $0xA;
	s2 =	sadd.s32 s3, s2  }
0x8d: {  	s2 =	sadd.s32 s2, s16  }
0x8e: {  	[smem:$0x3FBB] =	sst s2  }
0x8f: {  	_ = 	snop  }
0x90: {  	(tm) =	ssettm $0x1  }
0x91: {  	s17 =	sld [smem:$0x3FFB];
	_ =	sdelay $0x3  }
0x92: {  	_ =	strace s17  }
0x93: {  	s2 =	sld [smem:$0x3FFC];
	_ =	sdelay $0x3  }
0x94: {  	_ =	strace s2  }
0x95: {  	s2 =	sld [smem:$0x3FFD];
	_ =	sdelay $0x3  }
0x96: {  	_ =	strace s2  }
0x97: {  	_ =	strace $0x8FFFFFFF  }
0x98: {  	s18 =	sld [smem:$0x3FDB];
	_ =	sdelay $0x1  }
0x99: {  	s19 =	simm.s32 $_scs_section_size  }
0x9a: {  	s4 =	simm.s32 $_size__tile_overlayer_lowered;
	s5 =	simm.s32 $_tile_overlayer_lowered  }
0x9b: {  	s22 =	simm.s32 $0x1BFF;
	s21 =	sshll.u32 s5, $0x1;
	s2 =	sadd.s32 s19, s18  }
0x9c: {  	s6 =	simm.s32 $0x0;
	s20 =	sshll.u32 s4, $0x1;
	s4 =	sadd.s32 s21, s2  }
0x9d: {  	[timem:s6], [sflag:s22] =	dma.local [hbm:s4], s20  }
0x9e: {  	_ =	swait.ge [sflag:s22], s20  }
0x9f: {  	s3 =	ssub.s32 $0x0, s20;
	[sflag:s22] =	ssyncset.done $0x0  }
0xa0: {  	[sflag:s22] =	ssyncadd.s32 s3;
	_ =	sdelay $0x1  }
0xa1: {  	s23 =	simm.s32 $0x1B8B  }
0xa2: {  	_ =	swait.ge [sflag:s23], $0x1  }
0xa3: {  	[sflag:s23] =	ssyncset.done $0x0  }
0xa4: {  	s25 =	simm.s32 $0x1B8E;
	s24 =	sld [smem:$0x3FFE];
	[sflag:s23] =	ssyncadd.s32 $0xFFFFFFFF  }
0xa5: {  	s26 =	simm.s32 $execute0_lowered;
	[smem:$0x3FD2] =	sst s25  }
0xa6: {  	s4 =	sshll.u32 s26, $0x1;
	_ =	strace $0x8000004C;
	[dreg:$0x1] =	wrdreg $0xFFFFFFFF  }
0xa7: {  	s28 =	simm.s32 $_size_execute0_lowered;
	s2 =	sadd.s32 s2, s4;
	[dreg:$0x0] =	wrdreg $0x0  }
0xa8: {  	s4 =	sshll.u32 s28, $0x1;
	[dreg:$0x2] =	wrdreg s2  }
0xa9: {  	[dreg:$0x3] =	wrdreg s4  }
0xaa: {  	[dreg:$0x4] =	wrdreg $0xC0  }
0xab: {  	_ =	task [dreg:s6], $0x5FFFF  }
0xac: {  	[dreg:$0x1] =	wrdreg $0xFFFFFFFF  }
0xad: {  	[dreg:$0x0] =	wrdreg $0x60  }
0xae: {  	[dreg:$0x2] =	wrdreg s24  }
0xaf: {  	[dreg:$0x3] =	wrdreg $0x41000  }
0xb0: {  	[dreg:$0x4] =	wrdreg $0x9  }
0xb1: {  	_ =	task.clear_ibuf [dreg:s6], $0x5FFFF;
	_ =	strace $0x9000004C  }
0xb2: {  	s29 =	simm.s32 $0x9;
	_ =	strace $0x8000004E  }
0xb3: {  	_ =	swait.ge [sflag:s29], $0x1  }
0xb4: {  	[sflag:s29] =	ssyncadd.s32 $0xFFFFFFFF  }
0xb5: {  	_ =	strace $0x9000004E  }
0xb6: {  	_ =	sfence  }
0xb7: {  	s30 =	sld [smem:$0x0];
	_ =	sdelay $0x2  }
0xb8: {  	s31 =	sshll.u32 s1, $0xD;
	s1 =	sshrl.u32 s1, $0x2  }
0xb9: {  	s3 =	sand.u32 $0x4000, s31;
	s1 =	sadd.s32 s1, s30  }
0xba: {  	s0 =	sor.u32 s3, s0;
	s1 =	sshll.u32 s1, $0x11  }
0xbb: {  	s0 =	sor.u32 s1, s0  }
0xbc: {  	s0 =	sadd.s32 $0x8F2B, s0  }
0xbd: {  	[sflag:s0] =	ssyncadd.remote.s32 $0x1  }
0xbe: {  	_ =	sfence.sel $0xFFFF  }
0xbf: {  	[dreg:$0x0] =	wrdreg $0xFFFFFFFF;
	(pc) =	sbr.abs _section_cstart, $3  }
0xc0: {  	[dreg:$0x1] =	wrdreg $0xFFFFFFFF  }
0xc1: {  	_ =	task.clear_ibuf [dreg:s6], $0x2FFFF;
	_ =	strace $0x9FFFFFFF  }
0xc2: {  	(tm) =	ssettm $0x7FFFFFFF  }
0xc3: {  	_ =	shalt  }
tec
execute0_lowered:
.L_overlay_start_1:
0x0: {  	(tag) =	ssettag $0x1  }
0x1: {  	s0 =	rddreg [dreg:$0x0]  }
0x2: {  	s1 =	rddreg [dreg:$0x1]  }
0x3: {  	s2 =	simm.s32 $0x0;
	s6 =	srdreg.scid;
	s3 =	stileid.u32  }
0x4: {  	s28 =	simm.s32 $0x80;
	s29 =	simm.s32 $0x1;
	s30 =	simm.s32 $0x0  }
0x5: {  	[smem:$0x7FF] =	sst s2;
	s4 =	sadd.s32 $0x2000, s0;
	s5 =	sadd.s32 $0x14E400, s0  }
0x6: {  	s24 =	sand.u32 $0x1, s6;
	s6 =	sadd.s32 $0x158200, s0;
	s8 =	smul.u32 $0x50000, s3  }
0x7: {  	s0 =	sadd.s32 $0x29200, s0;
	s19 =	smul.u32 $0x14000, s3;
	s7 =	ssub.s32 $0x2, s24  }
0x8: {  	s21 =	sshll.u32 s3, $0x1;
	_ =	strace $0x8000004D;
	s9 =	sshrl.u32 s7, $0x1  }
0x9: {  	s20 =	sshrl.u32 s8, $0x2;
	s22 =	sadd.s32 s19, s1;
	s15 =	sadd.s32 $0x4000, s19  }
0xa: {  	s17 =	sadd.s32 $0x8000, s19;
	s25 =	sadd.s32 $0x10000, s19;
	s8 =	sor.u32 s21, s24  }
0xb: {  	s9 =	ssub.s32 s7, s9;
	s7 =	sadd.s32 s20, s1;
	s20 =	smul.u32 $0x140000, s24  }
0xc: {  	[dreg:$0x3] =	wrdreg s22;
	s22 =	sadd.s32 $0xC000, s19;
	s21 =	sadd.s32 s25, s1  }
0xd: {  	s24 =	sshll.u32 s24, $0x7;
	s9 =	smax.u32 s9, $0x1;
	s10 =	sadd.s32 $0x4000, s7  }
0xe: {  	s11 =	sadd.s32 $0x8000, s7;
	s12 =	sadd.s32 $0xC000, s7;
	s13 =	sadd.s32 $0x10000, s7  }
0xf: {  	s14 =	sadd.s32 s20, s19;
	s16 =	sadd.s32 s20, s15;
	s15 =	sadd.s32 s15, s1  }
0x10: {  	s18 =	sadd.s32 s20, s17;
	s17 =	sadd.s32 s17, s1;
	s23 =	sadd.s32 s20, s22  }
0x11: {  	s19 =	sadd.s32 s22, s1;
	s26 =	sadd.s32 s20, s25;
	s25 =	simm.s32 $0x100  }
0x12: {  	s14 =	sshrl.u32 s14, $0x3;
	s16 =	sshrl.u32 s16, $0x3;
	s18 =	sshrl.u32 s18, $0x3  }
0x13: {  	s23 =	sshrl.u32 s23, $0x3;
	s31 =	sshrl.u32 s26, $0x3;
	s26 =	ssub.s32 $0x9E3, s8  }
0x14: {  	s14 =	sadd.s32 s0, s14;
	s16 =	sadd.s32 s0, s16;
	s18 =	sadd.s32 s0, s18  }
0x15: {  	s20 =	sadd.s32 s0, s23;
	s22 =	sadd.s32 s0, s31;
	s31 =	sshll.u32 s3, $0x8  }
0x16: {  	v0 =	vimm.f32 $0.0e+00;
	s23 =	sshrl.u32 s26, $0x5;
	s26 =	simm.s32 $0x2;
	s0 =	sor.u32 s24, s31  }
.LBB2_1:
0x17: {  	s24 =	simm.s32 $0x0;
	s31 =	simm.s32 $0x200  }
.LBB2_2:
0x18: {  	p0 =	sne.s32 s31, $0xFE00;
	[tilespmem:s24+$0x170] =	vst v0  }
0x19: {  	[tilespmem:s24+$0x100] =	vst v0  }
0x1a: {  	[tilespmem:s24+$0x110] =	vst v0  }
.Ltmp0:
0x1b: {  	[tilespmem:s24+$0x120] =	vst v0;
	(pc) =	sbr.rel @p0 .LBB2_2-.Ltmp0, $4  }
0x1c: {  	[tilespmem:s24+$0x130] =	vst v0  }
0x1d: {  	[tilespmem:s24+$0x140] =	vst v0  }
0x1e: {  	[tilespmem:s24+$0x150] =	vst v0  }
0x1f: {  	[tilespmem:s24+$0x160] =	vst v0;
	s24 =	sshra.s32 s31, $0x2;
	s31 =	sadd.s32 $0x200, s31  }
0x20: {  	[tilespmem:s24+$0x170] =	vst v0  }
0x21: {  	[tilespmem:s24+$0x100] =	vst v0  }
0x22: {  	[tilespmem:s24+$0x110] =	vst v0  }
0x23: {  	[tilespmem:s24+$0x120] =	vst v0  }
0x24: {  	[tilespmem:s24+$0x130] =	vst v0  }
0x25: {  	[tilespmem:s24+$0x140] =	vst v0  }
0x26: {  	[tilespmem:s24+$0x150] =	vst v0  }
0x27: {  	[tilespmem:s24+$0x160] =	vst v0  }
0x28: {  	[spmem:s7] =	stream.linear.scatter [tilespmem:s25], [sflag:$0x2], $0x4000, $0x38;
	[tilespmem:$0x18100] =	vst v63  }
0x29: {  	_ =	swait.ge [sflag:s26], $0x4000  }
0x2a: {  	[sflag:s26] =	ssyncset.done $0x0  }
0x2b: {  	[sflag:s26] =	ssyncadd.s32 $0xFFFFC000  }
0x2c: {  	[spmem:s10] =	stream.linear.scatter [tilespmem:s25], [sflag:$0x2], $0x4000, $0x38;
	[tilespmem:$0x18100] =	vst v63  }
0x2d: {  	_ =	swait.ge [sflag:s26], $0x4000  }
0x2e: {  	[sflag:s26] =	ssyncset.done $0x0  }
0x2f: {  	[sflag:s26] =	ssyncadd.s32 $0xFFFFC000  }
0x30: {  	[spmem:s11] =	stream.linear.scatter [tilespmem:s25], [sflag:$0x2], $0x4000, $0x38;
	[tilespmem:$0x18100] =	vst v63  }
0x31: {  	_ =	swait.ge [sflag:s26], $0x4000  }
0x32: {  	[sflag:s26] =	ssyncset.done $0x0  }
0x33: {  	[sflag:s26] =	ssyncadd.s32 $0xFFFFC000  }
0x34: {  	[spmem:s12] =	stream.linear.scatter [tilespmem:s25], [sflag:$0x2], $0x4000, $0x38;
	[tilespmem:$0x18100] =	vst v63  }
0x35: {  	_ =	swait.ge [sflag:s26], $0x4000  }
0x36: {  	[sflag:s26] =	ssyncset.done $0x0  }
0x37: {  	[sflag:s26] =	ssyncadd.s32 $0xFFFFC000  }
0x38: {  	[spmem:s13] =	stream.linear.scatter [tilespmem:s25], [sflag:$0x2], $0x4000, $0x38;
	[tilespmem:$0x18100] =	vst v63  }
0x39: {  	_ =	swait.ge [sflag:s26], $0x4000  }
0x3a: {  	[sflag:s26] =	ssyncset.done $0x0  }
0x3b: {  	s8 =	sshrl.u32 s0, $0x3;
	[sflag:s26] =	ssyncadd.s32 $0xFFFFC000  }
0x3c: {  	s31 =	sadd.s32 s5, s8;
	[bflag:$0x0] =	sbarrier.arrive $0xFFFF  }
0x3d: {  	[tilespmem:s2], [sflag:$0x2] =	stream.linear.gather [hbm4b:s31+s2], $0x80, $0x38;
	[tilespmem:$0x18100] =	vst v63  }
0x3e: {  	_ =	swait.ge [sflag:s26], $0x80  }
0x3f: {  	[sflag:s26] =	ssyncset.done $0x0  }
0x40: {  	s24 =	sadd.s32 s6, s8;
	[sflag:s26] =	ssyncadd.s32 $0xFFFFFF80  }
0x41: {  	[tilespmem:s28], [sflag:$0x2] =	stream.linear.gather [hbm4b:s24+s2], $0x80, $0x38;
	[tilespmem:$0x18100] =	vst v63  }
0x42: {  	_ =	swait.ge [sflag:s26], $0x80  }
0x43: {  	[sflag:s26] =	ssyncset.done $0x0  }
0x44: {  	[sflag:s26] =	ssyncadd.s32 $0xFFFFFF80  }
0x45: {  	v1 =	vld [tilespmem:$0xE0]  }
0x46: {  	v3 =	vld [tilespmem:$0xD0]  }
0x47: {  	v7 =	vld [tilespmem:$0xB0]  }
0x48: {  	v4 =	vld [tilespmem:$0xA0]  }
0x49: {  	v6 =	vld [tilespmem:$0x30]  }
0x4a: {  	v2 =	vld [tilespmem:$0x50]  }
0x4b: {  	v12 =	vld [tilespmem:$0x20]  }
0x4c: {  	p0 =	sne.s32 s23, $0x1;
	v11 =	vld [tilespmem:$0xC0]  }
.Ltmp1:
0x4d: {  	v5 =	vld [tilespmem:$0x0];
	(pc) =	sbr.rel @!p0 .LBB2_5-.Ltmp1, $4  }
0x4e: {  	v9 =	vld [tilespmem:$0x40]  }
0x4f: {  	v10 =	vld [tilespmem:$0x80]  }
0x50: {  	v8 =	vld [tilespmem:$0x60];
	vm0 =	veq.s32 v12, v4  }
0x51: {  	s31 =	sadd.s32 $0xFFFFFFFF, s23;
	s24 =	smov.u32 s0;
	v4 =	vld [tilespmem:$0x90];
	v12 =	vsel vm0, $0x2710, v12  }
.LBB2_4:
0x52: {  	p0 =	sne.s32 s31, $0x1;
	s31 =	sadd.s32 $0xFFFFFFFF, s31;
	v13 =	vld [tilespmem:$0xF0];
	s24 =	sadd.s32 $0x1000, s24  }
0x53: {  	vm0 =	veq.s32 v6, v7;
	[tilespmem:$0x20] =	vst v12;
	vm1 =	veq.s32 v9, v11;
	v7 =	vld [tilespmem:$0x70]  }
0x54: {  	v6 =	vsel vm0, $0x2710, v6;
	vm0 =	veq.s32 v2, v3;
	vm2 =	veq.s32 v5, v10;
	v10 =	vld [tilespmem:$0x10]  }
0x55: {  	v3 =	vsel vm2, $0x2710, v5;
	[tilespmem:$0x30] =	vst v6;
	v5 =	vsel vm1, $0x2710, v9;
	vm1 =	veq.s32 v8, v1  }
0x56: {  	v1 =	vsel vm0, $0x2710, v2;
	[tilespmem:$0x40] =	vst v5;
	v2 =	vsel vm1, $0x2710, v8  }
0x57: {  	[tilespmem:$0x50] =	vst v1  }
0x58: {  	[tilespmem:$0x60] =	vst v2;
	vm0 =	veq.s32 v7, v13  }
0x59: {  	[tilespmem:$0x0] =	vst v3;
	vm1 =	veq.s32 v10, v4;
	v1 =	vsel vm0, $0x2710, v7  }
0x5a: {  	v2 =	vsel vm1, $0x2710, v10;
	[tilespmem:$0x70] =	vst v1  }
0x5b: {  	[tilespmem:$0x10] =	vst v2  }
0x5c: {  	[tilespmem:s25], [sflag:$0x1] =	stream.indirect.gather [hbm4b:s4+s28], $0x80, s2, s28, $0xb8;
	[tilespmem:$0x18100] =	vst v63  }
0x5d: {  	_ =	swait.ge [sflag:s29], $0x4000  }
0x5e: {  	[sflag:s29] =	ssyncset.done $0x0  }
0x5f: {  	s3 =	sshrl.u32 s24, $0x3;
	[sflag:s29] =	ssyncadd.s32 $0xFFFFC000  }
0x60: {  	[spmem:s1] =	stream.indirect.scatter.add.f32 [tilespmem:s25], [sflag:$0x2], $0x80, s28, s28, $0xb8;
	[tilespmem:$0x18100] =	vst v63  }
0x61: {  	s8 =	sadd.s32 s5, s3;
	_ =	swait.ge [sflag:s26], $0x4000  }
0x62: {  	[sflag:s26] =	ssyncset.done $0x0  }
0x63: {  	[sflag:s26] =	ssyncadd.s32 $0xFFFFC000  }
0x64: {  	[tilespmem:s2], [sflag:$0x2] =	stream.linear.gather [hbm4b:s8+s2], $0x80, $0x38;
	[tilespmem:$0x18100] =	vst v63  }
0x65: {  	s3 =	sadd.s32 s6, s3;
	_ =	swait.ge [sflag:s26], $0x80  }
0x66: {  	[sflag:s26] =	ssyncset.done $0x0  }
0x67: {  	[sflag:s26] =	ssyncadd.s32 $0xFFFFFF80  }
0x68: {  	[tilespmem:s28], [sflag:$0x2] =	stream.linear.gather [hbm4b:s3+s2], $0x80, $0x38;
	[tilespmem:$0x18100] =	vst v63  }
0x69: {  	_ =	swait.ge [sflag:s26], $0x80  }
0x6a: {  	[sflag:s26] =	ssyncset.done $0x0  }
0x6b: {  	[sflag:s26] =	ssyncadd.s32 $0xFFFFFF80  }
0x6c: {  	v1 =	vld [tilespmem:$0xE0]  }
0x6d: {  	v3 =	vld [tilespmem:$0xD0]  }
0x6e: {  	v7 =	vld [tilespmem:$0xB0]  }
0x6f: {  	v4 =	vld [tilespmem:$0xA0]  }
0x70: {  	v6 =	vld [tilespmem:$0x30]  }
0x71: {  	v2 =	vld [tilespmem:$0x50]  }
0x72: {  	v12 =	vld [tilespmem:$0x20]  }
0x73: {  	v11 =	vld [tilespmem:$0xC0]  }
.Ltmp2:
0x74: {  	v5 =	vld [tilespmem:$0x0];
	(pc) =	sbr.rel @p0 .LBB2_4-.Ltmp2, $4  }
0x75: {  	v9 =	vld [tilespmem:$0x40]  }
0x76: {  	v10 =	vld [tilespmem:$0x80]  }
0x77: {  	vm0 =	veq.s32 v12, v4;
	v8 =	vld [tilespmem:$0x60]  }
0x78: {  	v4 =	vld [tilespmem:$0x90];
	v12 =	vsel vm0, $0x2710, v12  }
.LBB2_5:
0x79: {  	v13 =	vld [tilespmem:$0xF0]  }
0x7a: {  	vm0 =	veq.s32 v6, v7;
	v62 =	vld [tilespmem:$0x70]  }
0x7b: {  	[tilespmem:$0x20] =	vst v12;
	v63 =	vld [tilespmem:$0x10];
	vm1 =	veq.s32 v9, v11;
	v6 =	vsel vm0, $0x2710, v6  }
0x7c: {  	vm11 =	veq.s32 v2, v3;
	[tilespmem:$0x30] =	vst v6;
	v3 =	vsel vm1, $0x2710, v9  }
0x7d: {  	vm12 =	veq.s32 v8, v1;
	[tilespmem:$0x40] =	vst v3;
	v1 =	vsel vm11, $0x2710, v2  }
0x7e: {  	vm13 =	veq.s32 v5, v10;
	v2 =	vsel vm12, $0x2710, v8;
	[tilespmem:$0x50] =	vst v1  }
0x7f: {  	v1 =	vsel vm13, $0x2710, v5;
	[tilespmem:$0x60] =	vst v2;
	vm14 =	veq.s32 v62, v13  }
0x80: {  	[tilespmem:$0x0] =	vst v1;
	vm15 =	veq.s32 v63, v4;
	v1 =	vsel vm14, $0x2710, v62  }
0x81: {  	v2 =	vsel vm15, $0x2710, v63;
	[tilespmem:$0x70] =	vst v1  }
0x82: {  	[tilespmem:$0x10] =	vst v2  }
0x83: {  	[tilespmem:s25], [sflag:$0x1] =	stream.indirect.gather [hbm4b:s4+s28], $0x80, s2, s28, $0xb8;
	[tilespmem:$0x18100] =	vst v63  }
0x84: {  	_ =	swait.ge [sflag:s29], $0x4000  }
0x85: {  	[sflag:s29] =	ssyncset.done $0x0  }
0x86: {  	[sflag:s29] =	ssyncadd.s32 $0xFFFFC000  }
0x87: {  	[spmem:s1] =	stream.indirect.scatter.add.f32 [tilespmem:s25], [sflag:$0x2], $0x80, s28, s28, $0xb8;
	[tilespmem:$0x18100] =	vst v63  }
0x88: {  	_ =	swait.ge [sflag:s26], $0x4000  }
0x89: {  	[sflag:s26] =	ssyncset.done $0x0  }
0x8a: {  	[sflag:s26] =	ssyncadd.s32 $0xFFFFC000  }
0x8b: {  	[bflag:$0x0] =	sbarrier.arrive $0xFFFF  }
0x8c: {  	s3 =	rddreg [dreg:$0x3]  }
0x8d: {  	[tilespmem:s25], [sflag:$0x2] =	stream.linear.gather [spmem:s3], $0x4000, $0x38;
	[tilespmem:$0x18100] =	vst v63  }
0x8e: {  	_ =	swait.ge [sflag:s26], $0x4000  }
0x8f: {  	[sflag:s26] =	ssyncset.done $0x0  }
0x90: {  	[sflag:s26] =	ssyncadd.s32 $0xFFFFC000  }
0x91: {  	[hbm4b:s14+s2] =	stream.linear.scatter [tilespmem:s25], [sflag:$0x2], $0x4000, $0x38;
	[tilespmem:$0x18100] =	vst v63  }
0x92: {  	_ =	swait.ge [sflag:s26], $0x4000  }
0x93: {  	[sflag:s26] =	ssyncset.done $0x0  }
0x94: {  	[sflag:s26] =	ssyncadd.s32 $0xFFFFC000  }
0x95: {  	[tilespmem:s25], [sflag:$0x2] =	stream.linear.gather [spmem:s15], $0x4000, $0x38;
	[tilespmem:$0x18100] =	vst v63  }
0x96: {  	_ =	swait.ge [sflag:s26], $0x4000  }
0x97: {  	[sflag:s26] =	ssyncset.done $0x0  }
0x98: {  	[sflag:s26] =	ssyncadd.s32 $0xFFFFC000  }
0x99: {  	[hbm4b:s16+s2] =	stream.linear.scatter [tilespmem:s25], [sflag:$0x2], $0x4000, $0x38;
	[tilespmem:$0x18100] =	vst v63  }
0x9a: {  	_ =	swait.ge [sflag:s26], $0x4000  }
0x9b: {  	[sflag:s26] =	ssyncset.done $0x0  }
0x9c: {  	[sflag:s26] =	ssyncadd.s32 $0xFFFFC000  }
0x9d: {  	[tilespmem:s25], [sflag:$0x2] =	stream.linear.gather [spmem:s17], $0x4000, $0x38;
	[tilespmem:$0x18100] =	vst v63  }
0x9e: {  	_ =	swait.ge [sflag:s26], $0x4000  }
0x9f: {  	[sflag:s26] =	ssyncset.done $0x0  }
0xa0: {  	[sflag:s26] =	ssyncadd.s32 $0xFFFFC000  }
0xa1: {  	[hbm4b:s18+s2] =	stream.linear.scatter [tilespmem:s25], [sflag:$0x2], $0x4000, $0x38;
	[tilespmem:$0x18100] =	vst v63  }
0xa2: {  	_ =	swait.ge [sflag:s26], $0x4000  }
0xa3: {  	[sflag:s26] =	ssyncset.done $0x0  }
0xa4: {  	[sflag:s26] =	ssyncadd.s32 $0xFFFFC000  }
0xa5: {  	[tilespmem:s25], [sflag:$0x2] =	stream.linear.gather [spmem:s19], $0x4000, $0x38;
	[tilespmem:$0x18100] =	vst v63  }
0xa6: {  	_ =	swait.ge [sflag:s26], $0x4000  }
0xa7: {  	[sflag:s26] =	ssyncset.done $0x0  }
0xa8: {  	[sflag:s26] =	ssyncadd.s32 $0xFFFFC000  }
0xa9: {  	[hbm4b:s20+s2] =	stream.linear.scatter [tilespmem:s25], [sflag:$0x2], $0x4000, $0x38;
	[tilespmem:$0x18100] =	vst v63  }
0xaa: {  	_ =	swait.ge [sflag:s26], $0x4000  }
0xab: {  	[sflag:s26] =	ssyncset.done $0x0  }
0xac: {  	[sflag:s26] =	ssyncadd.s32 $0xFFFFC000  }
0xad: {  	[tilespmem:s25], [sflag:$0x2] =	stream.linear.gather [spmem:s21], $0x4000, $0x38;
	[tilespmem:$0x18100] =	vst v63  }
0xae: {  	s30 =	sadd.s32 $0x1, s30;
	_ =	swait.ge [sflag:s26], $0x4000  }
0xaf: {  	p0 =	sne.s32 s30, s9;
	[sflag:s26] =	ssyncset.done $0x0  }
.Ltmp3:
0xb0: {  	[sflag:s26] =	ssyncadd.s32 $0xFFFFC000;
	(pc) =	sbr.rel @p0 .LBB2_1-.Ltmp3, $4  }
0xb1: {  	[hbm4b:s22+s2] =	stream.linear.scatter [tilespmem:s25], [sflag:$0x2], $0x4000, $0x38;
	[tilespmem:$0x18100] =	vst v63  }
0xb2: {  	_ =	swait.ge [sflag:s26], $0x4000  }
0xb3: {  	[sflag:s26] =	ssyncset.done $0x0  }
0xb4: {  	[sflag:s26] =	ssyncadd.s32 $0xFFFFC000  }
0xb5: {  	_ =	sfence.sel $0x180000  }
0xb6: {  	[bflag:$0x0] =	sbarrier.arrive $0xFFFF  }
0xb7: {  	_ =	strace $0x9000004D  }
0xb8: {  	s0 =	stileid.u32;
	[bflag:$0x2] =	sbarrier.arrive $0xFFFF  }
0xb9: {  	p0 =	sne.s32 s0, $0x0;
	s0 =	rddreg [dreg:$0x2]  }
0xba: {  	s0 =	sadd.s32 @!p0 $0x100000, s0  }
0xbb: {  	[sflag:s0] =	ssyncadd.tile.s32 @!p0 $0x1;
	_ =	shalt  }
.Lfunc_end2:
_tile_overlayer_lowered:
.L_overlay_start_2:
0xbc: {  	(tag) =	ssettag $0x2  }
0xbd: {  	s0 =	rddreg [dreg:$0x0];
	s2 =	stileid.u32  }
0xbe: {  	s1 =	rddreg [dreg:$0x1];
	p0 =	sne.s32 s2, $0x0  }
0xbf: {  	s3 =	rddreg [dreg:$0x2];
	[bflag:$0x3] =	sbarrier.arrive $0xFFFF;
	s2 =	simm.s32 @!p0 $0x1C02  }
0xc0: {  	[timem:s3], [sflag:s2] =	dma.local @!p0 [hbm:s0], s1  }
0xc1: {  	s0 =	simm.s32 @!p0 $0x2  }
0xc2: {  	_ =	swait.ge @!p0 [sflag:s0], s1  }
0xc3: {  	s1 =	ssub.s32 @!p0 $0x0, s1;
	[sflag:s0] =	ssyncset.done @!p0 $0x0  }
0xc4: {  	[sflag:s0] =	ssyncadd.s32 @!p0 s1  }
0xc5: {  	[bflag:$0x3] =	sbarrier.arrive $0xFFFF  }
0xc6: {  	_ =	shalt  }

</sc_bundles>
